<compile_context>
chip_gen: v7x
topology: tpu7x:2x2x1
jax: 0.10.2.dev20260603
libtpu: 0.0.44.dev20260713+nightly
codegen_flags: <defaults>
</compile_context>

<pallas_src>
import functools

import jax
import jax.numpy as jnp
from jax import lax
from jax.experimental import pallas as pl
from jax.experimental.pallas import tpu as pltpu
from jax.experimental.pallas import tpu_sc as plsc

_BK = 256
_LANES = 16


def _dist_body(x_ref, w_ref, bv_ref, bi_ref, *, nb):
    q = x_ref[...]
    w = w_ref[...]
    w2 = jnp.sum(w * w, axis=1)
    dot = jnp.dot(
        w, q.T,
        precision=jax.lax.Precision.HIGHEST,
        preferred_element_type=jnp.float32,
    )
    d2 = w2[:, None] - 2.0 * dot
    mins, args = [], []
    for e in range(nb):
        sub = d2[e * _BK:(e + 1) * _BK, :]
        mins.append(jnp.min(sub, axis=0))
        args.append(jnp.argmin(sub, axis=0).astype(jnp.int32) + e * _BK)
    bv_ref[...] = jnp.stack(mins, axis=0)
    bi_ref[...] = jnp.stack(args, axis=0)


def _merge_kernel(bv_hbm, bi_hbm, o_hbm, v_vmem, i_vmem, o_vmem, sem0, sem1,
                  *, nb, chunk, n_workers, cols):
    wid = lax.axis_index("c") + 2 * lax.axis_index("s")

    @pl.when(wid < n_workers)
    def _():
        base = wid * chunk
        cp0 = pltpu.async_copy(bv_hbm.at[:, pl.ds(base, chunk)], v_vmem, sem0)
        cp1 = pltpu.async_copy(bi_hbm.at[:, pl.ds(base, chunk)], i_vmem, sem1)
        cp0.wait()
        cp1.wait()
        for g in range(0, chunk, _LANES):
            sl = pl.ds(g, _LANES)
            m = v_vmem[0, sl]
            mi = i_vmem[0, sl]
            for e in range(1, nb):
                v = v_vmem[e, sl]
                take = v < m
                m = jnp.where(take, v, m)
                mi = jnp.where(take, i_vmem[e, sl], mi)
            o_vmem[0, sl] = mi // cols
            o_vmem[1, sl] = mi % cols
        pltpu.sync_copy(o_vmem, o_hbm.at[:, pl.ds(base, chunk)])


def kernel(x, weights):
    rows, cols, d = weights.shape
    b = x.shape[0]
    k = rows * cols
    nb = k // _BK
    w = weights.reshape(k, d)
    tb = min(b, 256)
    dist = pl.pallas_call(
        functools.partial(_dist_body, nb=nb),
        grid=(b // tb,),
        in_specs=[
            pl.BlockSpec((tb, d), lambda i: (i, 0)),
            pl.BlockSpec((k, d), lambda i: (0, 0)),
        ],
        out_specs=[
            pl.BlockSpec((nb, tb), lambda i: (0, i)),
            pl.BlockSpec((nb, tb), lambda i: (0, i)),
        ],
        out_shape=[
            jax.ShapeDtypeStruct((nb, b), jnp.float32),
            jax.ShapeDtypeStruct((nb, b), jnp.int32),
        ],
    )(x, w)
    bv, bi = dist

    chunk = 128
    n_workers = b // chunk
    mesh = plsc.VectorSubcoreMesh(core_axis_name="c", subcore_axis_name="s")
    merge = pl.kernel(
        functools.partial(_merge_kernel, nb=nb, chunk=chunk,
                          n_workers=n_workers, cols=cols),
        out_type=jax.ShapeDtypeStruct((2, b), jnp.int32),
        mesh=mesh,
        compiler_params=pltpu.CompilerParams(needs_layout_passes=False),
        scratch_types=[
            pltpu.VMEM((nb, chunk), jnp.float32),
            pltpu.VMEM((nb, chunk), jnp.int32),
            pltpu.VMEM((2, chunk), jnp.int32),
            pltpu.SemaphoreType.DMA,
            pltpu.SemaphoreType.DMA,
        ],
    )
    rc = merge(bv, bi)
    return rc.T

# --- scband reference (transcript-rebuilt; emitter-appended) ---
"""Pipeline reference for scband-som-28784870817792 (READ-ONLY COPY).

The authoritative reference and input builder live on the scoring server;
editing this copy changes nothing except your own understanding.
"""

import jax, jax.numpy as jnp
import numpy as np

ROWS, COLS, D = 64, 64, 128
BATCH = 1024


def _pnorm(a, p=2):
    # p-norm over last axis: (|a|^p).sum(-1)^(1/p)
    return jnp.power(jnp.sum(jnp.power(jnp.abs(a), p), axis=-1), 1.0 / p)


def setup_inputs(seed: int = 0) -> dict:
    key = jax.random.key(seed)
    kx, kw = jax.random.split(key)
    x = jax.random.normal(kx, (BATCH, D), dtype=jnp.float32)
    # learned SOM weight map, shaped per init size=(ROWS, COLS, D)
    weights = jax.random.normal(kw, (ROWS, COLS, D), dtype=jnp.float32)
    return {"x": x, "weights": weights}


def reference(x, weights):
    # Som.forward (eval mode): pdist between each query and every map unit,
    # then argmin -> 2D BMU coordinates.
    w = weights.reshape(-1, x.shape[-1])  # [ROWS*COLS, D]

    def per_query(q):
        # expanded_op with dist_fn=pdist (p=2): pnorm(q - w)
        return _pnorm(q[None, :] - w, p=2)  # [ROWS*COLS]

    # stream over queries to avoid materializing [B, K, D]
    distances = jax.lax.map(per_query, x)  # [B, ROWS*COLS]

    min_idx = jnp.argmin(distances, axis=-1)  # [B]
    bmus = jnp.stack([min_idx // COLS, min_idx % COLS], axis=1)  # [B, 2]
    return bmus

if __name__ == "__main__":
    import jax
    _d = setup_inputs()
    print(jax.jit(kernel)(*tuple(_d.values())))

</pallas_src>

<mosaic_0001>
#map = affine_map<(d0, d1) -> (0, 0)>
module attributes {stable_mosaic.version = 14 : i64} {
  func.func @_merge_kernel(%arg0: i32, %arg1: i32, %arg2: memref<16x1024xf32, #tpu.memory_space<hbm>>, %arg3: memref<16x1024xi32, #tpu.memory_space<hbm>>, %arg4: memref<2x1024xi32, #tpu.memory_space<hbm>>, %arg5: memref<16x128xf32, #tpu.memory_space<vmem>>, %arg6: memref<16x128xi32, #tpu.memory_space<vmem>>, %arg7: memref<2x128xi32, #tpu.memory_space<vmem>>, %arg8: memref<!tpu.dma_semaphore, #tpu.memory_space<semaphore_mem>>, %arg9: memref<!tpu.dma_semaphore, #tpu.memory_space<semaphore_mem>>) attributes {dimension_semantics = [#tpu.dimension_semantics<core_parallel>, #tpu.dimension_semantics<subcore_parallel>], iteration_bounds = array<i64: 2, 16>, scalar_prefetch = 0 : i64, scratch_operands = 5 : i64, tpu.core_type = #tpu.core_type<sc_vector_subcore>, window_params = [{transform_indices = #map}, {transform_indices = #map}, {transform_indices = #map}]} {
    %mul3A = arith.constant 2 : i32
    %mul3A_0 = arith.muli %mul3A, %arg1 : i32
    %add3A = arith.addi %arg0, %mul3A_0 : i32
    %lt3A = arith.constant 8 : i32
    %lt3A_1 = arith.cmpi slt, %add3A, %lt3A : i32
    %convert_element_type3A = arith.extui %lt3A_1 : i1 to i32
    %cond3A = arith.constant 0 : i32
    %cond3A_2 = arith.cmpi ne, %convert_element_type3A, %cond3A : i32
    scf.if %cond3A_2 {
      %mul3A_3 = arith.constant 128 : i32
      %mul3A_4 = arith.muli %add3A, %mul3A_3 : i32
      %dma_start3A = arith.constant 0 : i32
      %dma_start3A_5 = tpu.memref_slice %arg2[%dma_start3A, %mul3A_4] : memref<16x1024xf32, #tpu.memory_space<hbm>> -> memref<16x128xf32, #tpu.memory_space<hbm>>
      %dma_start3A_6 = arith.constant 0 : i32
      %dma_start3A_7 = tpu.memref_slice %arg2[%dma_start3A_6, %mul3A_4] : memref<16x1024xf32, #tpu.memory_space<hbm>> -> memref<16x128xf32, #tpu.memory_space<hbm>>
      tpu.enqueue_dma source(%dma_start3A_7 : memref<16x128xf32, #tpu.memory_space<hbm>>) target(%arg5 : memref<16x128xf32, #tpu.memory_space<vmem>>) target_semaphore(%arg8 : memref<!tpu.dma_semaphore, #tpu.memory_space<semaphore_mem>>)
      %dma_start3A_8 = arith.constant 0 : i32
      %dma_start3A_9 = tpu.memref_slice %arg3[%dma_start3A_8, %mul3A_4] : memref<16x1024xi32, #tpu.memory_space<hbm>> -> memref<16x128xi32, #tpu.memory_space<hbm>>
      %dma_start3A_10 = arith.constant 0 : i32
      %dma_start3A_11 = tpu.memref_slice %arg3[%dma_start3A_10, %mul3A_4] : memref<16x1024xi32, #tpu.memory_space<hbm>> -> memref<16x128xi32, #tpu.memory_space<hbm>>
      tpu.enqueue_dma source(%dma_start3A_11 : memref<16x128xi32, #tpu.memory_space<hbm>>) target(%arg6 : memref<16x128xi32, #tpu.memory_space<vmem>>) target_semaphore(%arg9 : memref<!tpu.dma_semaphore, #tpu.memory_space<semaphore_mem>>)
      %dma_wait3A = arith.constant 0 : i32
      %dma_wait3A_12 = tpu.memref_slice %arg2[%dma_wait3A, %mul3A_4] : memref<16x1024xf32, #tpu.memory_space<hbm>> -> memref<16x128xf32, #tpu.memory_space<hbm>>
      %dma_wait3A_13 = arith.constant 0 : i32
      %dma_wait3A_14 = tpu.memref_slice %arg2[%dma_wait3A_13, %mul3A_4] : memref<16x1024xf32, #tpu.memory_space<hbm>> -> memref<16x128xf32, #tpu.memory_space<hbm>>
      tpu.wait_dma2 semaphore(%arg8 : memref<!tpu.dma_semaphore, #tpu.memory_space<semaphore_mem>>) src(%dma_wait3A_14 : memref<16x128xf32, #tpu.memory_space<hbm>>) dst(%arg5 : memref<16x128xf32, #tpu.memory_space<vmem>>)
      %dma_wait3A_15 = arith.constant 0 : i32
      %dma_wait3A_16 = tpu.memref_slice %arg3[%dma_wait3A_15, %mul3A_4] : memref<16x1024xi32, #tpu.memory_space<hbm>> -> memref<16x128xi32, #tpu.memory_space<hbm>>
      %dma_wait3A_17 = arith.constant 0 : i32
      %dma_wait3A_18 = tpu.memref_slice %arg3[%dma_wait3A_17, %mul3A_4] : memref<16x1024xi32, #tpu.memory_space<hbm>> -> memref<16x128xi32, #tpu.memory_space<hbm>>
      tpu.wait_dma2 semaphore(%arg9 : memref<!tpu.dma_semaphore, #tpu.memory_space<semaphore_mem>>) src(%dma_wait3A_18 : memref<16x128xi32, #tpu.memory_space<hbm>>) dst(%arg6 : memref<16x128xi32, #tpu.memory_space<vmem>>)
      %get3A = arith.constant 0 : i32
      %get3A_19 = arith.index_cast %get3A : i32 to index
      %get3A_20 = arith.constant 0 : index
      %get3A_21 = tpu.vector_load %arg5[%get3A_19, %get3A_20] {strides = array<i32>} : memref<16x128xf32, #tpu.memory_space<vmem>>, vector<16xf32>,
      %get3A_22 = arith.constant 0 : i32
      %get3A_23 = arith.index_cast %get3A_22 : i32 to index
      %get3A_24 = arith.constant 0 : index
      %get3A_25 = tpu.vector_load %arg6[%get3A_23, %get3A_24] {strides = array<i32>} : memref<16x128xi32, #tpu.memory_space<vmem>>, vector<16xi32>,
      %get3A_26 = arith.constant 1 : i32
      %get3A_27 = arith.index_cast %get3A_26 : i32 to index
      %get3A_28 = arith.constant 0 : index
      %get3A_29 = tpu.vector_load %arg5[%get3A_27, %get3A_28] {strides = array<i32>} : memref<16x128xf32, #tpu.memory_space<vmem>>, vector<16xf32>,
      %lt3A_30 = arith.cmpf olt, %get3A_29, %get3A_21 : vector<16xf32>
      %select_n3A = arith.select %lt3A_30, %get3A_29, %get3A_21 : vector<16xi1>, vector<16xf32>
      %get3A_31 = arith.constant 1 : i32
      %get3A_32 = arith.index_cast %get3A_31 : i32 to index
      %get3A_33 = arith.constant 0 : index
      %get3A_34 = tpu.vector_load %arg6[%get3A_32, %get3A_33] {strides = array<i32>} : memref<16x128xi32, #tpu.memory_space<vmem>>, vector<16xi32>,
      %select_n3A_35 = arith.select %lt3A_30, %get3A_34, %get3A_25 : vector<16xi1>, vector<16xi32>
      %get3A_36 = arith.constant 2 : i32
      %get3A_37 = arith.index_cast %get3A_36 : i32 to index
      %get3A_38 = arith.constant 0 : index
      %get3A_39 = tpu.vector_load %arg5[%get3A_37, %get3A_38] {strides = array<i32>} : memref<16x128xf32, #tpu.memory_space<vmem>>, vector<16xf32>,
      %lt3A_40 = arith.cmpf olt, %get3A_39, %select_n3A : vector<16xf32>
      %select_n3A_41 = arith.select %lt3A_40, %get3A_39, %select_n3A : vector<16xi1>, vector<16xf32>
      %get3A_42 = arith.constant 2 : i32
      %get3A_43 = arith.index_cast %get3A_42 : i32 to index
      %get3A_44 = arith.constant 0 : index
      %get3A_45 = tpu.vector_load %arg6[%get3A_43, %get3A_44] {strides = array<i32>} : memref<16x128xi32, #tpu.memory_space<vmem>>, vector<16xi32>,
      %select_n3A_46 = arith.select %lt3A_40, %get3A_45, %select_n3A_35 : vector<16xi1>, vector<16xi32>
      %get3A_47 = arith.constant 3 : i32
      %get3A_48 = arith.index_cast %get3A_47 : i32 to index
      %get3A_49 = arith.constant 0 : index
      %get3A_50 = tpu.vector_load %arg5[%get3A_48, %get3A_49] {strides = array<i32>} : memref<16x128xf32, #tpu.memory_space<vmem>>, vector<16xf32>,
      %lt3A_51 = arith.cmpf olt, %get3A_50, %select_n3A_41 : vector<16xf32>
      %select_n3A_52 = arith.select %lt3A_51, %get3A_50, %select_n3A_41 : vector<16xi1>, vector<16xf32>
      %get3A_53 = arith.constant 3 : i32
      %get3A_54 = arith.index_cast %get3A_53 : i32 to index
      %get3A_55 = arith.constant 0 : index
      %get3A_56 = tpu.vector_load %arg6[%get3A_54, %get3A_55] {strides = array<i32>} : memref<16x128xi32, #tpu.memory_space<vmem>>, vector<16xi32>,
      %select_n3A_57 = arith.select %lt3A_51, %get3A_56, %select_n3A_46 : vector<16xi1>, vector<16xi32>
      %get3A_58 = arith.constant 4 : i32
      %get3A_59 = arith.index_cast %get3A_58 : i32 to index
      %get3A_60 = arith.constant 0 : index
      %get3A_61 = tpu.vector_load %arg5[%get3A_59, %get3A_60] {strides = array<i32>} : memref<16x128xf32, #tpu.memory_space<vmem>>, vector<16xf32>,
      %lt3A_62 = arith.cmpf olt, %get3A_61, %select_n3A_52 : vector<16xf32>
      %select_n3A_63 = arith.select %lt3A_62, %get3A_61, %select_n3A_52 : vector<16xi1>, vector<16xf32>
      %get3A_64 = arith.constant 4 : i32
      %get3A_65 = arith.index_cast %get3A_64 : i32 to index
      %get3A_66 = arith.constant 0 : index
      %get3A_67 = tpu.vector_load %arg6[%get3A_65, %get3A_66] {strides = array<i32>} : memref<16x128xi32, #tpu.memory_space<vmem>>, vector<16xi32>,
      %select_n3A_68 = arith.select %lt3A_62, %get3A_67, %select_n3A_57 : vector<16xi1>, vector<16xi32>
      %get3A_69 = arith.constant 5 : i32
      %get3A_70 = arith.index_cast %get3A_69 : i32 to index
      %get3A_71 = arith.constant 0 : index
      %get3A_72 = tpu.vector_load %arg5[%get3A_70, %get3A_71] {strides = array<i32>} : memref<16x128xf32, #tpu.memory_space<vmem>>, vector<16xf32>,
      %lt3A_73 = arith.cmpf olt, %get3A_72, %select_n3A_63 : vector<16xf32>
      %select_n3A_74 = arith.select %lt3A_73, %get3A_72, %select_n3A_63 : vector<16xi1>, vector<16xf32>
      %get3A_75 = arith.constant 5 : i32
      %get3A_76 = arith.index_cast %get3A_75 : i32 to index
      %get3A_77 = arith.constant 0 : index
      %get3A_78 = tpu.vector_load %arg6[%get3A_76, %get3A_77] {strides = array<i32>} : memref<16x128xi32, #tpu.memory_space<vmem>>, vector<16xi32>,
      %select_n3A_79 = arith.select %lt3A_73, %get3A_78, %select_n3A_68 : vector<16xi1>, vector<16xi32>
      %get3A_80 = arith.constant 6 : i32
      %get3A_81 = arith.index_cast %get3A_80 : i32 to index
      %get3A_82 = arith.constant 0 : index
      %get3A_83 = tpu.vector_load %arg5[%get3A_81, %get3A_82] {strides = array<i32>} : memref<16x128xf32, #tpu.memory_space<vmem>>, vector<16xf32>,
      %lt3A_84 = arith.cmpf olt, %get3A_83, %select_n3A_74 : vector<16xf32>
      %select_n3A_85 = arith.select %lt3A_84, %get3A_83, %select_n3A_74 : vector<16xi1>, vector<16xf32>
      %get3A_86 = arith.constant 6 : i32
      %get3A_87 = arith.index_cast %get3A_86 : i32 to index
      %get3A_88 = arith.constant 0 : index
      %get3A_89 = tpu.vector_load %arg6[%get3A_87, %get3A_88] {strides = array<i32>} : memref<16x128xi32, #tpu.memory_space<vmem>>, vector<16xi32>,
      %select_n3A_90 = arith.select %lt3A_84, %get3A_89, %select_n3A_79 : vector<16xi1>, vector<16xi32>
      %get3A_91 = arith.constant 7 : i32
      %get3A_92 = arith.index_cast %get3A_91 : i32 to index
      %get3A_93 = arith.constant 0 : index
      %get3A_94 = tpu.vector_load %arg5[%get3A_92, %get3A_93] {strides = array<i32>} : memref<16x128xf32, #tpu.memory_space<vmem>>, vector<16xf32>,
      %lt3A_95 = arith.cmpf olt, %get3A_94, %select_n3A_85 : vector<16xf32>
      %select_n3A_96 = arith.select %lt3A_95, %get3A_94, %select_n3A_85 : vector<16xi1>, vector<16xf32>
      %get3A_97 = arith.constant 7 : i32
      %get3A_98 = arith.index_cast %get3A_97 : i32 to index
      %get3A_99 = arith.constant 0 : index
      %get3A_100 = tpu.vector_load %arg6[%get3A_98, %get3A_99] {strides = array<i32>} : memref<16x128xi32, #tpu.memory_space<vmem>>, vector<16xi32>,
      %select_n3A_101 = arith.select %lt3A_95, %get3A_100, %select_n3A_90 : vector<16xi1>, vector<16xi32>
      %get3A_102 = arith.constant 8 : i32
      %get3A_103 = arith.index_cast %get3A_102 : i32 to index
      %get3A_104 = arith.constant 0 : index
      %get3A_105 = tpu.vector_load %arg5[%get3A_103, %get3A_104] {strides = array<i32>} : memref<16x128xf32, #tpu.memory_space<vmem>>, vector<16xf32>,
      %lt3A_106 = arith.cmpf olt, %get3A_105, %select_n3A_96 : vector<16xf32>
      %select_n3A_107 = arith.select %lt3A_106, %get3A_105, %select_n3A_96 : vector<16xi1>, vector<16xf32>
      %get3A_108 = arith.constant 8 : i32
      %get3A_109 = arith.index_cast %get3A_108 : i32 to index
      %get3A_110 = arith.constant 0 : index
      %get3A_111 = tpu.vector_load %arg6[%get3A_109, %get3A_110] {strides = array<i32>} : memref<16x128xi32, #tpu.memory_space<vmem>>, vector<16xi32>,
      %select_n3A_112 = arith.select %lt3A_106, %get3A_111, %select_n3A_101 : vector<16xi1>, vector<16xi32>
      %get3A_113 = arith.constant 9 : i32
      %get3A_114 = arith.index_cast %get3A_113 : i32 to index
      %get3A_115 = arith.constant 0 : index
      %get3A_116 = tpu.vector_load %arg5[%get3A_114, %get3A_115] {strides = array<i32>} : memref<16x128xf32, #tpu.memory_space<vmem>>, vector<16xf32>,
      %lt3A_117 = arith.cmpf olt, %get3A_116, %select_n3A_107 : vector<16xf32>
      %select_n3A_118 = arith.select %lt3A_117, %get3A_116, %select_n3A_107 : vector<16xi1>, vector<16xf32>
      %get3A_119 = arith.constant 9 : i32
      %get3A_120 = arith.index_cast %get3A_119 : i32 to index
      %get3A_121 = arith.constant 0 : index
      %get3A_122 = tpu.vector_load %arg6[%get3A_120, %get3A_121] {strides = array<i32>} : memref<16x128xi32, #tpu.memory_space<vmem>>, vector<16xi32>,
      %select_n3A_123 = arith.select %lt3A_117, %get3A_122, %select_n3A_112 : vector<16xi1>, vector<16xi32>
      %get3A_124 = arith.constant 10 : i32
      %get3A_125 = arith.index_cast %get3A_124 : i32 to index
      %get3A_126 = arith.constant 0 : index
      %get3A_127 = tpu.vector_load %arg5[%get3A_125, %get3A_126] {strides = array<i32>} : memref<16x128xf32, #tpu.memory_space<vmem>>, vector<16xf32>,
      %lt3A_128 = arith.cmpf olt, %get3A_127, %select_n3A_118 : vector<16xf32>
      %select_n3A_129 = arith.select %lt3A_128, %get3A_127, %select_n3A_118 : vector<16xi1>, vector<16xf32>
      %get3A_130 = arith.constant 10 : i32
      %get3A_131 = arith.index_cast %get3A_130 : i32 to index
      %get3A_132 = arith.constant 0 : index
      %get3A_133 = tpu.vector_load %arg6[%get3A_131, %get3A_132] {strides = array<i32>} : memref<16x128xi32, #tpu.memory_space<vmem>>, vector<16xi32>,
      %select_n3A_134 = arith.select %lt3A_128, %get3A_133, %select_n3A_123 : vector<16xi1>, vector<16xi32>
      %get3A_135 = arith.constant 11 : i32
      %get3A_136 = arith.index_cast %get3A_135 : i32 to index
      %get3A_137 = arith.constant 0 : index
      %get3A_138 = tpu.vector_load %arg5[%get3A_136, %get3A_137] {strides = array<i32>} : memref<16x128xf32, #tpu.memory_space<vmem>>, vector<16xf32>,
      %lt3A_139 = arith.cmpf olt, %get3A_138, %select_n3A_129 : vector<16xf32>
      %select_n3A_140 = arith.select %lt3A_139, %get3A_138, %select_n3A_129 : vector<16xi1>, vector<16xf32>
      %get3A_141 = arith.constant 11 : i32
      %get3A_142 = arith.index_cast %get3A_141 : i32 to index
      %get3A_143 = arith.constant 0 : index
      %get3A_144 = tpu.vector_load %arg6[%get3A_142, %get3A_143] {strides = array<i32>} : memref<16x128xi32, #tpu.memory_space<vmem>>, vector<16xi32>,
      %select_n3A_145 = arith.select %lt3A_139, %get3A_144, %select_n3A_134 : vector<16xi1>, vector<16xi32>
      %get3A_146 = arith.constant 12 : i32
      %get3A_147 = arith.index_cast %get3A_146 : i32 to index
      %get3A_148 = arith.constant 0 : index
      %get3A_149 = tpu.vector_load %arg5[%get3A_147, %get3A_148] {strides = array<i32>} : memref<16x128xf32, #tpu.memory_space<vmem>>, vector<16xf32>,
      %lt3A_150 = arith.cmpf olt, %get3A_149, %select_n3A_140 : vector<16xf32>
      %select_n3A_151 = arith.select %lt3A_150, %get3A_149, %select_n3A_140 : vector<16xi1>, vector<16xf32>
      %get3A_152 = arith.constant 12 : i32
      %get3A_153 = arith.index_cast %get3A_152 : i32 to index
      %get3A_154 = arith.constant 0 : index
      %get3A_155 = tpu.vector_load %arg6[%get3A_153, %get3A_154] {strides = array<i32>} : memref<16x128xi32, #tpu.memory_space<vmem>>, vector<16xi32>,
      %select_n3A_156 = arith.select %lt3A_150, %get3A_155, %select_n3A_145 : vector<16xi1>, vector<16xi32>
      %get3A_157 = arith.constant 13 : i32
      %get3A_158 = arith.index_cast %get3A_157 : i32 to index
      %get3A_159 = arith.constant 0 : index
      %get3A_160 = tpu.vector_load %arg5[%get3A_158, %get3A_159] {strides = array<i32>} : memref<16x128xf32, #tpu.memory_space<vmem>>, vector<16xf32>,
      %lt3A_161 = arith.cmpf olt, %get3A_160, %select_n3A_151 : vector<16xf32>
      %select_n3A_162 = arith.select %lt3A_161, %get3A_160, %select_n3A_151 : vector<16xi1>, vector<16xf32>
      %get3A_163 = arith.constant 13 : i32
      %get3A_164 = arith.index_cast %get3A_163 : i32 to index
      %get3A_165 = arith.constant 0 : index
      %get3A_166 = tpu.vector_load %arg6[%get3A_164, %get3A_165] {strides = array<i32>} : memref<16x128xi32, #tpu.memory_space<vmem>>, vector<16xi32>,
      %select_n3A_167 = arith.select %lt3A_161, %get3A_166, %select_n3A_156 : vector<16xi1>, vector<16xi32>
      %get3A_168 = arith.constant 14 : i32
      %get3A_169 = arith.index_cast %get3A_168 : i32 to index
      %get3A_170 = arith.constant 0 : index
      %get3A_171 = tpu.vector_load %arg5[%get3A_169, %get3A_170] {strides = array<i32>} : memref<16x128xf32, #tpu.memory_space<vmem>>, vector<16xf32>,
      %lt3A_172 = arith.cmpf olt, %get3A_171, %select_n3A_162 : vector<16xf32>
      %select_n3A_173 = arith.select %lt3A_172, %get3A_171, %select_n3A_162 : vector<16xi1>, vector<16xf32>
      %get3A_174 = arith.constant 14 : i32
      %get3A_175 = arith.index_cast %get3A_174 : i32 to index
      %get3A_176 = arith.constant 0 : index
      %get3A_177 = tpu.vector_load %arg6[%get3A_175, %get3A_176] {strides = array<i32>} : memref<16x128xi32, #tpu.memory_space<vmem>>, vector<16xi32>,
      %select_n3A_178 = arith.select %lt3A_172, %get3A_177, %select_n3A_167 : vector<16xi1>, vector<16xi32>
      %get3A_179 = arith.constant 15 : i32
      %get3A_180 = arith.index_cast %get3A_179 : i32 to index
      %get3A_181 = arith.constant 0 : index
      %get3A_182 = tpu.vector_load %arg5[%get3A_180, %get3A_181] {strides = array<i32>} : memref<16x128xf32, #tpu.memory_space<vmem>>, vector<16xf32>,
      %lt3A_183 = arith.cmpf olt, %get3A_182, %select_n3A_173 : vector<16xf32>
      %select_n3A_184 = arith.select %lt3A_183, %get3A_182, %select_n3A_173 : vector<16xi1>, vector<16xf32>
      %get3A_185 = arith.constant 15 : i32
      %get3A_186 = arith.index_cast %get3A_185 : i32 to index
      %get3A_187 = arith.constant 0 : index
      %get3A_188 = tpu.vector_load %arg6[%get3A_186, %get3A_187] {strides = array<i32>} : memref<16x128xi32, #tpu.memory_space<vmem>>, vector<16xi32>,
      %select_n3A_189 = arith.select %lt3A_183, %get3A_188, %select_n3A_178 : vector<16xi1>, vector<16xi32>
      %jit3A = arith.constant 64 : i32
      %div3A = vector.broadcast %jit3A : i32 to vector<16xi32>
      %div3A_190 = arith.divsi %select_n3A_189, %div3A : vector<16xi32>
      %sign3A = arith.constant 0 : i32
      %sign3A_191 = vector.broadcast %sign3A : i32 to vector<16xi32>
      %sign3A_192 = arith.cmpi sgt, %select_n3A_189, %sign3A_191 : vector<16xi32>
      %sign3A_193 = arith.extui %sign3A_192 : vector<16xi1> to vector<16xi32>
      %sign3A_194 = arith.constant 0 : i32
      %sign3A_195 = vector.broadcast %sign3A_194 : i32 to vector<16xi32>
      %sign3A_196 = arith.cmpi slt, %select_n3A_189, %sign3A_195 : vector<16xi32>
      %sign3A_197 = arith.extui %sign3A_196 : vector<16xi1> to vector<16xi32>
      %sign3A_198 = arith.subi %sign3A_193, %sign3A_197 : vector<16xi32>
      %sign3A_199 = arith.constant 0 : i32
      %sign3A_200 = arith.cmpi sgt, %jit3A, %sign3A_199 : i32
      %sign3A_201 = arith.extui %sign3A_200 : i1 to i32
      %sign3A_202 = arith.constant 0 : i32
      %sign3A_203 = arith.cmpi slt, %jit3A, %sign3A_202 : i32
      %sign3A_204 = arith.extui %sign3A_203 : i1 to i32
      %sign3A_205 = arith.subi %sign3A_201, %sign3A_204 : i32
      %ne3A = vector.broadcast %sign3A_205 : i32 to vector<16xi32>
      %ne3A_206 = arith.cmpi ne, %sign3A_198, %ne3A : vector<16xi32>
      %rem3A = vector.broadcast %jit3A : i32 to vector<16xi32>
      %rem3A_207 = arith.remsi %select_n3A_189, %rem3A : vector<16xi32>
      %ne3A_208 = arith.constant 0 : i32
      %ne3A_209 = vector.broadcast %ne3A_208 : i32 to vector<16xi32>
      %ne3A_210 = arith.cmpi ne, %rem3A_207, %ne3A_209 : vector<16xi32>
      %and3A = arith.andi %ne3A_206, %ne3A_210 : vector<16xi1>
      %sub3A = arith.constant 1 : i32
      %sub3A_211 = vector.broadcast %sub3A : i32 to vector<16xi32>
      %sub3A_212 = arith.subi %div3A_190, %sub3A_211 : vector<16xi32>
      %select_n3A_213 = arith.select %and3A, %sub3A_212, %div3A_190 : vector<16xi1>, vector<16xi32>
      %swap3A = arith.constant 0 : i32
      %swap3A_214 = arith.index_cast %swap3A : i32 to index
      %swap3A_215 = arith.constant 0 : index
      %swap3A_216 = tpu.vector_load %arg7[%swap3A_214, %swap3A_215] {strides = array<i32>} : memref<2x128xi32, #tpu.memory_space<vmem>>, vector<16xi32>,
      tpu.vector_store %arg7[%swap3A_214, %swap3A_215], %select_n3A_213 {strides = array<i32>} : memref<2x128xi32, #tpu.memory_space<vmem>>, vector<16xi32>,
      %jit3A_217 = arith.constant 64 : i32
      %eq3A = arith.constant 0 : i32
      %eq3A_218 = arith.cmpi eq, %jit3A_217, %eq3A : i32
      %jit3A_219 = arith.constant 1 : i32
      %select_n3A_220 = arith.select %eq3A_218, %jit3A_219, %jit3A_217 : i32
      %rem3A_221 = vector.broadcast %select_n3A_220 : i32 to vector<16xi32>
      %rem3A_222 = arith.remsi %select_n3A_189, %rem3A_221 : vector<16xi32>
      %ne3A_223 = arith.constant 0 : i32
      %ne3A_224 = vector.broadcast %ne3A_223 : i32 to vector<16xi32>
      %ne3A_225 = arith.cmpi ne, %rem3A_222, %ne3A_224 : vector<16xi32>
      %lt3A_226 = arith.constant 0 : i32
      %lt3A_227 = vector.broadcast %lt3A_226 : i32 to vector<16xi32>
      %lt3A_228 = arith.cmpi slt, %rem3A_222, %lt3A_227 : vector<16xi32>
      %lt3A_229 = arith.constant 0 : i32
      %lt3A_230 = arith.cmpi slt, %select_n3A_220, %lt3A_229 : i32
      %ne3A_231 = vector.broadcast %lt3A_230 : i1 to vector<16xi1>
      %ne3A_232 = vector.broadcast %ne3A_231 : vector<16xi1> to vector<16xi1>
      %ne3A_233 = arith.xori %lt3A_228, %ne3A_232 : vector<16xi1>
      %and3A_234 = arith.andi %ne3A_233, %ne3A_225 : vector<16xi1>
      %add3A_235 = vector.broadcast %select_n3A_220 : i32 to vector<16xi32>
      %add3A_236 = arith.addi %rem3A_222, %add3A_235 : vector<16xi32>
      %select_n3A_237 = arith.select %and3A_234, %add3A_236, %rem3A_222 : vector<16xi1>, vector<16xi32>
      %swap3A_238 = arith.constant 1 : i32
      %swap3A_239 = arith.index_cast %swap3A_238 : i32 to index
      %swap3A_240 = arith.constant 0 : index
      %swap3A_241 = tpu.vector_load %arg7[%swap3A_239, %swap3A_240] {strides = array<i32>} : memref<2x128xi32, #tpu.memory_space<vmem>>, vector<16xi32>,
      tpu.vector_store %arg7[%swap3A_239, %swap3A_240], %select_n3A_237 {strides = array<i32>} : memref<2x128xi32, #tpu.memory_space<vmem>>, vector<16xi32>,
      %get3A_242 = arith.constant 0 : i32
      %get3A_243 = arith.index_cast %get3A_242 : i32 to index
      %get3A_244 = arith.constant 16 : index
      %get3A_245 = tpu.vector_load %arg5[%get3A_243, %get3A_244] {strides = array<i32>} : memref<16x128xf32, #tpu.memory_space<vmem>>, vector<16xf32>,
      %get3A_246 = arith.constant 0 : i32
      %get3A_247 = arith.index_cast %get3A_246 : i32 to index
      %get3A_248 = arith.constant 16 : index
      %get3A_249 = tpu.vector_load %arg6[%get3A_247, %get3A_248] {strides = array<i32>} : memref<16x128xi32, #tpu.memory_space<vmem>>, vector<16xi32>,
      %get3A_250 = arith.constant 1 : i32
      %get3A_251 = arith.index_cast %get3A_250 : i32 to index
      %get3A_252 = arith.constant 16 : index
      %get3A_253 = tpu.vector_load %arg5[%get3A_251, %get3A_252] {strides = array<i32>} : memref<16x128xf32, #tpu.memory_space<vmem>>, vector<16xf32>,
      %lt3A_254 = arith.cmpf olt, %get3A_253, %get3A_245 : vector<16xf32>
      %select_n3A_255 = arith.select %lt3A_254, %get3A_253, %get3A_245 : vector<16xi1>, vector<16xf32>
      %get3A_256 = arith.constant 1 : i32
      %get3A_257 = arith.index_cast %get3A_256 : i32 to index
      %get3A_258 = arith.constant 16 : index
      %get3A_259 = tpu.vector_load %arg6[%get3A_257, %get3A_258] {strides = array<i32>} : memref<16x128xi32, #tpu.memory_space<vmem>>, vector<16xi32>,
      %select_n3A_260 = arith.select %lt3A_254, %get3A_259, %get3A_249 : vector<16xi1>, vector<16xi32>
      %get3A_261 = arith.constant 2 : i32
      %get3A_262 = arith.index_cast %get3A_261 : i32 to index
      %get3A_263 = arith.constant 16 : index
      %get3A_264 = tpu.vector_load %arg5[%get3A_262, %get3A_263] {strides = array<i32>} : memref<16x128xf32, #tpu.memory_space<vmem>>, vector<16xf32>,
      %lt3A_265 = arith.cmpf olt, %get3A_264, %select_n3A_255 : vector<16xf32>
      %select_n3A_266 = arith.select %lt3A_265, %get3A_264, %select_n3A_255 : vector<16xi1>, vector<16xf32>
      %get3A_267 = arith.constant 2 : i32
      %get3A_268 = arith.index_cast %get3A_267 : i32 to index
      %get3A_269 = arith.constant 16 : index
      %get3A_270 = tpu.vector_load %arg6[%get3A_268, %get3A_269] {strides = array<i32>} : memref<16x128xi32, #tpu.memory_space<vmem>>, vector<16xi32>,
      %select_n3A_271 = arith.select %lt3A_265, %get3A_270, %select_n3A_260 : vector<16xi1>, vector<16xi32>
      %get3A_272 = arith.constant 3 : i32
      %get3A_273 = arith.index_cast %get3A_272 : i32 to index
      %get3A_274 = arith.constant 16 : index
      %get3A_275 = tpu.vector_load %arg5[%get3A_273, %get3A_274] {strides = array<i32>} : memref<16x128xf32, #tpu.memory_space<vmem>>, vector<16xf32>,
      %lt3A_276 = arith.cmpf olt, %get3A_275, %select_n3A_266 : vector<16xf32>
      %select_n3A_277 = arith.select %lt3A_276, %get3A_275, %select_n3A_266 : vector<16xi1>, vector<16xf32>
      %get3A_278 = arith.constant 3 : i32
      %get3A_279 = arith.index_cast %get3A_278 : i32 to index
      %get3A_280 = arith.constant 16 : index
      %get3A_281 = tpu.vector_load %arg6[%get3A_279, %get3A_280] {strides = array<i32>} : memref<16x128xi32, #tpu.memory_space<vmem>>, vector<16xi32>,
      %select_n3A_282 = arith.select %lt3A_276, %get3A_281, %select_n3A_271 : vector<16xi1>, vector<16xi32>
      %get3A_283 = arith.constant 4 : i32
      %get3A_284 = arith.index_cast %get3A_283 : i32 to index
      %get3A_285 = arith.constant 16 : index
      %get3A_286 = tpu.vector_load %arg5[%get3A_284, %get3A_285] {strides = array<i32>} : memref<16x128xf32, #tpu.memory_space<vmem>>, vector<16xf32>,
      %lt3A_287 = arith.cmpf olt, %get3A_286, %select_n3A_277 : vector<16xf32>
      %select_n3A_288 = arith.select %lt3A_287, %get3A_286, %select_n3A_277 : vector<16xi1>, vector<16xf32>
      %get3A_289 = arith.constant 4 : i32
      %get3A_290 = arith.index_cast %get3A_289 : i32 to index
      %get3A_291 = arith.constant 16 : index
      %get3A_292 = tpu.vector_load %arg6[%get3A_290, %get3A_291] {strides = array<i32>} : memref<16x128xi32, #tpu.memory_space<vmem>>, vector<16xi32>,
      %select_n3A_293 = arith.select %lt3A_287, %get3A_292, %select_n3A_282 : vector<16xi1>, vector<16xi32>
      %get3A_294 = arith.constant 5 : i32
      %get3A_295 = arith.index_cast %get3A_294 : i32 to index
      %get3A_296 = arith.constant 16 : index
      %get3A_297 = tpu.vector_load %arg5[%get3A_295, %get3A_296] {strides = array<i32>} : memref<16x128xf32, #tpu.memory_space<vmem>>, vector<16xf32>,
      %lt3A_298 = arith.cmpf olt, %get3A_297, %select_n3A_288 : vector<16xf32>
      %select_n3A_299 = arith.select %lt3A_298, %get3A_297, %select_n3A_288 : vector<16xi1>, vector<16xf32>
      %get3A_300 = arith.constant 5 : i32
      %get3A_301 = arith.index_cast %get3A_300 : i32 to index
      %get3A_302 = arith.constant 16 : index
      %get3A_303 = tpu.vector_load %arg6[%get3A_301, %get3A_302] {strides = array<i32>} : memref<16x128xi32, #tpu.memory_space<vmem>>, vector<16xi32>,
      %select_n3A_304 = arith.select %lt3A_298, %get3A_303, %select_n3A_293 : vector<16xi1>, vector<16xi32>
      %get3A_305 = arith.constant 6 : i32
      %get3A_306 = arith.index_cast %get3A_305 : i32 to index
      %get3A_307 = arith.constant 16 : index
      %get3A_308 = tpu.vector_load %arg5[%get3A_306, %get3A_307] {strides = array<i32>} : memref<16x128xf32, #tpu.memory_space<vmem>>, vector<16xf32>,
      %lt3A_309 = arith.cmpf olt, %get3A_308, %select_n3A_299 : vector<16xf32>
      %select_n3A_310 = arith.select %lt3A_309, %get3A_308, %select_n3A_299 : vector<16xi1>, vector<16xf32>
      %get3A_311 = arith.constant 6 : i32
      %get3A_312 = arith.index_cast %get3A_311 : i32 to index
      %get3A_313 = arith.constant 16 : index
      %get3A_314 = tpu.vector_load %arg6[%get3A_312, %get3A_313] {strides = array<i32>} : memref<16x128xi32, #tpu.memory_space<vmem>>, vector<16xi32>,
      %select_n3A_315 = arith.select %lt3A_309, %get3A_314, %select_n3A_304 : vector<16xi1>, vector<16xi32>
      %get3A_316 = arith.constant 7 : i32
      %get3A_317 = arith.index_cast %get3A_316 : i32 to index
      %get3A_318 = arith.constant 16 : index
      %get3A_319 = tpu.vector_load %arg5[%get3A_317, %get3A_318] {strides = array<i32>} : memref<16x128xf32, #tpu.memory_space<vmem>>, vector<16xf32>,
      %lt3A_320 = arith.cmpf olt, %get3A_319, %select_n3A_310 : vector<16xf32>
      %select_n3A_321 = arith.select %lt3A_320, %get3A_319, %select_n3A_310 : vector<16xi1>, vector<16xf32>
      %get3A_322 = arith.constant 7 : i32
      %get3A_323 = arith.index_cast %get3A_322 : i32 to index
      %get3A_324 = arith.constant 16 : index
      %get3A_325 = tpu.vector_load %arg6[%get3A_323, %get3A_324] {strides = array<i32>} : memref<16x128xi32, #tpu.memory_space<vmem>>, vector<16xi32>,
      %select_n3A_326 = arith.select %lt3A_320, %get3A_325, %select_n3A_315 : vector<16xi1>, vector<16xi32>
      %get3A_327 = arith.constant 8 : i32
      %get3A_328 = arith.index_cast %get3A_327 : i32 to index
      %get3A_329 = arith.constant 16 : index
      %get3A_330 = tpu.vector_load %arg5[%get3A_328, %get3A_329] {strides = array<i32>} : memref<16x128xf32, #tpu.memory_space<vmem>>, vector<16xf32>,
      %lt3A_331 = arith.cmpf olt, %get3A_330, %select_n3A_321 : vector<16xf32>
      %select_n3A_332 = arith.select %lt3A_331, %get3A_330, %select_n3A_321 : vector<16xi1>, vector<16xf32>
      %get3A_333 = arith.constant 8 : i32
      %get3A_334 = arith.index_cast %get3A_333 : i32 to index
      %get3A_335 = arith.constant 16 : index
      %get3A_336 = tpu.vector_load %arg6[%get3A_334, %get3A_335] {strides = array<i32>} : memref<16x128xi32, #tpu.memory_space<vmem>>, vector<16xi32>,
      %select_n3A_337 = arith.select %lt3A_331, %get3A_336, %select_n3A_326 : vector<16xi1>, vector<16xi32>
      %get3A_338 = arith.constant 9 : i32
      %get3A_339 = arith.index_cast %get3A_338 : i32 to index
      %get3A_340 = arith.constant 16 : index
      %get3A_341 = tpu.vector_load %arg5[%get3A_339, %get3A_340] {strides = array<i32>} : memref<16x128xf32, #tpu.memory_space<vmem>>, vector<16xf32>,
      %lt3A_342 = arith.cmpf olt, %get3A_341, %select_n3A_332 : vector<16xf32>
      %select_n3A_343 = arith.select %lt3A_342, %get3A_341, %select_n3A_332 : vector<16xi1>, vector<16xf32>
      %get3A_344 = arith.constant 9 : i32
      %get3A_345 = arith.index_cast %get3A_344 : i32 to index
      %get3A_346 = arith.constant 16 : index
      %get3A_347 = tpu.vector_load %arg6[%get3A_345, %get3A_346] {strides = array<i32>} : memref<16x128xi32, #tpu.memory_space<vmem>>, vector<16xi32>,
      %select_n3A_348 = arith.select %lt3A_342, %get3A_347, %select_n3A_337 : vector<16xi1>, vector<16xi32>
      %get3A_349 = arith.constant 10 : i32
      %get3A_350 = arith.index_cast %get3A_349 : i32 to index
      %get3A_351 = arith.constant 16 : index
      %get3A_352 = tpu.vector_load %arg5[%get3A_350, %get3A_351] {strides = array<i32>} : memref<16x128xf32, #tpu.memory_space<vmem>>, vector<16xf32>,
      %lt3A_353 = arith.cmpf olt, %get3A_352, %select_n3A_343 : vector<16xf32>
      %select_n3A_354 = arith.select %lt3A_353, %get3A_352, %select_n3A_343 : vector<16xi1>, vector<16xf32>
      %get3A_355 = arith.constant 10 : i32
      %get3A_356 = arith.index_cast %get3A_355 : i32 to index
      %get3A_357 = arith.constant 16 : index
      %get3A_358 = tpu.vector_load %arg6[%get3A_356, %get3A_357] {strides = array<i32>} : memref<16x128xi32, #tpu.memory_space<vmem>>, vector<16xi32>,
      %select_n3A_359 = arith.select %lt3A_353, %get3A_358, %select_n3A_348 : vector<16xi1>, vector<16xi32>
      %get3A_360 = arith.constant 11 : i32
      %get3A_361 = arith.index_cast %get3A_360 : i32 to index
      %get3A_362 = arith.constant 16 : index
      %get3A_363 = tpu.vector_load %arg5[%get3A_361, %get3A_362] {strides = array<i32>} : memref<16x128xf32, #tpu.memory_space<vmem>>, vector<16xf32>,
      %lt3A_364 = arith.cmpf olt, %get3A_363, %select_n3A_354 : vector<16xf32>
      %select_n3A_365 = arith.select %lt3A_364, %get3A_363, %select_n3A_354 : vector<16xi1>, vector<16xf32>
      %get3A_366 = arith.constant 11 : i32
      %get3A_367 = arith.index_cast %get3A_366 : i32 to index
      %get3A_368 = arith.constant 16 : index
      %get3A_369 = tpu.vector_load %arg6[%get3A_367, %get3A_368] {strides = array<i32>} : memref<16x128xi32, #tpu.memory_space<vmem>>, vector<16xi32>,
      %select_n3A_370 = arith.select %lt3A_364, %get3A_369, %select_n3A_359 : vector<16xi1>, vector<16xi32>
      %get3A_371 = arith.constant 12 : i32
      %get3A_372 = arith.index_cast %get3A_371 : i32 to index
      %get3A_373 = arith.constant 16 : index
      %get3A_374 = tpu.vector_load %arg5[%get3A_372, %get3A_373] {strides = array<i32>} : memref<16x128xf32, #tpu.memory_space<vmem>>, vector<16xf32>,
      %lt3A_375 = arith.cmpf olt, %get3A_374, %select_n3A_365 : vector<16xf32>
      %select_n3A_376 = arith.select %lt3A_375, %get3A_374, %select_n3A_365 : vector<16xi1>, vector<16xf32>
      %get3A_377 = arith.constant 12 : i32
      %get3A_378 = arith.index_cast %get3A_377 : i32 to index
      %get3A_379 = arith.constant 16 : index
      %get3A_380 = tpu.vector_load %arg6[%get3A_378, %get3A_379] {strides = array<i32>} : memref<16x128xi32, #tpu.memory_space<vmem>>, vector<16xi32>,
      %select_n3A_381 = arith.select %lt3A_375, %get3A_380, %select_n3A_370 : vector<16xi1>, vector<16xi32>
      %get3A_382 = arith.constant 13 : i32
      %get3A_383 = arith.index_cast %get3A_382 : i32 to index
      %get3A_384 = arith.constant 16 : index
      %get3A_385 = tpu.vector_load %arg5[%get3A_383, %get3A_384] {strides = array<i32>} : memref<16x128xf32, #tpu.memory_space<vmem>>, vector<16xf32>,
      %lt3A_386 = arith.cmpf olt, %get3A_385, %select_n3A_376 : vector<16xf32>
      %select_n3A_387 = arith.select %lt3A_386, %get3A_385, %select_n3A_376 : vector<16xi1>, vector<16xf32>
      %get3A_388 = arith.constant 13 : i32
      %get3A_389 = arith.index_cast %get3A_388 : i32 to index
      %get3A_390 = arith.constant 16 : index
      %get3A_391 = tpu.vector_load %arg6[%get3A_389, %get3A_390] {strides = array<i32>} : memref<16x128xi32, #tpu.memory_space<vmem>>, vector<16xi32>,
      %select_n3A_392 = arith.select %lt3A_386, %get3A_391, %select_n3A_381 : vector<16xi1>, vector<16xi32>
      %get3A_393 = arith.constant 14 : i32
      %get3A_394 = arith.index_cast %get3A_393 : i32 to index
      %get3A_395 = arith.constant 16 : index
      %get3A_396 = tpu.vector_load %arg5[%get3A_394, %get3A_395] {strides = array<i32>} : memref<16x128xf32, #tpu.memory_space<vmem>>, vector<16xf32>,
      %lt3A_397 = arith.cmpf olt, %get3A_396, %select_n3A_387 : vector<16xf32>
      %select_n3A_398 = arith.select %lt3A_397, %get3A_396, %select_n3A_387 : vector<16xi1>, vector<16xf32>
      %get3A_399 = arith.constant 14 : i32
      %get3A_400 = arith.index_cast %get3A_399 : i32 to index
      %get3A_401 = arith.constant 16 : index
      %get3A_402 = tpu.vector_load %arg6[%get3A_400, %get3A_401] {strides = array<i32>} : memref<16x128xi32, #tpu.memory_space<vmem>>, vector<16xi32>,
      %select_n3A_403 = arith.select %lt3A_397, %get3A_402, %select_n3A_392 : vector<16xi1>, vector<16xi32>
      %get3A_404 = arith.constant 15 : i32
      %get3A_405 = arith.index_cast %get3A_404 : i32 to index
      %get3A_406 = arith.constant 16 : index
      %get3A_407 = tpu.vector_load %arg5[%get3A_405, %get3A_406] {strides = array<i32>} : memref<16x128xf32, #tpu.memory_space<vmem>>, vector<16xf32>,
      %lt3A_408 = arith.cmpf olt, %get3A_407, %select_n3A_398 : vector<16xf32>
      %select_n3A_409 = arith.select %lt3A_408, %get3A_407, %select_n3A_398 : vector<16xi1>, vector<16xf32>
      %get3A_410 = arith.constant 15 : i32
      %get3A_411 = arith.index_cast %get3A_410 : i32 to index
      %get3A_412 = arith.constant 16 : index
      %get3A_413 = tpu.vector_load %arg6[%get3A_411, %get3A_412] {strides = array<i32>} : memref<16x128xi32, #tpu.memory_space<vmem>>, vector<16xi32>,
      %select_n3A_414 = arith.select %lt3A_408, %get3A_413, %select_n3A_403 : vector<16xi1>, vector<16xi32>
      %jit3A_415 = arith.constant 64 : i32
      %div3A_416 = vector.broadcast %jit3A_415 : i32 to vector<16xi32>
      %div3A_417 = arith.divsi %select_n3A_414, %div3A_416 : vector<16xi32>
      %sign3A_418 = arith.constant 0 : i32
      %sign3A_419 = vector.broadcast %sign3A_418 : i32 to vector<16xi32>
      %sign3A_420 = arith.cmpi sgt, %select_n3A_414, %sign3A_419 : vector<16xi32>
      %sign3A_421 = arith.extui %sign3A_420 : vector<16xi1> to vector<16xi32>
      %sign3A_422 = arith.constant 0 : i32
      %sign3A_423 = vector.broadcast %sign3A_422 : i32 to vector<16xi32>
      %sign3A_424 = arith.cmpi slt, %select_n3A_414, %sign3A_423 : vector<16xi32>
      %sign3A_425 = arith.extui %sign3A_424 : vector<16xi1> to vector<16xi32>
      %sign3A_426 = arith.subi %sign3A_421, %sign3A_425 : vector<16xi32>
      %sign3A_427 = arith.constant 0 : i32
      %sign3A_428 = arith.cmpi sgt, %jit3A_415, %sign3A_427 : i32
      %sign3A_429 = arith.extui %sign3A_428 : i1 to i32
      %sign3A_430 = arith.constant 0 : i32
      %sign3A_431 = arith.cmpi slt, %jit3A_415, %sign3A_430 : i32
      %sign3A_432 = arith.extui %sign3A_431 : i1 to i32
      %sign3A_433 = arith.subi %sign3A_429, %sign3A_432 : i32
      %ne3A_434 = vector.broadcast %sign3A_433 : i32 to vector<16xi32>
      %ne3A_435 = arith.cmpi ne, %sign3A_426, %ne3A_434 : vector<16xi32>
      %rem3A_436 = vector.broadcast %jit3A_415 : i32 to vector<16xi32>
      %rem3A_437 = arith.remsi %select_n3A_414, %rem3A_436 : vector<16xi32>
      %ne3A_438 = arith.constant 0 : i32
      %ne3A_439 = vector.broadcast %ne3A_438 : i32 to vector<16xi32>
      %ne3A_440 = arith.cmpi ne, %rem3A_437, %ne3A_439 : vector<16xi32>
      %and3A_441 = arith.andi %ne3A_435, %ne3A_440 : vector<16xi1>
      %sub3A_442 = arith.constant 1 : i32
      %sub3A_443 = vector.broadcast %sub3A_442 : i32 to vector<16xi32>
      %sub3A_444 = arith.subi %div3A_417, %sub3A_443 : vector<16xi32>
      %select_n3A_445 = arith.select %and3A_441, %sub3A_444, %div3A_417 : vector<16xi1>, vector<16xi32>
      %swap3A_446 = arith.constant 0 : i32
      %swap3A_447 = arith.index_cast %swap3A_446 : i32 to index
      %swap3A_448 = arith.constant 16 : index
      %swap3A_449 = tpu.vector_load %arg7[%swap3A_447, %swap3A_448] {strides = array<i32>} : memref<2x128xi32, #tpu.memory_space<vmem>>, vector<16xi32>,
      tpu.vector_store %arg7[%swap3A_447, %swap3A_448], %select_n3A_445 {strides = array<i32>} : memref<2x128xi32, #tpu.memory_space<vmem>>, vector<16xi32>,
      %jit3A_450 = arith.constant 64 : i32
      %eq3A_451 = arith.constant 0 : i32
      %eq3A_452 = arith.cmpi eq, %jit3A_450, %eq3A_451 : i32
      %jit3A_453 = arith.constant 1 : i32
      %select_n3A_454 = arith.select %eq3A_452, %jit3A_453, %jit3A_450 : i32
      %rem3A_455 = vector.broadcast %select_n3A_454 : i32 to vector<16xi32>
      %rem3A_456 = arith.remsi %select_n3A_414, %rem3A_455 : vector<16xi32>
      %ne3A_457 = arith.constant 0 : i32
      %ne3A_458 = vector.broadcast %ne3A_457 : i32 to vector<16xi32>
      %ne3A_459 = arith.cmpi ne, %rem3A_456, %ne3A_458 : vector<16xi32>
      %lt3A_460 = arith.constant 0 : i32
      %lt3A_461 = vector.broadcast %lt3A_460 : i32 to vector<16xi32>
      %lt3A_462 = arith.cmpi slt, %rem3A_456, %lt3A_461 : vector<16xi32>
      %lt3A_463 = arith.constant 0 : i32
      %lt3A_464 = arith.cmpi slt, %select_n3A_454, %lt3A_463 : i32
      %ne3A_465 = vector.broadcast %lt3A_464 : i1 to vector<16xi1>
      %ne3A_466 = vector.broadcast %ne3A_465 : vector<16xi1> to vector<16xi1>
      %ne3A_467 = arith.xori %lt3A_462, %ne3A_466 : vector<16xi1>
      %and3A_468 = arith.andi %ne3A_467, %ne3A_459 : vector<16xi1>
      %add3A_469 = vector.broadcast %select_n3A_454 : i32 to vector<16xi32>
      %add3A_470 = arith.addi %rem3A_456, %add3A_469 : vector<16xi32>
      %select_n3A_471 = arith.select %and3A_468, %add3A_470, %rem3A_456 : vector<16xi1>, vector<16xi32>
      %swap3A_472 = arith.constant 1 : i32
      %swap3A_473 = arith.index_cast %swap3A_472 : i32 to index
      %swap3A_474 = arith.constant 16 : index
      %swap3A_475 = tpu.vector_load %arg7[%swap3A_473, %swap3A_474] {strides = array<i32>} : memref<2x128xi32, #tpu.memory_space<vmem>>, vector<16xi32>,
      tpu.vector_store %arg7[%swap3A_473, %swap3A_474], %select_n3A_471 {strides = array<i32>} : memref<2x128xi32, #tpu.memory_space<vmem>>, vector<16xi32>,
      %get3A_476 = arith.constant 0 : i32
      %get3A_477 = arith.index_cast %get3A_476 : i32 to index
      %get3A_478 = arith.constant 32 : index
      %get3A_479 = tpu.vector_load %arg5[%get3A_477, %get3A_478] {strides = array<i32>} : memref<16x128xf32, #tpu.memory_space<vmem>>, vector<16xf32>,
      %get3A_480 = arith.constant 0 : i32
      %get3A_481 = arith.index_cast %get3A_480 : i32 to index
      %get3A_482 = arith.constant 32 : index
      %get3A_483 = tpu.vector_load %arg6[%get3A_481, %get3A_482] {strides = array<i32>} : memref<16x128xi32, #tpu.memory_space<vmem>>, vector<16xi32>,
      %get3A_484 = arith.constant 1 : i32
      %get3A_485 = arith.index_cast %get3A_484 : i32 to index
      %get3A_486 = arith.constant 32 : index
      %get3A_487 = tpu.vector_load %arg5[%get3A_485, %get3A_486] {strides = array<i32>} : memref<16x128xf32, #tpu.memory_space<vmem>>, vector<16xf32>,
      %lt3A_488 = arith.cmpf olt, %get3A_487, %get3A_479 : vector<16xf32>
      %select_n3A_489 = arith.select %lt3A_488, %get3A_487, %get3A_479 : vector<16xi1>, vector<16xf32>
      %get3A_490 = arith.constant 1 : i32
      %get3A_491 = arith.index_cast %get3A_490 : i32 to index
      %get3A_492 = arith.constant 32 : index
      %get3A_493 = tpu.vector_load %arg6[%get3A_491, %get3A_492] {strides = array<i32>} : memref<16x128xi32, #tpu.memory_space<vmem>>, vector<16xi32>,
      %select_n3A_494 = arith.select %lt3A_488, %get3A_493, %get3A_483 : vector<16xi1>, vector<16xi32>
      %get3A_495 = arith.constant 2 : i32
      %get3A_496 = arith.index_cast %get3A_495 : i32 to index
      %get3A_497 = arith.constant 32 : index
      %get3A_498 = tpu.vector_load %arg5[%get3A_496, %get3A_497] {strides = array<i32>} : memref<16x128xf32, #tpu.memory_space<vmem>>, vector<16xf32>,
      %lt3A_499 = arith.cmpf olt, %get3A_498, %select_n3A_489 : vector<16xf32>
      %select_n3A_500 = arith.select %lt3A_499, %get3A_498, %select_n3A_489 : vector<16xi1>, vector<16xf32>
      %get3A_501 = arith.constant 2 : i32
      %get3A_502 = arith.index_cast %get3A_501 : i32 to index
      %get3A_503 = arith.constant 32 : index
      %get3A_504 = tpu.vector_load %arg6[%get3A_502, %get3A_503] {strides = array<i32>} : memref<16x128xi32, #tpu.memory_space<vmem>>, vector<16xi32>,
      %select_n3A_505 = arith.select %lt3A_499, %get3A_504, %select_n3A_494 : vector<16xi1>, vector<16xi32>
      %get3A_506 = arith.constant 3 : i32
      %get3A_507 = arith.index_cast %get3A_506 : i32 to index
      %get3A_508 = arith.constant 32 : index
      %get3A_509 = tpu.vector_load %arg5[%get3A_507, %get3A_508] {strides = array<i32>} : memref<16x128xf32, #tpu.memory_space<vmem>>, vector<16xf32>,
      %lt3A_510 = arith.cmpf olt, %get3A_509, %select_n3A_500 : vector<16xf32>
      %select_n3A_511 = arith.select %lt3A_510, %get3A_509, %select_n3A_500 : vector<16xi1>, vector<16xf32>
      %get3A_512 = arith.constant 3 : i32
      %get3A_513 = arith.index_cast %get3A_512 : i32 to index
      %get3A_514 = arith.constant 32 : index
      %get3A_515 = tpu.vector_load %arg6[%get3A_513, %get3A_514] {strides = array<i32>} : memref<16x128xi32, #tpu.memory_space<vmem>>, vector<16xi32>,
      %select_n3A_516 = arith.select %lt3A_510, %get3A_515, %select_n3A_505 : vector<16xi1>, vector<16xi32>
      %get3A_517 = arith.constant 4 : i32
      %get3A_518 = arith.index_cast %get3A_517 : i32 to index
      %get3A_519 = arith.constant 32 : index
      %get3A_520 = tpu.vector_load %arg5[%get3A_518, %get3A_519] {strides = array<i32>} : memref<16x128xf32, #tpu.memory_space<vmem>>, vector<16xf32>,
      %lt3A_521 = arith.cmpf olt, %get3A_520, %select_n3A_511 : vector<16xf32>
      %select_n3A_522 = arith.select %lt3A_521, %get3A_520, %select_n3A_511 : vector<16xi1>, vector<16xf32>
      %get3A_523 = arith.constant 4 : i32
      %get3A_524 = arith.index_cast %get3A_523 : i32 to index
      %get3A_525 = arith.constant 32 : index
      %get3A_526 = tpu.vector_load %arg6[%get3A_524, %get3A_525] {strides = array<i32>} : memref<16x128xi32, #tpu.memory_space<vmem>>, vector<16xi32>,
      %select_n3A_527 = arith.select %lt3A_521, %get3A_526, %select_n3A_516 : vector<16xi1>, vector<16xi32>
      %get3A_528 = arith.constant 5 : i32
      %get3A_529 = arith.index_cast %get3A_528 : i32 to index
      %get3A_530 = arith.constant 32 : index
      %get3A_531 = tpu.vector_load %arg5[%get3A_529, %get3A_530] {strides = array<i32>} : memref<16x128xf32, #tpu.memory_space<vmem>>, vector<16xf32>,
      %lt3A_532 = arith.cmpf olt, %get3A_531, %select_n3A_522 : vector<16xf32>
      %select_n3A_533 = arith.select %lt3A_532, %get3A_531, %select_n3A_522 : vector<16xi1>, vector<16xf32>
      %get3A_534 = arith.constant 5 : i32
      %get3A_535 = arith.index_cast %get3A_534 : i32 to index
      %get3A_536 = arith.constant 32 : index
      %get3A_537 = tpu.vector_load %arg6[%get3A_535, %get3A_536] {strides = array<i32>} : memref<16x128xi32, #tpu.memory_space<vmem>>, vector<16xi32>,
      %select_n3A_538 = arith.select %lt3A_532, %get3A_537, %select_n3A_527 : vector<16xi1>, vector<16xi32>
      %get3A_539 = arith.constant 6 : i32
      %get3A_540 = arith.index_cast %get3A_539 : i32 to index
      %get3A_541 = arith.constant 32 : index
      %get3A_542 = tpu.vector_load %arg5[%get3A_540, %get3A_541] {strides = array<i32>} : memref<16x128xf32, #tpu.memory_space<vmem>>, vector<16xf32>,
      %lt3A_543 = arith.cmpf olt, %get3A_542, %select_n3A_533 : vector<16xf32>
      %select_n3A_544 = arith.select %lt3A_543, %get3A_542, %select_n3A_533 : vector<16xi1>, vector<16xf32>
      %get3A_545 = arith.constant 6 : i32
      %get3A_546 = arith.index_cast %get3A_545 : i32 to index
      %get3A_547 = arith.constant 32 : index
      %get3A_548 = tpu.vector_load %arg6[%get3A_546, %get3A_547] {strides = array<i32>} : memref<16x128xi32, #tpu.memory_space<vmem>>, vector<16xi32>,
      %select_n3A_549 = arith.select %lt3A_543, %get3A_548, %select_n3A_538 : vector<16xi1>, vector<16xi32>
      %get3A_550 = arith.constant 7 : i32
      %get3A_551 = arith.index_cast %get3A_550 : i32 to index
      %get3A_552 = arith.constant 32 : index
      %get3A_553 = tpu.vector_load %arg5[%get3A_551, %get3A_552] {strides = array<i32>} : memref<16x128xf32, #tpu.memory_space<vmem>>, vector<16xf32>,
      %lt3A_554 = arith.cmpf olt, %get3A_553, %select_n3A_544 : vector<16xf32>
      %select_n3A_555 = arith.select %lt3A_554, %get3A_553, %select_n3A_544 : vector<16xi1>, vector<16xf32>
      %get3A_556 = arith.constant 7 : i32
      %get3A_557 = arith.index_cast %get3A_556 : i32 to index
      %get3A_558 = arith.constant 32 : index
      %get3A_559 = tpu.vector_load %arg6[%get3A_557, %get3A_558] {strides = array<i32>} : memref<16x128xi32, #tpu.memory_space<vmem>>, vector<16xi32>,
      %select_n3A_560 = arith.select %lt3A_554, %get3A_559, %select_n3A_549 : vector<16xi1>, vector<16xi32>
      %get3A_561 = arith.constant 8 : i32
      %get3A_562 = arith.index_cast %get3A_561 : i32 to index
      %get3A_563 = arith.constant 32 : index
      %get3A_564 = tpu.vector_load %arg5[%get3A_562, %get3A_563] {strides = array<i32>} : memref<16x128xf32, #tpu.memory_space<vmem>>, vector<16xf32>,
      %lt3A_565 = arith.cmpf olt, %get3A_564, %select_n3A_555 : vector<16xf32>
      %select_n3A_566 = arith.select %lt3A_565, %get3A_564, %select_n3A_555 : vector<16xi1>, vector<16xf32>
      %get3A_567 = arith.constant 8 : i32
      %get3A_568 = arith.index_cast %get3A_567 : i32 to index
      %get3A_569 = arith.constant 32 : index
      %get3A_570 = tpu.vector_load %arg6[%get3A_568, %get3A_569] {strides = array<i32>} : memref<16x128xi32, #tpu.memory_space<vmem>>, vector<16xi32>,
      %select_n3A_571 = arith.select %lt3A_565, %get3A_570, %select_n3A_560 : vector<16xi1>, vector<16xi32>
      %get3A_572 = arith.constant 9 : i32
      %get3A_573 = arith.index_cast %get3A_572 : i32 to index
      %get3A_574 = arith.constant 32 : index
      %get3A_575 = tpu.vector_load %arg5[%get3A_573, %get3A_574] {strides = array<i32>} : memref<16x128xf32, #tpu.memory_space<vmem>>, vector<16xf32>,
      %lt3A_576 = arith.cmpf olt, %get3A_575, %select_n3A_566 : vector<16xf32>
      %select_n3A_577 = arith.select %lt3A_576, %get3A_575, %select_n3A_566 : vector<16xi1>, vector<16xf32>
      %get3A_578 = arith.constant 9 : i32
      %get3A_579 = arith.index_cast %get3A_578 : i32 to index
      %get3A_580 = arith.constant 32 : index
      %get3A_581 = tpu.vector_load %arg6[%get3A_579, %get3A_580] {strides = array<i32>} : memref<16x128xi32, #tpu.memory_space<vmem>>, vector<16xi32>,
      %select_n3A_582 = arith.select %lt3A_576, %get3A_581, %select_n3A_571 : vector<16xi1>, vector<16xi32>
      %get3A_583 = arith.constant 10 : i32
      %get3A_584 = arith.index_cast %get3A_583 : i32 to index
      %get3A_585 = arith.constant 32 : index
      %get3A_586 = tpu.vector_load %arg5[%get3A_584, %get3A_585] {strides = array<i32>} : memref<16x128xf32, #tpu.memory_space<vmem>>, vector<16xf32>,
      %lt3A_587 = arith.cmpf olt, %get3A_586, %select_n3A_577 : vector<16xf32>
      %select_n3A_588 = arith.select %lt3A_587, %get3A_586, %select_n3A_577 : vector<16xi1>, vector<16xf32>
      %get3A_589 = arith.constant 10 : i32
      %get3A_590 = arith.index_cast %get3A_589 : i32 to index
      %get3A_591 = arith.constant 32 : index
      %get3A_592 = tpu.vector_load %arg6[%get3A_590, %get3A_591] {strides = array<i32>} : memref<16x128xi32, #tpu.memory_space<vmem>>, vector<16xi32>,
      %select_n3A_593 = arith.select %lt3A_587, %get3A_592, %select_n3A_582 : vector<16xi1>, vector<16xi32>
      %get3A_594 = arith.constant 11 : i32
      %get3A_595 = arith.index_cast %get3A_594 : i32 to index
      %get3A_596 = arith.constant 32 : index
      %get3A_597 = tpu.vector_load %arg5[%get3A_595, %get3A_596] {strides = array<i32>} : memref<16x128xf32, #tpu.memory_space<vmem>>, vector<16xf32>,
      %lt3A_598 = arith.cmpf olt, %get3A_597, %select_n3A_588 : vector<16xf32>
      %select_n3A_599 = arith.select %lt3A_598, %get3A_597, %select_n3A_588 : vector<16xi1>, vector<16xf32>
      %get3A_600 = arith.constant 11 : i32
      %get3A_601 = arith.index_cast %get3A_600 : i32 to index
      %get3A_602 = arith.constant 32 : index
      %get3A_603 = tpu.vector_load %arg6[%get3A_601, %get3A_602] {strides = array<i32>} : memref<16x128xi32, #tpu.memory_space<vmem>>, vector<16xi32>,
      %select_n3A_604 = arith.select %lt3A_598, %get3A_603, %select_n3A_593 : vector<16xi1>, vector<16xi32>
      %get3A_605 = arith.constant 12 : i32
      %get3A_606 = arith.index_cast %get3A_605 : i32 to index
      %get3A_607 = arith.constant 32 : index
      %get3A_608 = tpu.vector_load %arg5[%get3A_606, %get3A_607] {strides = array<i32>} : memref<16x128xf32, #tpu.memory_space<vmem>>, vector<16xf32>,
      %lt3A_609 = arith.cmpf olt, %get3A_608, %select_n3A_599 : vector<16xf32>
      %select_n3A_610 = arith.select %lt3A_609, %get3A_608, %select_n3A_599 : vector<16xi1>, vector<16xf32>
      %get3A_611 = arith.constant 12 : i32
      %get3A_612 = arith.index_cast %get3A_611 : i32 to index
      %get3A_613 = arith.constant 32 : index
      %get3A_614 = tpu.vector_load %arg6[%get3A_612, %get3A_613] {strides = array<i32>} : memref<16x128xi32, #tpu.memory_space<vmem>>, vector<16xi32>,
      %select_n3A_615 = arith.select %lt3A_609, %get3A_614, %select_n3A_604 : vector<16xi1>, vector<16xi32>
      %get3A_616 = arith.constant 13 : i32
      %get3A_617 = arith.index_cast %get3A_616 : i32 to index
      %get3A_618 = arith.constant 32 : index
      %get3A_619 = tpu.vector_load %arg5[%get3A_617, %get3A_618] {strides = array<i32>} : memref<16x128xf32, #tpu.memory_space<vmem>>, vector<16xf32>,
      %lt3A_620 = arith.cmpf olt, %get3A_619, %select_n3A_610 : vector<16xf32>
      %select_n3A_621 = arith.select %lt3A_620, %get3A_619, %select_n3A_610 : vector<16xi1>, vector<16xf32>
      %get3A_622 = arith.constant 13 : i32
      %get3A_623 = arith.index_cast %get3A_622 : i32 to index
      %get3A_624 = arith.constant 32 : index
      %get3A_625 = tpu.vector_load %arg6[%get3A_623, %get3A_624] {strides = array<i32>} : memref<16x128xi32, #tpu.memory_space<vmem>>, vector<16xi32>,
      %select_n3A_626 = arith.select %lt3A_620, %get3A_625, %select_n3A_615 : vector<16xi1>, vector<16xi32>
      %get3A_627 = arith.constant 14 : i32
      %get3A_628 = arith.index_cast %get3A_627 : i32 to index
      %get3A_629 = arith.constant 32 : index
      %get3A_630 = tpu.vector_load %arg5[%get3A_628, %get3A_629] {strides = array<i32>} : memref<16x128xf32, #tpu.memory_space<vmem>>, vector<16xf32>,
      %lt3A_631 = arith.cmpf olt, %get3A_630, %select_n3A_621 : vector<16xf32>
      %select_n3A_632 = arith.select %lt3A_631, %get3A_630, %select_n3A_621 : vector<16xi1>, vector<16xf32>
      %get3A_633 = arith.constant 14 : i32
      %get3A_634 = arith.index_cast %get3A_633 : i32 to index
      %get3A_635 = arith.constant 32 : index
      %get3A_636 = tpu.vector_load %arg6[%get3A_634, %get3A_635] {strides = array<i32>} : memref<16x128xi32, #tpu.memory_space<vmem>>, vector<16xi32>,
      %select_n3A_637 = arith.select %lt3A_631, %get3A_636, %select_n3A_626 : vector<16xi1>, vector<16xi32>
      %get3A_638 = arith.constant 15 : i32
      %get3A_639 = arith.index_cast %get3A_638 : i32 to index
      %get3A_640 = arith.constant 32 : index
      %get3A_641 = tpu.vector_load %arg5[%get3A_639, %get3A_640] {strides = array<i32>} : memref<16x128xf32, #tpu.memory_space<vmem>>, vector<16xf32>,
      %lt3A_642 = arith.cmpf olt, %get3A_641, %select_n3A_632 : vector<16xf32>
      %select_n3A_643 = arith.select %lt3A_642, %get3A_641, %select_n3A_632 : vector<16xi1>, vector<16xf32>
      %get3A_644 = arith.constant 15 : i32
      %get3A_645 = arith.index_cast %get3A_644 : i32 to index
      %get3A_646 = arith.constant 32 : index
      %get3A_647 = tpu.vector_load %arg6[%get3A_645, %get3A_646] {strides = array<i32>} : memref<16x128xi32, #tpu.memory_space<vmem>>, vector<16xi32>,
      %select_n3A_648 = arith.select %lt3A_642, %get3A_647, %select_n3A_637 : vector<16xi1>, vector<16xi32>
      %jit3A_649 = arith.constant 64 : i32
      %div3A_650 = vector.broadcast %jit3A_649 : i32 to vector<16xi32>
      %div3A_651 = arith.divsi %select_n3A_648, %div3A_650 : vector<16xi32>
      %sign3A_652 = arith.constant 0 : i32
      %sign3A_653 = vector.broadcast %sign3A_652 : i32 to vector<16xi32>
      %sign3A_654 = arith.cmpi sgt, %select_n3A_648, %sign3A_653 : vector<16xi32>
      %sign3A_655 = arith.extui %sign3A_654 : vector<16xi1> to vector<16xi32>
      %sign3A_656 = arith.constant 0 : i32
      %sign3A_657 = vector.broadcast %sign3A_656 : i32 to vector<16xi32>
      %sign3A_658 = arith.cmpi slt, %select_n3A_648, %sign3A_657 : vector<16xi32>
      %sign3A_659 = arith.extui %sign3A_658 : vector<16xi1> to vector<16xi32>
      %sign3A_660 = arith.subi %sign3A_655, %sign3A_659 : vector<16xi32>
      %sign3A_661 = arith.constant 0 : i32
      %sign3A_662 = arith.cmpi sgt, %jit3A_649, %sign3A_661 : i32
      %sign3A_663 = arith.extui %sign3A_662 : i1 to i32
      %sign3A_664 = arith.constant 0 : i32
      %sign3A_665 = arith.cmpi slt, %jit3A_649, %sign3A_664 : i32
      %sign3A_666 = arith.extui %sign3A_665 : i1 to i32
      %sign3A_667 = arith.subi %sign3A_663, %sign3A_666 : i32
      %ne3A_668 = vector.broadcast %sign3A_667 : i32 to vector<16xi32>
      %ne3A_669 = arith.cmpi ne, %sign3A_660, %ne3A_668 : vector<16xi32>
      %rem3A_670 = vector.broadcast %jit3A_649 : i32 to vector<16xi32>
      %rem3A_671 = arith.remsi %select_n3A_648, %rem3A_670 : vector<16xi32>
      %ne3A_672 = arith.constant 0 : i32
      %ne3A_673 = vector.broadcast %ne3A_672 : i32 to vector<16xi32>
      %ne3A_674 = arith.cmpi ne, %rem3A_671, %ne3A_673 : vector<16xi32>
      %and3A_675 = arith.andi %ne3A_669, %ne3A_674 : vector<16xi1>
      %sub3A_676 = arith.constant 1 : i32
      %sub3A_677 = vector.broadcast %sub3A_676 : i32 to vector<16xi32>
      %sub3A_678 = arith.subi %div3A_651, %sub3A_677 : vector<16xi32>
      %select_n3A_679 = arith.select %and3A_675, %sub3A_678, %div3A_651 : vector<16xi1>, vector<16xi32>
      %swap3A_680 = arith.constant 0 : i32
      %swap3A_681 = arith.index_cast %swap3A_680 : i32 to index
      %swap3A_682 = arith.constant 32 : index
      %swap3A_683 = tpu.vector_load %arg7[%swap3A_681, %swap3A_682] {strides = array<i32>} : memref<2x128xi32, #tpu.memory_space<vmem>>, vector<16xi32>,
      tpu.vector_store %arg7[%swap3A_681, %swap3A_682], %select_n3A_679 {strides = array<i32>} : memref<2x128xi32, #tpu.memory_space<vmem>>, vector<16xi32>,
      %jit3A_684 = arith.constant 64 : i32
      %eq3A_685 = arith.constant 0 : i32
      %eq3A_686 = arith.cmpi eq, %jit3A_684, %eq3A_685 : i32
      %jit3A_687 = arith.constant 1 : i32
      %select_n3A_688 = arith.select %eq3A_686, %jit3A_687, %jit3A_684 : i32
      %rem3A_689 = vector.broadcast %select_n3A_688 : i32 to vector<16xi32>
      %rem3A_690 = arith.remsi %select_n3A_648, %rem3A_689 : vector<16xi32>
      %ne3A_691 = arith.constant 0 : i32
      %ne3A_692 = vector.broadcast %ne3A_691 : i32 to vector<16xi32>
      %ne3A_693 = arith.cmpi ne, %rem3A_690, %ne3A_692 : vector<16xi32>
      %lt3A_694 = arith.constant 0 : i32
      %lt3A_695 = vector.broadcast %lt3A_694 : i32 to vector<16xi32>
      %lt3A_696 = arith.cmpi slt, %rem3A_690, %lt3A_695 : vector<16xi32>
      %lt3A_697 = arith.constant 0 : i32
      %lt3A_698 = arith.cmpi slt, %select_n3A_688, %lt3A_697 : i32
      %ne3A_699 = vector.broadcast %lt3A_698 : i1 to vector<16xi1>
      %ne3A_700 = vector.broadcast %ne3A_699 : vector<16xi1> to vector<16xi1>
      %ne3A_701 = arith.xori %lt3A_696, %ne3A_700 : vector<16xi1>
      %and3A_702 = arith.andi %ne3A_701, %ne3A_693 : vector<16xi1>
      %add3A_703 = vector.broadcast %select_n3A_688 : i32 to vector<16xi32>
      %add3A_704 = arith.addi %rem3A_690, %add3A_703 : vector<16xi32>
      %select_n3A_705 = arith.select %and3A_702, %add3A_704, %rem3A_690 : vector<16xi1>, vector<16xi32>
      %swap3A_706 = arith.constant 1 : i32
      %swap3A_707 = arith.index_cast %swap3A_706 : i32 to index
      %swap3A_708 = arith.constant 32 : index
      %swap3A_709 = tpu.vector_load %arg7[%swap3A_707, %swap3A_708] {strides = array<i32>} : memref<2x128xi32, #tpu.memory_space<vmem>>, vector<16xi32>,
      tpu.vector_store %arg7[%swap3A_707, %swap3A_708], %select_n3A_705 {strides = array<i32>} : memref<2x128xi32, #tpu.memory_space<vmem>>, vector<16xi32>,
      %get3A_710 = arith.constant 0 : i32
      %get3A_711 = arith.index_cast %get3A_710 : i32 to index
      %get3A_712 = arith.constant 48 : index
      %get3A_713 = tpu.vector_load %arg5[%get3A_711, %get3A_712] {strides = array<i32>} : memref<16x128xf32, #tpu.memory_space<vmem>>, vector<16xf32>,
      %get3A_714 = arith.constant 0 : i32
      %get3A_715 = arith.index_cast %get3A_714 : i32 to index
      %get3A_716 = arith.constant 48 : index
      %get3A_717 = tpu.vector_load %arg6[%get3A_715, %get3A_716] {strides = array<i32>} : memref<16x128xi32, #tpu.memory_space<vmem>>, vector<16xi32>,
      %get3A_718 = arith.constant 1 : i32
      %get3A_719 = arith.index_cast %get3A_718 : i32 to index
      %get3A_720 = arith.constant 48 : index
      %get3A_721 = tpu.vector_load %arg5[%get3A_719, %get3A_720] {strides = array<i32>} : memref<16x128xf32, #tpu.memory_space<vmem>>, vector<16xf32>,
      %lt3A_722 = arith.cmpf olt, %get3A_721, %get3A_713 : vector<16xf32>
      %select_n3A_723 = arith.select %lt3A_722, %get3A_721, %get3A_713 : vector<16xi1>, vector<16xf32>
      %get3A_724 = arith.constant 1 : i32
      %get3A_725 = arith.index_cast %get3A_724 : i32 to index
      %get3A_726 = arith.constant 48 : index
      %get3A_727 = tpu.vector_load %arg6[%get3A_725, %get3A_726] {strides = array<i32>} : memref<16x128xi32, #tpu.memory_space<vmem>>, vector<16xi32>,
      %select_n3A_728 = arith.select %lt3A_722, %get3A_727, %get3A_717 : vector<16xi1>, vector<16xi32>
      %get3A_729 = arith.constant 2 : i32
      %get3A_730 = arith.index_cast %get3A_729 : i32 to index
      %get3A_731 = arith.constant 48 : index
      %get3A_732 = tpu.vector_load %arg5[%get3A_730, %get3A_731] {strides = array<i32>} : memref<16x128xf32, #tpu.memory_space<vmem>>, vector<16xf32>,
      %lt3A_733 = arith.cmpf olt, %get3A_732, %select_n3A_723 : vector<16xf32>
      %select_n3A_734 = arith.select %lt3A_733, %get3A_732, %select_n3A_723 : vector<16xi1>, vector<16xf32>
      %get3A_735 = arith.constant 2 : i32
      %get3A_736 = arith.index_cast %get3A_735 : i32 to index
      %get3A_737 = arith.constant 48 : index
      %get3A_738 = tpu.vector_load %arg6[%get3A_736, %get3A_737] {strides = array<i32>} : memref<16x128xi32, #tpu.memory_space<vmem>>, vector<16xi32>,
      %select_n3A_739 = arith.select %lt3A_733, %get3A_738, %select_n3A_728 : vector<16xi1>, vector<16xi32>
      %get3A_740 = arith.constant 3 : i32
      %get3A_741 = arith.index_cast %get3A_740 : i32 to index
      %get3A_742 = arith.constant 48 : index
      %get3A_743 = tpu.vector_load %arg5[%get3A_741, %get3A_742] {strides = array<i32>} : memref<16x128xf32, #tpu.memory_space<vmem>>, vector<16xf32>,
      %lt3A_744 = arith.cmpf olt, %get3A_743, %select_n3A_734 : vector<16xf32>
      %select_n3A_745 = arith.select %lt3A_744, %get3A_743, %select_n3A_734 : vector<16xi1>, vector<16xf32>
      %get3A_746 = arith.constant 3 : i32
      %get3A_747 = arith.index_cast %get3A_746 : i32 to index
      %get3A_748 = arith.constant 48 : index
      %get3A_749 = tpu.vector_load %arg6[%get3A_747, %get3A_748] {strides = array<i32>} : memref<16x128xi32, #tpu.memory_space<vmem>>, vector<16xi32>,
      %select_n3A_750 = arith.select %lt3A_744, %get3A_749, %select_n3A_739 : vector<16xi1>, vector<16xi32>
      %get3A_751 = arith.constant 4 : i32
      %get3A_752 = arith.index_cast %get3A_751 : i32 to index
      %get3A_753 = arith.constant 48 : index
      %get3A_754 = tpu.vector_load %arg5[%get3A_752, %get3A_753] {strides = array<i32>} : memref<16x128xf32, #tpu.memory_space<vmem>>, vector<16xf32>,
      %lt3A_755 = arith.cmpf olt, %get3A_754, %select_n3A_745 : vector<16xf32>
      %select_n3A_756 = arith.select %lt3A_755, %get3A_754, %select_n3A_745 : vector<16xi1>, vector<16xf32>
      %get3A_757 = arith.constant 4 : i32
      %get3A_758 = arith.index_cast %get3A_757 : i32 to index
      %get3A_759 = arith.constant 48 : index
      %get3A_760 = tpu.vector_load %arg6[%get3A_758, %get3A_759] {strides = array<i32>} : memref<16x128xi32, #tpu.memory_space<vmem>>, vector<16xi32>,
      %select_n3A_761 = arith.select %lt3A_755, %get3A_760, %select_n3A_750 : vector<16xi1>, vector<16xi32>
      %get3A_762 = arith.constant 5 : i32
      %get3A_763 = arith.index_cast %get3A_762 : i32 to index
      %get3A_764 = arith.constant 48 : index
      %get3A_765 = tpu.vector_load %arg5[%get3A_763, %get3A_764] {strides = array<i32>} : memref<16x128xf32, #tpu.memory_space<vmem>>, vector<16xf32>,
      %lt3A_766 = arith.cmpf olt, %get3A_765, %select_n3A_756 : vector<16xf32>
      %select_n3A_767 = arith.select %lt3A_766, %get3A_765, %select_n3A_756 : vector<16xi1>, vector<16xf32>
      %get3A_768 = arith.constant 5 : i32
      %get3A_769 = arith.index_cast %get3A_768 : i32 to index
      %get3A_770 = arith.constant 48 : index
      %get3A_771 = tpu.vector_load %arg6[%get3A_769, %get3A_770] {strides = array<i32>} : memref<16x128xi32, #tpu.memory_space<vmem>>, vector<16xi32>,
      %select_n3A_772 = arith.select %lt3A_766, %get3A_771, %select_n3A_761 : vector<16xi1>, vector<16xi32>
      %get3A_773 = arith.constant 6 : i32
      %get3A_774 = arith.index_cast %get3A_773 : i32 to index
      %get3A_775 = arith.constant 48 : index
      %get3A_776 = tpu.vector_load %arg5[%get3A_774, %get3A_775] {strides = array<i32>} : memref<16x128xf32, #tpu.memory_space<vmem>>, vector<16xf32>,
      %lt3A_777 = arith.cmpf olt, %get3A_776, %select_n3A_767 : vector<16xf32>
      %select_n3A_778 = arith.select %lt3A_777, %get3A_776, %select_n3A_767 : vector<16xi1>, vector<16xf32>
      %get3A_779 = arith.constant 6 : i32
      %get3A_780 = arith.index_cast %get3A_779 : i32 to index
      %get3A_781 = arith.constant 48 : index
      %get3A_782 = tpu.vector_load %arg6[%get3A_780, %get3A_781] {strides = array<i32>} : memref<16x128xi32, #tpu.memory_space<vmem>>, vector<16xi32>,
      %select_n3A_783 = arith.select %lt3A_777, %get3A_782, %select_n3A_772 : vector<16xi1>, vector<16xi32>
      %get3A_784 = arith.constant 7 : i32
      %get3A_785 = arith.index_cast %get3A_784 : i32 to index
      %get3A_786 = arith.constant 48 : index
      %get3A_787 = tpu.vector_load %arg5[%get3A_785, %get3A_786] {strides = array<i32>} : memref<16x128xf32, #tpu.memory_space<vmem>>, vector<16xf32>,
      %lt3A_788 = arith.cmpf olt, %get3A_787, %select_n3A_778 : vector<16xf32>
      %select_n3A_789 = arith.select %lt3A_788, %get3A_787, %select_n3A_778 : vector<16xi1>, vector<16xf32>
      %get3A_790 = arith.constant 7 : i32
      %get3A_791 = arith.index_cast %get3A_790 : i32 to index
      %get3A_792 = arith.constant 48 : index
      %get3A_793 = tpu.vector_load %arg6[%get3A_791, %get3A_792] {strides = array<i32>} : memref<16x128xi32, #tpu.memory_space<vmem>>, vector<16xi32>,
      %select_n3A_794 = arith.select %lt3A_788, %get3A_793, %select_n3A_783 : vector<16xi1>, vector<16xi32>
      %get3A_795 = arith.constant 8 : i32
      %get3A_796 = arith.index_cast %get3A_795 : i32 to index
      %get3A_797 = arith.constant 48 : index
      %get3A_798 = tpu.vector_load %arg5[%get3A_796, %get3A_797] {strides = array<i32>} : memref<16x128xf32, #tpu.memory_space<vmem>>, vector<16xf32>,
      %lt3A_799 = arith.cmpf olt, %get3A_798, %select_n3A_789 : vector<16xf32>
      %select_n3A_800 = arith.select %lt3A_799, %get3A_798, %select_n3A_789 : vector<16xi1>, vector<16xf32>
      %get3A_801 = arith.constant 8 : i32
      %get3A_802 = arith.index_cast %get3A_801 : i32 to index
      %get3A_803 = arith.constant 48 : index
      %get3A_804 = tpu.vector_load %arg6[%get3A_802, %get3A_803] {strides = array<i32>} : memref<16x128xi32, #tpu.memory_space<vmem>>, vector<16xi32>,
      %select_n3A_805 = arith.select %lt3A_799, %get3A_804, %select_n3A_794 : vector<16xi1>, vector<16xi32>
      %get3A_806 = arith.constant 9 : i32
      %get3A_807 = arith.index_cast %get3A_806 : i32 to index
      %get3A_808 = arith.constant 48 : index
      %get3A_809 = tpu.vector_load %arg5[%get3A_807, %get3A_808] {strides = array<i32>} : memref<16x128xf32, #tpu.memory_space<vmem>>, vector<16xf32>,
      %lt3A_810 = arith.cmpf olt, %get3A_809, %select_n3A_800 : vector<16xf32>
      %select_n3A_811 = arith.select %lt3A_810, %get3A_809, %select_n3A_800 : vector<16xi1>, vector<16xf32>
      %get3A_812 = arith.constant 9 : i32
      %get3A_813 = arith.index_cast %get3A_812 : i32 to index
      %get3A_814 = arith.constant 48 : index
      %get3A_815 = tpu.vector_load %arg6[%get3A_813, %get3A_814] {strides = array<i32>} : memref<16x128xi32, #tpu.memory_space<vmem>>, vector<16xi32>,
      %select_n3A_816 = arith.select %lt3A_810, %get3A_815, %select_n3A_805 : vector<16xi1>, vector<16xi32>
      %get3A_817 = arith.constant 10 : i32
      %get3A_818 = arith.index_cast %get3A_817 : i32 to index
      %get3A_819 = arith.constant 48 : index
      %get3A_820 = tpu.vector_load %arg5[%get3A_818, %get3A_819] {strides = array<i32>} : memref<16x128xf32, #tpu.memory_space<vmem>>, vector<16xf32>,
      %lt3A_821 = arith.cmpf olt, %get3A_820, %select_n3A_811 : vector<16xf32>
      %select_n3A_822 = arith.select %lt3A_821, %get3A_820, %select_n3A_811 : vector<16xi1>, vector<16xf32>
      %get3A_823 = arith.constant 10 : i32
      %get3A_824 = arith.index_cast %get3A_823 : i32 to index
      %get3A_825 = arith.constant 48 : index
      %get3A_826 = tpu.vector_load %arg6[%get3A_824, %get3A_825] {strides = array<i32>} : memref<16x128xi32, #tpu.memory_space<vmem>>, vector<16xi32>,
      %select_n3A_827 = arith.select %lt3A_821, %get3A_826, %select_n3A_816 : vector<16xi1>, vector<16xi32>
      %get3A_828 = arith.constant 11 : i32
      %get3A_829 = arith.index_cast %get3A_828 : i32 to index
      %get3A_830 = arith.constant 48 : index
      %get3A_831 = tpu.vector_load %arg5[%get3A_829, %get3A_830] {strides = array<i32>} : memref<16x128xf32, #tpu.memory_space<vmem>>, vector<16xf32>,
      %lt3A_832 = arith.cmpf olt, %get3A_831, %select_n3A_822 : vector<16xf32>
      %select_n3A_833 = arith.select %lt3A_832, %get3A_831, %select_n3A_822 : vector<16xi1>, vector<16xf32>
      %get3A_834 = arith.constant 11 : i32
      %get3A_835 = arith.index_cast %get3A_834 : i32 to index
      %get3A_836 = arith.constant 48 : index
      %get3A_837 = tpu.vector_load %arg6[%get3A_835, %get3A_836] {strides = array<i32>} : memref<16x128xi32, #tpu.memory_space<vmem>>, vector<16xi32>,
      %select_n3A_838 = arith.select %lt3A_832, %get3A_837, %select_n3A_827 : vector<16xi1>, vector<16xi32>
      %get3A_839 = arith.constant 12 : i32
      %get3A_840 = arith.index_cast %get3A_839 : i32 to index
      %get3A_841 = arith.constant 48 : index
      %get3A_842 = tpu.vector_load %arg5[%get3A_840, %get3A_841] {strides = array<i32>} : memref<16x128xf32, #tpu.memory_space<vmem>>, vector<16xf32>,
      %lt3A_843 = arith.cmpf olt, %get3A_842, %select_n3A_833 : vector<16xf32>
      %select_n3A_844 = arith.select %lt3A_843, %get3A_842, %select_n3A_833 : vector<16xi1>, vector<16xf32>
      %get3A_845 = arith.constant 12 : i32
      %get3A_846 = arith.index_cast %get3A_845 : i32 to index
      %get3A_847 = arith.constant 48 : index
      %get3A_848 = tpu.vector_load %arg6[%get3A_846, %get3A_847] {strides = array<i32>} : memref<16x128xi32, #tpu.memory_space<vmem>>, vector<16xi32>,
      %select_n3A_849 = arith.select %lt3A_843, %get3A_848, %select_n3A_838 : vector<16xi1>, vector<16xi32>
      %get3A_850 = arith.constant 13 : i32
      %get3A_851 = arith.index_cast %get3A_850 : i32 to index
      %get3A_852 = arith.constant 48 : index
      %get3A_853 = tpu.vector_load %arg5[%get3A_851, %get3A_852] {strides = array<i32>} : memref<16x128xf32, #tpu.memory_space<vmem>>, vector<16xf32>,
      %lt3A_854 = arith.cmpf olt, %get3A_853, %select_n3A_844 : vector<16xf32>
      %select_n3A_855 = arith.select %lt3A_854, %get3A_853, %select_n3A_844 : vector<16xi1>, vector<16xf32>
      %get3A_856 = arith.constant 13 : i32
      %get3A_857 = arith.index_cast %get3A_856 : i32 to index
      %get3A_858 = arith.constant 48 : index
      %get3A_859 = tpu.vector_load %arg6[%get3A_857, %get3A_858] {strides = array<i32>} : memref<16x128xi32, #tpu.memory_space<vmem>>, vector<16xi32>,
      %select_n3A_860 = arith.select %lt3A_854, %get3A_859, %select_n3A_849 : vector<16xi1>, vector<16xi32>
      %get3A_861 = arith.constant 14 : i32
      %get3A_862 = arith.index_cast %get3A_861 : i32 to index
      %get3A_863 = arith.constant 48 : index
      %get3A_864 = tpu.vector_load %arg5[%get3A_862, %get3A_863] {strides = array<i32>} : memref<16x128xf32, #tpu.memory_space<vmem>>, vector<16xf32>,
      %lt3A_865 = arith.cmpf olt, %get3A_864, %select_n3A_855 : vector<16xf32>
      %select_n3A_866 = arith.select %lt3A_865, %get3A_864, %select_n3A_855 : vector<16xi1>, vector<16xf32>
      %get3A_867 = arith.constant 14 : i32
      %get3A_868 = arith.index_cast %get3A_867 : i32 to index
      %get3A_869 = arith.constant 48 : index
      %get3A_870 = tpu.vector_load %arg6[%get3A_868, %get3A_869] {strides = array<i32>} : memref<16x128xi32, #tpu.memory_space<vmem>>, vector<16xi32>,
      %select_n3A_871 = arith.select %lt3A_865, %get3A_870, %select_n3A_860 : vector<16xi1>, vector<16xi32>
      %get3A_872 = arith.constant 15 : i32
      %get3A_873 = arith.index_cast %get3A_872 : i32 to index
      %get3A_874 = arith.constant 48 : index
      %get3A_875 = tpu.vector_load %arg5[%get3A_873, %get3A_874] {strides = array<i32>} : memref<16x128xf32, #tpu.memory_space<vmem>>, vector<16xf32>,
      %lt3A_876 = arith.cmpf olt, %get3A_875, %select_n3A_866 : vector<16xf32>
      %select_n3A_877 = arith.select %lt3A_876, %get3A_875, %select_n3A_866 : vector<16xi1>, vector<16xf32>
      %get3A_878 = arith.constant 15 : i32
      %get3A_879 = arith.index_cast %get3A_878 : i32 to index
      %get3A_880 = arith.constant 48 : index
      %get3A_881 = tpu.vector_load %arg6[%get3A_879, %get3A_880] {strides = array<i32>} : memref<16x128xi32, #tpu.memory_space<vmem>>, vector<16xi32>,
      %select_n3A_882 = arith.select %lt3A_876, %get3A_881, %select_n3A_871 : vector<16xi1>, vector<16xi32>
      %jit3A_883 = arith.constant 64 : i32
      %div3A_884 = vector.broadcast %jit3A_883 : i32 to vector<16xi32>
      %div3A_885 = arith.divsi %select_n3A_882, %div3A_884 : vector<16xi32>
      %sign3A_886 = arith.constant 0 : i32
      %sign3A_887 = vector.broadcast %sign3A_886 : i32 to vector<16xi32>
      %sign3A_888 = arith.cmpi sgt, %select_n3A_882, %sign3A_887 : vector<16xi32>
      %sign3A_889 = arith.extui %sign3A_888 : vector<16xi1> to vector<16xi32>
      %sign3A_890 = arith.constant 0 : i32
      %sign3A_891 = vector.broadcast %sign3A_890 : i32 to vector<16xi32>
      %sign3A_892 = arith.cmpi slt, %select_n3A_882, %sign3A_891 : vector<16xi32>
      %sign3A_893 = arith.extui %sign3A_892 : vector<16xi1> to vector<16xi32>
      %sign3A_894 = arith.subi %sign3A_889, %sign3A_893 : vector<16xi32>
      %sign3A_895 = arith.constant 0 : i32
      %sign3A_896 = arith.cmpi sgt, %jit3A_883, %sign3A_895 : i32
      %sign3A_897 = arith.extui %sign3A_896 : i1 to i32
      %sign3A_898 = arith.constant 0 : i32
      %sign3A_899 = arith.cmpi slt, %jit3A_883, %sign3A_898 : i32
      %sign3A_900 = arith.extui %sign3A_899 : i1 to i32
      %sign3A_901 = arith.subi %sign3A_897, %sign3A_900 : i32
      %ne3A_902 = vector.broadcast %sign3A_901 : i32 to vector<16xi32>
      %ne3A_903 = arith.cmpi ne, %sign3A_894, %ne3A_902 : vector<16xi32>
      %rem3A_904 = vector.broadcast %jit3A_883 : i32 to vector<16xi32>
      %rem3A_905 = arith.remsi %select_n3A_882, %rem3A_904 : vector<16xi32>
      %ne3A_906 = arith.constant 0 : i32
      %ne3A_907 = vector.broadcast %ne3A_906 : i32 to vector<16xi32>
      %ne3A_908 = arith.cmpi ne, %rem3A_905, %ne3A_907 : vector<16xi32>
      %and3A_909 = arith.andi %ne3A_903, %ne3A_908 : vector<16xi1>
      %sub3A_910 = arith.constant 1 : i32
      %sub3A_911 = vector.broadcast %sub3A_910 : i32 to vector<16xi32>
      %sub3A_912 = arith.subi %div3A_885, %sub3A_911 : vector<16xi32>
      %select_n3A_913 = arith.select %and3A_909, %sub3A_912, %div3A_885 : vector<16xi1>, vector<16xi32>
      %swap3A_914 = arith.constant 0 : i32
      %swap3A_915 = arith.index_cast %swap3A_914 : i32 to index
      %swap3A_916 = arith.constant 48 : index
      %swap3A_917 = tpu.vector_load %arg7[%swap3A_915, %swap3A_916] {strides = array<i32>} : memref<2x128xi32, #tpu.memory_space<vmem>>, vector<16xi32>,
      tpu.vector_store %arg7[%swap3A_915, %swap3A_916], %select_n3A_913 {strides = array<i32>} : memref<2x128xi32, #tpu.memory_space<vmem>>, vector<16xi32>,
      %jit3A_918 = arith.constant 64 : i32
      %eq3A_919 = arith.constant 0 : i32
      %eq3A_920 = arith.cmpi eq, %jit3A_918, %eq3A_919 : i32
      %jit3A_921 = arith.constant 1 : i32
      %select_n3A_922 = arith.select %eq3A_920, %jit3A_921, %jit3A_918 : i32
      %rem3A_923 = vector.broadcast %select_n3A_922 : i32 to vector<16xi32>
      %rem3A_924 = arith.remsi %select_n3A_882, %rem3A_923 : vector<16xi32>
      %ne3A_925 = arith.constant 0 : i32
      %ne3A_926 = vector.broadcast %ne3A_925 : i32 to vector<16xi32>
      %ne3A_927 = arith.cmpi ne, %rem3A_924, %ne3A_926 : vector<16xi32>
      %lt3A_928 = arith.constant 0 : i32
      %lt3A_929 = vector.broadcast %lt3A_928 : i32 to vector<16xi32>
      %lt3A_930 = arith.cmpi slt, %rem3A_924, %lt3A_929 : vector<16xi32>
      %lt3A_931 = arith.constant 0 : i32
      %lt3A_932 = arith.cmpi slt, %select_n3A_922, %lt3A_931 : i32
      %ne3A_933 = vector.broadcast %lt3A_932 : i1 to vector<16xi1>
      %ne3A_934 = vector.broadcast %ne3A_933 : vector<16xi1> to vector<16xi1>
      %ne3A_935 = arith.xori %lt3A_930, %ne3A_934 : vector<16xi1>
      %and3A_936 = arith.andi %ne3A_935, %ne3A_927 : vector<16xi1>
      %add3A_937 = vector.broadcast %select_n3A_922 : i32 to vector<16xi32>
      %add3A_938 = arith.addi %rem3A_924, %add3A_937 : vector<16xi32>
      %select_n3A_939 = arith.select %and3A_936, %add3A_938, %rem3A_924 : vector<16xi1>, vector<16xi32>
      %swap3A_940 = arith.constant 1 : i32
      %swap3A_941 = arith.index_cast %swap3A_940 : i32 to index
      %swap3A_942 = arith.constant 48 : index
      %swap3A_943 = tpu.vector_load %arg7[%swap3A_941, %swap3A_942] {strides = array<i32>} : memref<2x128xi32, #tpu.memory_space<vmem>>, vector<16xi32>,
      tpu.vector_store %arg7[%swap3A_941, %swap3A_942], %select_n3A_939 {strides = array<i32>} : memref<2x128xi32, #tpu.memory_space<vmem>>, vector<16xi32>,
      %get3A_944 = arith.constant 0 : i32
      %get3A_945 = arith.index_cast %get3A_944 : i32 to index
      %get3A_946 = arith.constant 64 : index
      %get3A_947 = tpu.vector_load %arg5[%get3A_945, %get3A_946] {strides = array<i32>} : memref<16x128xf32, #tpu.memory_space<vmem>>, vector<16xf32>,
      %get3A_948 = arith.constant 0 : i32
      %get3A_949 = arith.index_cast %get3A_948 : i32 to index
      %get3A_950 = arith.constant 64 : index
      %get3A_951 = tpu.vector_load %arg6[%get3A_949, %get3A_950] {strides = array<i32>} : memref<16x128xi32, #tpu.memory_space<vmem>>, vector<16xi32>,
      %get3A_952 = arith.constant 1 : i32
      %get3A_953 = arith.index_cast %get3A_952 : i32 to index
      %get3A_954 = arith.constant 64 : index
      %get3A_955 = tpu.vector_load %arg5[%get3A_953, %get3A_954] {strides = array<i32>} : memref<16x128xf32, #tpu.memory_space<vmem>>, vector<16xf32>,
      %lt3A_956 = arith.cmpf olt, %get3A_955, %get3A_947 : vector<16xf32>
      %select_n3A_957 = arith.select %lt3A_956, %get3A_955, %get3A_947 : vector<16xi1>, vector<16xf32>
      %get3A_958 = arith.constant 1 : i32
      %get3A_959 = arith.index_cast %get3A_958 : i32 to index
      %get3A_960 = arith.constant 64 : index
      %get3A_961 = tpu.vector_load %arg6[%get3A_959, %get3A_960] {strides = array<i32>} : memref<16x128xi32, #tpu.memory_space<vmem>>, vector<16xi32>,
      %select_n3A_962 = arith.select %lt3A_956, %get3A_961, %get3A_951 : vector<16xi1>, vector<16xi32>
      %get3A_963 = arith.constant 2 : i32
      %get3A_964 = arith.index_cast %get3A_963 : i32 to index
      %get3A_965 = arith.constant 64 : index
      %get3A_966 = tpu.vector_load %arg5[%get3A_964, %get3A_965] {strides = array<i32>} : memref<16x128xf32, #tpu.memory_space<vmem>>, vector<16xf32>,
      %lt3A_967 = arith.cmpf olt, %get3A_966, %select_n3A_957 : vector<16xf32>
      %select_n3A_968 = arith.select %lt3A_967, %get3A_966, %select_n3A_957 : vector<16xi1>, vector<16xf32>
      %get3A_969 = arith.constant 2 : i32
      %get3A_970 = arith.index_cast %get3A_969 : i32 to index
      %get3A_971 = arith.constant 64 : index
      %get3A_972 = tpu.vector_load %arg6[%get3A_970, %get3A_971] {strides = array<i32>} : memref<16x128xi32, #tpu.memory_space<vmem>>, vector<16xi32>,
      %select_n3A_973 = arith.select %lt3A_967, %get3A_972, %select_n3A_962 : vector<16xi1>, vector<16xi32>
      %get3A_974 = arith.constant 3 : i32
      %get3A_975 = arith.index_cast %get3A_974 : i32 to index
      %get3A_976 = arith.constant 64 : index
      %get3A_977 = tpu.vector_load %arg5[%get3A_975, %get3A_976] {strides = array<i32>} : memref<16x128xf32, #tpu.memory_space<vmem>>, vector<16xf32>,
      %lt3A_978 = arith.cmpf olt, %get3A_977, %select_n3A_968 : vector<16xf32>
      %select_n3A_979 = arith.select %lt3A_978, %get3A_977, %select_n3A_968 : vector<16xi1>, vector<16xf32>
      %get3A_980 = arith.constant 3 : i32
      %get3A_981 = arith.index_cast %get3A_980 : i32 to index
      %get3A_982 = arith.constant 64 : index
      %get3A_983 = tpu.vector_load %arg6[%get3A_981, %get3A_982] {strides = array<i32>} : memref<16x128xi32, #tpu.memory_space<vmem>>, vector<16xi32>,
      %select_n3A_984 = arith.select %lt3A_978, %get3A_983, %select_n3A_973 : vector<16xi1>, vector<16xi32>
      %get3A_985 = arith.constant 4 : i32
      %get3A_986 = arith.index_cast %get3A_985 : i32 to index
      %get3A_987 = arith.constant 64 : index
      %get3A_988 = tpu.vector_load %arg5[%get3A_986, %get3A_987] {strides = array<i32>} : memref<16x128xf32, #tpu.memory_space<vmem>>, vector<16xf32>,
      %lt3A_989 = arith.cmpf olt, %get3A_988, %select_n3A_979 : vector<16xf32>
      %select_n3A_990 = arith.select %lt3A_989, %get3A_988, %select_n3A_979 : vector<16xi1>, vector<16xf32>
      %get3A_991 = arith.constant 4 : i32
      %get3A_992 = arith.index_cast %get3A_991 : i32 to index
      %get3A_993 = arith.constant 64 : index
      %get3A_994 = tpu.vector_load %arg6[%get3A_992, %get3A_993] {strides = array<i32>} : memref<16x128xi32, #tpu.memory_space<vmem>>, vector<16xi32>,
      %select_n3A_995 = arith.select %lt3A_989, %get3A_994, %select_n3A_984 : vector<16xi1>, vector<16xi32>
      %get3A_996 = arith.constant 5 : i32
      %get3A_997 = arith.index_cast %get3A_996 : i32 to index
      %get3A_998 = arith.constant 64 : index
      %get3A_999 = tpu.vector_load %arg5[%get3A_997, %get3A_998] {strides = array<i32>} : memref<16x128xf32, #tpu.memory_space<vmem>>, vector<16xf32>,
      %lt3A_1000 = arith.cmpf olt, %get3A_999, %select_n3A_990 : vector<16xf32>
      %select_n3A_1001 = arith.select %lt3A_1000, %get3A_999, %select_n3A_990 : vector<16xi1>, vector<16xf32>
      %get3A_1002 = arith.constant 5 : i32
      %get3A_1003 = arith.index_cast %get3A_1002 : i32 to index
      %get3A_1004 = arith.constant 64 : index
      %get3A_1005 = tpu.vector_load %arg6[%get3A_1003, %get3A_1004] {strides = array<i32>} : memref<16x128xi32, #tpu.memory_space<vmem>>, vector<16xi32>,
      %select_n3A_1006 = arith.select %lt3A_1000, %get3A_1005, %select_n3A_995 : vector<16xi1>, vector<16xi32>
      %get3A_1007 = arith.constant 6 : i32
      %get3A_1008 = arith.index_cast %get3A_1007 : i32 to index
      %get3A_1009 = arith.constant 64 : index
      %get3A_1010 = tpu.vector_load %arg5[%get3A_1008, %get3A_1009] {strides = array<i32>} : memref<16x128xf32, #tpu.memory_space<vmem>>, vector<16xf32>,
      %lt3A_1011 = arith.cmpf olt, %get3A_1010, %select_n3A_1001 : vector<16xf32>
      %select_n3A_1012 = arith.select %lt3A_1011, %get3A_1010, %select_n3A_1001 : vector<16xi1>, vector<16xf32>
      %get3A_1013 = arith.constant 6 : i32
      %get3A_1014 = arith.index_cast %get3A_1013 : i32 to index
      %get3A_1015 = arith.constant 64 : index
      %get3A_1016 = tpu.vector_load %arg6[%get3A_1014, %get3A_1015] {strides = array<i32>} : memref<16x128xi32, #tpu.memory_space<vmem>>, vector<16xi32>,
      %select_n3A_1017 = arith.select %lt3A_1011, %get3A_1016, %select_n3A_1006 : vector<16xi1>, vector<16xi32>
      %get3A_1018 = arith.constant 7 : i32
      %get3A_1019 = arith.index_cast %get3A_1018 : i32 to index
      %get3A_1020 = arith.constant 64 : index
      %get3A_1021 = tpu.vector_load %arg5[%get3A_1019, %get3A_1020] {strides = array<i32>} : memref<16x128xf32, #tpu.memory_space<vmem>>, vector<16xf32>,
      %lt3A_1022 = arith.cmpf olt, %get3A_1021, %select_n3A_1012 : vector<16xf32>
      %select_n3A_1023 = arith.select %lt3A_1022, %get3A_1021, %select_n3A_1012 : vector<16xi1>, vector<16xf32>
      %get3A_1024 = arith.constant 7 : i32
      %get3A_1025 = arith.index_cast %get3A_1024 : i32 to index
      %get3A_1026 = arith.constant 64 : index
      %get3A_1027 = tpu.vector_load %arg6[%get3A_1025, %get3A_1026] {strides = array<i32>} : memref<16x128xi32, #tpu.memory_space<vmem>>, vector<16xi32>,
      %select_n3A_1028 = arith.select %lt3A_1022, %get3A_1027, %select_n3A_1017 : vector<16xi1>, vector<16xi32>
      %get3A_1029 = arith.constant 8 : i32
      %get3A_1030 = arith.index_cast %get3A_1029 : i32 to index
      %get3A_1031 = arith.constant 64 : index
      %get3A_1032 = tpu.vector_load %arg5[%get3A_1030, %get3A_1031] {strides = array<i32>} : memref<16x128xf32, #tpu.memory_space<vmem>>, vector<16xf32>,
      %lt3A_1033 = arith.cmpf olt, %get3A_1032, %select_n3A_1023 : vector<16xf32>
      %select_n3A_1034 = arith.select %lt3A_1033, %get3A_1032, %select_n3A_1023 : vector<16xi1>, vector<16xf32>
      %get3A_1035 = arith.constant 8 : i32
      %get3A_1036 = arith.index_cast %get3A_1035 : i32 to index
      %get3A_1037 = arith.constant 64 : index
      %get3A_1038 = tpu.vector_load %arg6[%get3A_1036, %get3A_1037] {strides = array<i32>} : memref<16x128xi32, #tpu.memory_space<vmem>>, vector<16xi32>,
      %select_n3A_1039 = arith.select %lt3A_1033, %get3A_1038, %select_n3A_1028 : vector<16xi1>, vector<16xi32>
      %get3A_1040 = arith.constant 9 : i32
      %get3A_1041 = arith.index_cast %get3A_1040 : i32 to index
      %get3A_1042 = arith.constant 64 : index
      %get3A_1043 = tpu.vector_load %arg5[%get3A_1041, %get3A_1042] {strides = array<i32>} : memref<16x128xf32, #tpu.memory_space<vmem>>, vector<16xf32>,
      %lt3A_1044 = arith.cmpf olt, %get3A_1043, %select_n3A_1034 : vector<16xf32>
      %select_n3A_1045 = arith.select %lt3A_1044, %get3A_1043, %select_n3A_1034 : vector<16xi1>, vector<16xf32>
      %get3A_1046 = arith.constant 9 : i32
      %get3A_1047 = arith.index_cast %get3A_1046 : i32 to index
      %get3A_1048 = arith.constant 64 : index
      %get3A_1049 = tpu.vector_load %arg6[%get3A_1047, %get3A_1048] {strides = array<i32>} : memref<16x128xi32, #tpu.memory_space<vmem>>, vector<16xi32>,
      %select_n3A_1050 = arith.select %lt3A_1044, %get3A_1049, %select_n3A_1039 : vector<16xi1>, vector<16xi32>
      %get3A_1051 = arith.constant 10 : i32
      %get3A_1052 = arith.index_cast %get3A_1051 : i32 to index
      %get3A_1053 = arith.constant 64 : index
      %get3A_1054 = tpu.vector_load %arg5[%get3A_1052, %get3A_1053] {strides = array<i32>} : memref<16x128xf32, #tpu.memory_space<vmem>>, vector<16xf32>,
      %lt3A_1055 = arith.cmpf olt, %get3A_1054, %select_n3A_1045 : vector<16xf32>
      %select_n3A_1056 = arith.select %lt3A_1055, %get3A_1054, %select_n3A_1045 : vector<16xi1>, vector<16xf32>
      %get3A_1057 = arith.constant 10 : i32
      %get3A_1058 = arith.index_cast %get3A_1057 : i32 to index
      %get3A_1059 = arith.constant 64 : index
      %get3A_1060 = tpu.vector_load %arg6[%get3A_1058, %get3A_1059] {strides = array<i32>} : memref<16x128xi32, #tpu.memory_space<vmem>>, vector<16xi32>,
      %select_n3A_1061 = arith.select %lt3A_1055, %get3A_1060, %select_n3A_1050 : vector<16xi1>, vector<16xi32>
      %get3A_1062 = arith.constant 11 : i32
      %get3A_1063 = arith.index_cast %get3A_1062 : i32 to index
      %get3A_1064 = arith.constant 64 : index
      %get3A_1065 = tpu.vector_load %arg5[%get3A_1063, %get3A_1064] {strides = array<i32>} : memref<16x128xf32, #tpu.memory_space<vmem>>, vector<16xf32>,
      %lt3A_1066 = arith.cmpf olt, %get3A_1065, %select_n3A_1056 : vector<16xf32>
      %select_n3A_1067 = arith.select %lt3A_1066, %get3A_1065, %select_n3A_1056 : vector<16xi1>, vector<16xf32>
      %get3A_1068 = arith.constant 11 : i32
      %get3A_1069 = arith.index_cast %get3A_1068 : i32 to index
      %get3A_1070 = arith.constant 64 : index
      %get3A_1071 = tpu.vector_load %arg6[%get3A_1069, %get3A_1070] {strides = array<i32>} : memref<16x128xi32, #tpu.memory_space<vmem>>, vector<16xi32>,
      %select_n3A_1072 = arith.select %lt3A_1066, %get3A_1071, %select_n3A_1061 : vector<16xi1>, vector<16xi32>
      %get3A_1073 = arith.constant 12 : i32
      %get3A_1074 = arith.index_cast %get3A_1073 : i32 to index
      %get3A_1075 = arith.constant 64 : index
      %get3A_1076 = tpu.vector_load %arg5[%get3A_1074, %get3A_1075] {strides = array<i32>} : memref<16x128xf32, #tpu.memory_space<vmem>>, vector<16xf32>,
      %lt3A_1077 = arith.cmpf olt, %get3A_1076, %select_n3A_1067 : vector<16xf32>
      %select_n3A_1078 = arith.select %lt3A_1077, %get3A_1076, %select_n3A_1067 : vector<16xi1>, vector<16xf32>
      %get3A_1079 = arith.constant 12 : i32
      %get3A_1080 = arith.index_cast %get3A_1079 : i32 to index
      %get3A_1081 = arith.constant 64 : index
      %get3A_1082 = tpu.vector_load %arg6[%get3A_1080, %get3A_1081] {strides = array<i32>} : memref<16x128xi32, #tpu.memory_space<vmem>>, vector<16xi32>,
      %select_n3A_1083 = arith.select %lt3A_1077, %get3A_1082, %select_n3A_1072 : vector<16xi1>, vector<16xi32>
      %get3A_1084 = arith.constant 13 : i32
      %get3A_1085 = arith.index_cast %get3A_1084 : i32 to index
      %get3A_1086 = arith.constant 64 : index
      %get3A_1087 = tpu.vector_load %arg5[%get3A_1085, %get3A_1086] {strides = array<i32>} : memref<16x128xf32, #tpu.memory_space<vmem>>, vector<16xf32>,
      %lt3A_1088 = arith.cmpf olt, %get3A_1087, %select_n3A_1078 : vector<16xf32>
      %select_n3A_1089 = arith.select %lt3A_1088, %get3A_1087, %select_n3A_1078 : vector<16xi1>, vector<16xf32>
      %get3A_1090 = arith.constant 13 : i32
      %get3A_1091 = arith.index_cast %get3A_1090 : i32 to index
      %get3A_1092 = arith.constant 64 : index
      %get3A_1093 = tpu.vector_load %arg6[%get3A_1091, %get3A_1092] {strides = array<i32>} : memref<16x128xi32, #tpu.memory_space<vmem>>, vector<16xi32>,
      %select_n3A_1094 = arith.select %lt3A_1088, %get3A_1093, %select_n3A_1083 : vector<16xi1>, vector<16xi32>
      %get3A_1095 = arith.constant 14 : i32
      %get3A_1096 = arith.index_cast %get3A_1095 : i32 to index
      %get3A_1097 = arith.constant 64 : index
      %get3A_1098 = tpu.vector_load %arg5[%get3A_1096, %get3A_1097] {strides = array<i32>} : memref<16x128xf32, #tpu.memory_space<vmem>>, vector<16xf32>,
      %lt3A_1099 = arith.cmpf olt, %get3A_1098, %select_n3A_1089 : vector<16xf32>
      %select_n3A_1100 = arith.select %lt3A_1099, %get3A_1098, %select_n3A_1089 : vector<16xi1>, vector<16xf32>
      %get3A_1101 = arith.constant 14 : i32
      %get3A_1102 = arith.index_cast %get3A_1101 : i32 to index
      %get3A_1103 = arith.constant 64 : index
      %get3A_1104 = tpu.vector_load %arg6[%get3A_1102, %get3A_1103] {strides = array<i32>} : memref<16x128xi32, #tpu.memory_space<vmem>>, vector<16xi32>,
      %select_n3A_1105 = arith.select %lt3A_1099, %get3A_1104, %select_n3A_1094 : vector<16xi1>, vector<16xi32>
      %get3A_1106 = arith.constant 15 : i32
      %get3A_1107 = arith.index_cast %get3A_1106 : i32 to index
      %get3A_1108 = arith.constant 64 : index
      %get3A_1109 = tpu.vector_load %arg5[%get3A_1107, %get3A_1108] {strides = array<i32>} : memref<16x128xf32, #tpu.memory_space<vmem>>, vector<16xf32>,
      %lt3A_1110 = arith.cmpf olt, %get3A_1109, %select_n3A_1100 : vector<16xf32>
      %select_n3A_1111 = arith.select %lt3A_1110, %get3A_1109, %select_n3A_1100 : vector<16xi1>, vector<16xf32>
      %get3A_1112 = arith.constant 15 : i32
      %get3A_1113 = arith.index_cast %get3A_1112 : i32 to index
      %get3A_1114 = arith.constant 64 : index
      %get3A_1115 = tpu.vector_load %arg6[%get3A_1113, %get3A_1114] {strides = array<i32>} : memref<16x128xi32, #tpu.memory_space<vmem>>, vector<16xi32>,
      %select_n3A_1116 = arith.select %lt3A_1110, %get3A_1115, %select_n3A_1105 : vector<16xi1>, vector<16xi32>
      %jit3A_1117 = arith.constant 64 : i32
      %div3A_1118 = vector.broadcast %jit3A_1117 : i32 to vector<16xi32>
      %div3A_1119 = arith.divsi %select_n3A_1116, %div3A_1118 : vector<16xi32>
      %sign3A_1120 = arith.constant 0 : i32
      %sign3A_1121 = vector.broadcast %sign3A_1120 : i32 to vector<16xi32>
      %sign3A_1122 = arith.cmpi sgt, %select_n3A_1116, %sign3A_1121 : vector<16xi32>
      %sign3A_1123 = arith.extui %sign3A_1122 : vector<16xi1> to vector<16xi32>
      %sign3A_1124 = arith.constant 0 : i32
      %sign3A_1125 = vector.broadcast %sign3A_1124 : i32 to vector<16xi32>
      %sign3A_1126 = arith.cmpi slt, %select_n3A_1116, %sign3A_1125 : vector<16xi32>
      %sign3A_1127 = arith.extui %sign3A_1126 : vector<16xi1> to vector<16xi32>
      %sign3A_1128 = arith.subi %sign3A_1123, %sign3A_1127 : vector<16xi32>
      %sign3A_1129 = arith.constant 0 : i32
      %sign3A_1130 = arith.cmpi sgt, %jit3A_1117, %sign3A_1129 : i32
      %sign3A_1131 = arith.extui %sign3A_1130 : i1 to i32
      %sign3A_1132 = arith.constant 0 : i32
      %sign3A_1133 = arith.cmpi slt, %jit3A_1117, %sign3A_1132 : i32
      %sign3A_1134 = arith.extui %sign3A_1133 : i1 to i32
      %sign3A_1135 = arith.subi %sign3A_1131, %sign3A_1134 : i32
      %ne3A_1136 = vector.broadcast %sign3A_1135 : i32 to vector<16xi32>
      %ne3A_1137 = arith.cmpi ne, %sign3A_1128, %ne3A_1136 : vector<16xi32>
      %rem3A_1138 = vector.broadcast %jit3A_1117 : i32 to vector<16xi32>
      %rem3A_1139 = arith.remsi %select_n3A_1116, %rem3A_1138 : vector<16xi32>
      %ne3A_1140 = arith.constant 0 : i32
      %ne3A_1141 = vector.broadcast %ne3A_1140 : i32 to vector<16xi32>
      %ne3A_1142 = arith.cmpi ne, %rem3A_1139, %ne3A_1141 : vector<16xi32>
      %and3A_1143 = arith.andi %ne3A_1137, %ne3A_1142 : vector<16xi1>
      %sub3A_1144 = arith.constant 1 : i32
      %sub3A_1145 = vector.broadcast %sub3A_1144 : i32 to vector<16xi32>
      %sub3A_1146 = arith.subi %div3A_1119, %sub3A_1145 : vector<16xi32>
      %select_n3A_1147 = arith.select %and3A_1143, %sub3A_1146, %div3A_1119 : vector<16xi1>, vector<16xi32>
      %swap3A_1148 = arith.constant 0 : i32
      %swap3A_1149 = arith.index_cast %swap3A_1148 : i32 to index
      %swap3A_1150 = arith.constant 64 : index
      %swap3A_1151 = tpu.vector_load %arg7[%swap3A_1149, %swap3A_1150] {strides = array<i32>} : memref<2x128xi32, #tpu.memory_space<vmem>>, vector<16xi32>,
      tpu.vector_store %arg7[%swap3A_1149, %swap3A_1150], %select_n3A_1147 {strides = array<i32>} : memref<2x128xi32, #tpu.memory_space<vmem>>, vector<16xi32>,
      %jit3A_1152 = arith.constant 64 : i32
      %eq3A_1153 = arith.constant 0 : i32
      %eq3A_1154 = arith.cmpi eq, %jit3A_1152, %eq3A_1153 : i32
      %jit3A_1155 = arith.constant 1 : i32
      %select_n3A_1156 = arith.select %eq3A_1154, %jit3A_1155, %jit3A_1152 : i32
      %rem3A_1157 = vector.broadcast %select_n3A_1156 : i32 to vector<16xi32>
      %rem3A_1158 = arith.remsi %select_n3A_1116, %rem3A_1157 : vector<16xi32>
      %ne3A_1159 = arith.constant 0 : i32
      %ne3A_1160 = vector.broadcast %ne3A_1159 : i32 to vector<16xi32>
      %ne3A_1161 = arith.cmpi ne, %rem3A_1158, %ne3A_1160 : vector<16xi32>
      %lt3A_1162 = arith.constant 0 : i32
      %lt3A_1163 = vector.broadcast %lt3A_1162 : i32 to vector<16xi32>
      %lt3A_1164 = arith.cmpi slt, %rem3A_1158, %lt3A_1163 : vector<16xi32>
      %lt3A_1165 = arith.constant 0 : i32
      %lt3A_1166 = arith.cmpi slt, %select_n3A_1156, %lt3A_1165 : i32
      %ne3A_1167 = vector.broadcast %lt3A_1166 : i1 to vector<16xi1>
      %ne3A_1168 = vector.broadcast %ne3A_1167 : vector<16xi1> to vector<16xi1>
      %ne3A_1169 = arith.xori %lt3A_1164, %ne3A_1168 : vector<16xi1>
      %and3A_1170 = arith.andi %ne3A_1169, %ne3A_1161 : vector<16xi1>
      %add3A_1171 = vector.broadcast %select_n3A_1156 : i32 to vector<16xi32>
      %add3A_1172 = arith.addi %rem3A_1158, %add3A_1171 : vector<16xi32>
      %select_n3A_1173 = arith.select %and3A_1170, %add3A_1172, %rem3A_1158 : vector<16xi1>, vector<16xi32>
      %swap3A_1174 = arith.constant 1 : i32
      %swap3A_1175 = arith.index_cast %swap3A_1174 : i32 to index
      %swap3A_1176 = arith.constant 64 : index
      %swap3A_1177 = tpu.vector_load %arg7[%swap3A_1175, %swap3A_1176] {strides = array<i32>} : memref<2x128xi32, #tpu.memory_space<vmem>>, vector<16xi32>,
      tpu.vector_store %arg7[%swap3A_1175, %swap3A_1176], %select_n3A_1173 {strides = array<i32>} : memref<2x128xi32, #tpu.memory_space<vmem>>, vector<16xi32>,
      %get3A_1178 = arith.constant 0 : i32
      %get3A_1179 = arith.index_cast %get3A_1178 : i32 to index
      %get3A_1180 = arith.constant 80 : index
      %get3A_1181 = tpu.vector_load %arg5[%get3A_1179, %get3A_1180] {strides = array<i32>} : memref<16x128xf32, #tpu.memory_space<vmem>>, vector<16xf32>,
      %get3A_1182 = arith.constant 0 : i32
      %get3A_1183 = arith.index_cast %get3A_1182 : i32 to index
      %get3A_1184 = arith.constant 80 : index
      %get3A_1185 = tpu.vector_load %arg6[%get3A_1183, %get3A_1184] {strides = array<i32>} : memref<16x128xi32, #tpu.memory_space<vmem>>, vector<16xi32>,
      %get3A_1186 = arith.constant 1 : i32
      %get3A_1187 = arith.index_cast %get3A_1186 : i32 to index
      %get3A_1188 = arith.constant 80 : index
      %get3A_1189 = tpu.vector_load %arg5[%get3A_1187, %get3A_1188] {strides = array<i32>} : memref<16x128xf32, #tpu.memory_space<vmem>>, vector<16xf32>,
      %lt3A_1190 = arith.cmpf olt, %get3A_1189, %get3A_1181 : vector<16xf32>
      %select_n3A_1191 = arith.select %lt3A_1190, %get3A_1189, %get3A_1181 : vector<16xi1>, vector<16xf32>
      %get3A_1192 = arith.constant 1 : i32
      %get3A_1193 = arith.index_cast %get3A_1192 : i32 to index
      %get3A_1194 = arith.constant 80 : index
      %get3A_1195 = tpu.vector_load %arg6[%get3A_1193, %get3A_1194] {strides = array<i32>} : memref<16x128xi32, #tpu.memory_space<vmem>>, vector<16xi32>,
      %select_n3A_1196 = arith.select %lt3A_1190, %get3A_1195, %get3A_1185 : vector<16xi1>, vector<16xi32>
      %get3A_1197 = arith.constant 2 : i32
      %get3A_1198 = arith.index_cast %get3A_1197 : i32 to index
      %get3A_1199 = arith.constant 80 : index
      %get3A_1200 = tpu.vector_load %arg5[%get3A_1198, %get3A_1199] {strides = array<i32>} : memref<16x128xf32, #tpu.memory_space<vmem>>, vector<16xf32>,
      %lt3A_1201 = arith.cmpf olt, %get3A_1200, %select_n3A_1191 : vector<16xf32>
      %select_n3A_1202 = arith.select %lt3A_1201, %get3A_1200, %select_n3A_1191 : vector<16xi1>, vector<16xf32>
      %get3A_1203 = arith.constant 2 : i32
      %get3A_1204 = arith.index_cast %get3A_1203 : i32 to index
      %get3A_1205 = arith.constant 80 : index
      %get3A_1206 = tpu.vector_load %arg6[%get3A_1204, %get3A_1205] {strides = array<i32>} : memref<16x128xi32, #tpu.memory_space<vmem>>, vector<16xi32>,
      %select_n3A_1207 = arith.select %lt3A_1201, %get3A_1206, %select_n3A_1196 : vector<16xi1>, vector<16xi32>
      %get3A_1208 = arith.constant 3 : i32
      %get3A_1209 = arith.index_cast %get3A_1208 : i32 to index
      %get3A_1210 = arith.constant 80 : index
      %get3A_1211 = tpu.vector_load %arg5[%get3A_1209, %get3A_1210] {strides = array<i32>} : memref<16x128xf32, #tpu.memory_space<vmem>>, vector<16xf32>,
      %lt3A_1212 = arith.cmpf olt, %get3A_1211, %select_n3A_1202 : vector<16xf32>
      %select_n3A_1213 = arith.select %lt3A_1212, %get3A_1211, %select_n3A_1202 : vector<16xi1>, vector<16xf32>
      %get3A_1214 = arith.constant 3 : i32
      %get3A_1215 = arith.index_cast %get3A_1214 : i32 to index
      %get3A_1216 = arith.constant 80 : index
      %get3A_1217 = tpu.vector_load %arg6[%get3A_1215, %get3A_1216] {strides = array<i32>} : memref<16x128xi32, #tpu.memory_space<vmem>>, vector<16xi32>,
      %select_n3A_1218 = arith.select %lt3A_1212, %get3A_1217, %select_n3A_1207 : vector<16xi1>, vector<16xi32>
      %get3A_1219 = arith.constant 4 : i32
      %get3A_1220 = arith.index_cast %get3A_1219 : i32 to index
      %get3A_1221 = arith.constant 80 : index
      %get3A_1222 = tpu.vector_load %arg5[%get3A_1220, %get3A_1221] {strides = array<i32>} : memref<16x128xf32, #tpu.memory_space<vmem>>, vector<16xf32>,
      %lt3A_1223 = arith.cmpf olt, %get3A_1222, %select_n3A_1213 : vector<16xf32>
      %select_n3A_1224 = arith.select %lt3A_1223, %get3A_1222, %select_n3A_1213 : vector<16xi1>, vector<16xf32>
      %get3A_1225 = arith.constant 4 : i32
      %get3A_1226 = arith.index_cast %get3A_1225 : i32 to index
      %get3A_1227 = arith.constant 80 : index
      %get3A_1228 = tpu.vector_load %arg6[%get3A_1226, %get3A_1227] {strides = array<i32>} : memref<16x128xi32, #tpu.memory_space<vmem>>, vector<16xi32>,
      %select_n3A_1229 = arith.select %lt3A_1223, %get3A_1228, %select_n3A_1218 : vector<16xi1>, vector<16xi32>
      %get3A_1230 = arith.constant 5 : i32
      %get3A_1231 = arith.index_cast %get3A_1230 : i32 to index
      %get3A_1232 = arith.constant 80 : index
      %get3A_1233 = tpu.vector_load %arg5[%get3A_1231, %get3A_1232] {strides = array<i32>} : memref<16x128xf32, #tpu.memory_space<vmem>>, vector<16xf32>,
      %lt3A_1234 = arith.cmpf olt, %get3A_1233, %select_n3A_1224 : vector<16xf32>
      %select_n3A_1235 = arith.select %lt3A_1234, %get3A_1233, %select_n3A_1224 : vector<16xi1>, vector<16xf32>
      %get3A_1236 = arith.constant 5 : i32
      %get3A_1237 = arith.index_cast %get3A_1236 : i32 to index
      %get3A_1238 = arith.constant 80 : index
      %get3A_1239 = tpu.vector_load %arg6[%get3A_1237, %get3A_1238] {strides = array<i32>} : memref<16x128xi32, #tpu.memory_space<vmem>>, vector<16xi32>,
      %select_n3A_1240 = arith.select %lt3A_1234, %get3A_1239, %select_n3A_1229 : vector<16xi1>, vector<16xi32>
      %get3A_1241 = arith.constant 6 : i32
      %get3A_1242 = arith.index_cast %get3A_1241 : i32 to index
      %get3A_1243 = arith.constant 80 : index
      %get3A_1244 = tpu.vector_load %arg5[%get3A_1242, %get3A_1243] {strides = array<i32>} : memref<16x128xf32, #tpu.memory_space<vmem>>, vector<16xf32>,
      %lt3A_1245 = arith.cmpf olt, %get3A_1244, %select_n3A_1235 : vector<16xf32>
      %select_n3A_1246 = arith.select %lt3A_1245, %get3A_1244, %select_n3A_1235 : vector<16xi1>, vector<16xf32>
      %get3A_1247 = arith.constant 6 : i32
      %get3A_1248 = arith.index_cast %get3A_1247 : i32 to index
      %get3A_1249 = arith.constant 80 : index
      %get3A_1250 = tpu.vector_load %arg6[%get3A_1248, %get3A_1249] {strides = array<i32>} : memref<16x128xi32, #tpu.memory_space<vmem>>, vector<16xi32>,
      %select_n3A_1251 = arith.select %lt3A_1245, %get3A_1250, %select_n3A_1240 : vector<16xi1>, vector<16xi32>
      %get3A_1252 = arith.constant 7 : i32
      %get3A_1253 = arith.index_cast %get3A_1252 : i32 to index
      %get3A_1254 = arith.constant 80 : index
      %get3A_1255 = tpu.vector_load %arg5[%get3A_1253, %get3A_1254] {strides = array<i32>} : memref<16x128xf32, #tpu.memory_space<vmem>>, vector<16xf32>,
      %lt3A_1256 = arith.cmpf olt, %get3A_1255, %select_n3A_1246 : vector<16xf32>
      %select_n3A_1257 = arith.select %lt3A_1256, %get3A_1255, %select_n3A_1246 : vector<16xi1>, vector<16xf32>
      %get3A_1258 = arith.constant 7 : i32
      %get3A_1259 = arith.index_cast %get3A_1258 : i32 to index
      %get3A_1260 = arith.constant 80 : index
      %get3A_1261 = tpu.vector_load %arg6[%get3A_1259, %get3A_1260] {strides = array<i32>} : memref<16x128xi32, #tpu.memory_space<vmem>>, vector<16xi32>,
      %select_n3A_1262 = arith.select %lt3A_1256, %get3A_1261, %select_n3A_1251 : vector<16xi1>, vector<16xi32>
      %get3A_1263 = arith.constant 8 : i32
      %get3A_1264 = arith.index_cast %get3A_1263 : i32 to index
      %get3A_1265 = arith.constant 80 : index
      %get3A_1266 = tpu.vector_load %arg5[%get3A_1264, %get3A_1265] {strides = array<i32>} : memref<16x128xf32, #tpu.memory_space<vmem>>, vector<16xf32>,
      %lt3A_1267 = arith.cmpf olt, %get3A_1266, %select_n3A_1257 : vector<16xf32>
      %select_n3A_1268 = arith.select %lt3A_1267, %get3A_1266, %select_n3A_1257 : vector<16xi1>, vector<16xf32>
      %get3A_1269 = arith.constant 8 : i32
      %get3A_1270 = arith.index_cast %get3A_1269 : i32 to index
      %get3A_1271 = arith.constant 80 : index
      %get3A_1272 = tpu.vector_load %arg6[%get3A_1270, %get3A_1271] {strides = array<i32>} : memref<16x128xi32, #tpu.memory_space<vmem>>, vector<16xi32>,
      %select_n3A_1273 = arith.select %lt3A_1267, %get3A_1272, %select_n3A_1262 : vector<16xi1>, vector<16xi32>
      %get3A_1274 = arith.constant 9 : i32
      %get3A_1275 = arith.index_cast %get3A_1274 : i32 to index
      %get3A_1276 = arith.constant 80 : index
      %get3A_1277 = tpu.vector_load %arg5[%get3A_1275, %get3A_1276] {strides = array<i32>} : memref<16x128xf32, #tpu.memory_space<vmem>>, vector<16xf32>,
      %lt3A_1278 = arith.cmpf olt, %get3A_1277, %select_n3A_1268 : vector<16xf32>
      %select_n3A_1279 = arith.select %lt3A_1278, %get3A_1277, %select_n3A_1268 : vector<16xi1>, vector<16xf32>
      %get3A_1280 = arith.constant 9 : i32
      %get3A_1281 = arith.index_cast %get3A_1280 : i32 to index
      %get3A_1282 = arith.constant 80 : index
      %get3A_1283 = tpu.vector_load %arg6[%get3A_1281, %get3A_1282] {strides = array<i32>} : memref<16x128xi32, #tpu.memory_space<vmem>>, vector<16xi32>,
      %select_n3A_1284 = arith.select %lt3A_1278, %get3A_1283, %select_n3A_1273 : vector<16xi1>, vector<16xi32>
      %get3A_1285 = arith.constant 10 : i32
      %get3A_1286 = arith.index_cast %get3A_1285 : i32 to index
      %get3A_1287 = arith.constant 80 : index
      %get3A_1288 = tpu.vector_load %arg5[%get3A_1286, %get3A_1287] {strides = array<i32>} : memref<16x128xf32, #tpu.memory_space<vmem>>, vector<16xf32>,
      %lt3A_1289 = arith.cmpf olt, %get3A_1288, %select_n3A_1279 : vector<16xf32>
      %select_n3A_1290 = arith.select %lt3A_1289, %get3A_1288, %select_n3A_1279 : vector<16xi1>, vector<16xf32>
      %get3A_1291 = arith.constant 10 : i32
      %get3A_1292 = arith.index_cast %get3A_1291 : i32 to index
      %get3A_1293 = arith.constant 80 : index
      %get3A_1294 = tpu.vector_load %arg6[%get3A_1292, %get3A_1293] {strides = array<i32>} : memref<16x128xi32, #tpu.memory_space<vmem>>, vector<16xi32>,
      %select_n3A_1295 = arith.select %lt3A_1289, %get3A_1294, %select_n3A_1284 : vector<16xi1>, vector<16xi32>
      %get3A_1296 = arith.constant 11 : i32
      %get3A_1297 = arith.index_cast %get3A_1296 : i32 to index
      %get3A_1298 = arith.constant 80 : index
      %get3A_1299 = tpu.vector_load %arg5[%get3A_1297, %get3A_1298] {strides = array<i32>} : memref<16x128xf32, #tpu.memory_space<vmem>>, vector<16xf32>,
      %lt3A_1300 = arith.cmpf olt, %get3A_1299, %select_n3A_1290 : vector<16xf32>
      %select_n3A_1301 = arith.select %lt3A_1300, %get3A_1299, %select_n3A_1290 : vector<16xi1>, vector<16xf32>
      %get3A_1302 = arith.constant 11 : i32
      %get3A_1303 = arith.index_cast %get3A_1302 : i32 to index
      %get3A_1304 = arith.constant 80 : index
      %get3A_1305 = tpu.vector_load %arg6[%get3A_1303, %get3A_1304] {strides = array<i32>} : memref<16x128xi32, #tpu.memory_space<vmem>>, vector<16xi32>,
      %select_n3A_1306 = arith.select %lt3A_1300, %get3A_1305, %select_n3A_1295 : vector<16xi1>, vector<16xi32>
      %get3A_1307 = arith.constant 12 : i32
      %get3A_1308 = arith.index_cast %get3A_1307 : i32 to index
      %get3A_1309 = arith.constant 80 : index
      %get3A_1310 = tpu.vector_load %arg5[%get3A_1308, %get3A_1309] {strides = array<i32>} : memref<16x128xf32, #tpu.memory_space<vmem>>, vector<16xf32>,
      %lt3A_1311 = arith.cmpf olt, %get3A_1310, %select_n3A_1301 : vector<16xf32>
      %select_n3A_1312 = arith.select %lt3A_1311, %get3A_1310, %select_n3A_1301 : vector<16xi1>, vector<16xf32>
      %get3A_1313 = arith.constant 12 : i32
      %get3A_1314 = arith.index_cast %get3A_1313 : i32 to index
      %get3A_1315 = arith.constant 80 : index
      %get3A_1316 = tpu.vector_load %arg6[%get3A_1314, %get3A_1315] {strides = array<i32>} : memref<16x128xi32, #tpu.memory_space<vmem>>, vector<16xi32>,
      %select_n3A_1317 = arith.select %lt3A_1311, %get3A_1316, %select_n3A_1306 : vector<16xi1>, vector<16xi32>
      %get3A_1318 = arith.constant 13 : i32
      %get3A_1319 = arith.index_cast %get3A_1318 : i32 to index
      %get3A_1320 = arith.constant 80 : index
      %get3A_1321 = tpu.vector_load %arg5[%get3A_1319, %get3A_1320] {strides = array<i32>} : memref<16x128xf32, #tpu.memory_space<vmem>>, vector<16xf32>,
      %lt3A_1322 = arith.cmpf olt, %get3A_1321, %select_n3A_1312 : vector<16xf32>
      %select_n3A_1323 = arith.select %lt3A_1322, %get3A_1321, %select_n3A_1312 : vector<16xi1>, vector<16xf32>
      %get3A_1324 = arith.constant 13 : i32
      %get3A_1325 = arith.index_cast %get3A_1324 : i32 to index
      %get3A_1326 = arith.constant 80 : index
      %get3A_1327 = tpu.vector_load %arg6[%get3A_1325, %get3A_1326] {strides = array<i32>} : memref<16x128xi32, #tpu.memory_space<vmem>>, vector<16xi32>,
      %select_n3A_1328 = arith.select %lt3A_1322, %get3A_1327, %select_n3A_1317 : vector<16xi1>, vector<16xi32>
      %get3A_1329 = arith.constant 14 : i32
      %get3A_1330 = arith.index_cast %get3A_1329 : i32 to index
      %get3A_1331 = arith.constant 80 : index
      %get3A_1332 = tpu.vector_load %arg5[%get3A_1330, %get3A_1331] {strides = array<i32>} : memref<16x128xf32, #tpu.memory_space<vmem>>, vector<16xf32>,
      %lt3A_1333 = arith.cmpf olt, %get3A_1332, %select_n3A_1323 : vector<16xf32>
      %select_n3A_1334 = arith.select %lt3A_1333, %get3A_1332, %select_n3A_1323 : vector<16xi1>, vector<16xf32>
      %get3A_1335 = arith.constant 14 : i32
      %get3A_1336 = arith.index_cast %get3A_1335 : i32 to index
      %get3A_1337 = arith.constant 80 : index
      %get3A_1338 = tpu.vector_load %arg6[%get3A_1336, %get3A_1337] {strides = array<i32>} : memref<16x128xi32, #tpu.memory_space<vmem>>, vector<16xi32>,
      %select_n3A_1339 = arith.select %lt3A_1333, %get3A_1338, %select_n3A_1328 : vector<16xi1>, vector<16xi32>
      %get3A_1340 = arith.constant 15 : i32
      %get3A_1341 = arith.index_cast %get3A_1340 : i32 to index
      %get3A_1342 = arith.constant 80 : index
      %get3A_1343 = tpu.vector_load %arg5[%get3A_1341, %get3A_1342] {strides = array<i32>} : memref<16x128xf32, #tpu.memory_space<vmem>>, vector<16xf32>,
      %lt3A_1344 = arith.cmpf olt, %get3A_1343, %select_n3A_1334 : vector<16xf32>
      %select_n3A_1345 = arith.select %lt3A_1344, %get3A_1343, %select_n3A_1334 : vector<16xi1>, vector<16xf32>
      %get3A_1346 = arith.constant 15 : i32
      %get3A_1347 = arith.index_cast %get3A_1346 : i32 to index
      %get3A_1348 = arith.constant 80 : index
      %get3A_1349 = tpu.vector_load %arg6[%get3A_1347, %get3A_1348] {strides = array<i32>} : memref<16x128xi32, #tpu.memory_space<vmem>>, vector<16xi32>,
      %select_n3A_1350 = arith.select %lt3A_1344, %get3A_1349, %select_n3A_1339 : vector<16xi1>, vector<16xi32>
      %jit3A_1351 = arith.constant 64 : i32
      %div3A_1352 = vector.broadcast %jit3A_1351 : i32 to vector<16xi32>
      %div3A_1353 = arith.divsi %select_n3A_1350, %div3A_1352 : vector<16xi32>
      %sign3A_1354 = arith.constant 0 : i32
      %sign3A_1355 = vector.broadcast %sign3A_1354 : i32 to vector<16xi32>
      %sign3A_1356 = arith.cmpi sgt, %select_n3A_1350, %sign3A_1355 : vector<16xi32>
      %sign3A_1357 = arith.extui %sign3A_1356 : vector<16xi1> to vector<16xi32>
      %sign3A_1358 = arith.constant 0 : i32
      %sign3A_1359 = vector.broadcast %sign3A_1358 : i32 to vector<16xi32>
      %sign3A_1360 = arith.cmpi slt, %select_n3A_1350, %sign3A_1359 : vector<16xi32>
      %sign3A_1361 = arith.extui %sign3A_1360 : vector<16xi1> to vector<16xi32>
      %sign3A_1362 = arith.subi %sign3A_1357, %sign3A_1361 : vector<16xi32>
      %sign3A_1363 = arith.constant 0 : i32
      %sign3A_1364 = arith.cmpi sgt, %jit3A_1351, %sign3A_1363 : i32
      %sign3A_1365 = arith.extui %sign3A_1364 : i1 to i32
      %sign3A_1366 = arith.constant 0 : i32
      %sign3A_1367 = arith.cmpi slt, %jit3A_1351, %sign3A_1366 : i32
      %sign3A_1368 = arith.extui %sign3A_1367 : i1 to i32
      %sign3A_1369 = arith.subi %sign3A_1365, %sign3A_1368 : i32
      %ne3A_1370 = vector.broadcast %sign3A_1369 : i32 to vector<16xi32>
      %ne3A_1371 = arith.cmpi ne, %sign3A_1362, %ne3A_1370 : vector<16xi32>
      %rem3A_1372 = vector.broadcast %jit3A_1351 : i32 to vector<16xi32>
      %rem3A_1373 = arith.remsi %select_n3A_1350, %rem3A_1372 : vector<16xi32>
      %ne3A_1374 = arith.constant 0 : i32
      %ne3A_1375 = vector.broadcast %ne3A_1374 : i32 to vector<16xi32>
      %ne3A_1376 = arith.cmpi ne, %rem3A_1373, %ne3A_1375 : vector<16xi32>
      %and3A_1377 = arith.andi %ne3A_1371, %ne3A_1376 : vector<16xi1>
      %sub3A_1378 = arith.constant 1 : i32
      %sub3A_1379 = vector.broadcast %sub3A_1378 : i32 to vector<16xi32>
      %sub3A_1380 = arith.subi %div3A_1353, %sub3A_1379 : vector<16xi32>
      %select_n3A_1381 = arith.select %and3A_1377, %sub3A_1380, %div3A_1353 : vector<16xi1>, vector<16xi32>
      %swap3A_1382 = arith.constant 0 : i32
      %swap3A_1383 = arith.index_cast %swap3A_1382 : i32 to index
      %swap3A_1384 = arith.constant 80 : index
      %swap3A_1385 = tpu.vector_load %arg7[%swap3A_1383, %swap3A_1384] {strides = array<i32>} : memref<2x128xi32, #tpu.memory_space<vmem>>, vector<16xi32>,
      tpu.vector_store %arg7[%swap3A_1383, %swap3A_1384], %select_n3A_1381 {strides = array<i32>} : memref<2x128xi32, #tpu.memory_space<vmem>>, vector<16xi32>,
      %jit3A_1386 = arith.constant 64 : i32
      %eq3A_1387 = arith.constant 0 : i32
      %eq3A_1388 = arith.cmpi eq, %jit3A_1386, %eq3A_1387 : i32
      %jit3A_1389 = arith.constant 1 : i32
      %select_n3A_1390 = arith.select %eq3A_1388, %jit3A_1389, %jit3A_1386 : i32
      %rem3A_1391 = vector.broadcast %select_n3A_1390 : i32 to vector<16xi32>
      %rem3A_1392 = arith.remsi %select_n3A_1350, %rem3A_1391 : vector<16xi32>
      %ne3A_1393 = arith.constant 0 : i32
      %ne3A_1394 = vector.broadcast %ne3A_1393 : i32 to vector<16xi32>
      %ne3A_1395 = arith.cmpi ne, %rem3A_1392, %ne3A_1394 : vector<16xi32>
      %lt3A_1396 = arith.constant 0 : i32
      %lt3A_1397 = vector.broadcast %lt3A_1396 : i32 to vector<16xi32>
      %lt3A_1398 = arith.cmpi slt, %rem3A_1392, %lt3A_1397 : vector<16xi32>
      %lt3A_1399 = arith.constant 0 : i32
      %lt3A_1400 = arith.cmpi slt, %select_n3A_1390, %lt3A_1399 : i32
      %ne3A_1401 = vector.broadcast %lt3A_1400 : i1 to vector<16xi1>
      %ne3A_1402 = vector.broadcast %ne3A_1401 : vector<16xi1> to vector<16xi1>
      %ne3A_1403 = arith.xori %lt3A_1398, %ne3A_1402 : vector<16xi1>
      %and3A_1404 = arith.andi %ne3A_1403, %ne3A_1395 : vector<16xi1>
      %add3A_1405 = vector.broadcast %select_n3A_1390 : i32 to vector<16xi32>
      %add3A_1406 = arith.addi %rem3A_1392, %add3A_1405 : vector<16xi32>
      %select_n3A_1407 = arith.select %and3A_1404, %add3A_1406, %rem3A_1392 : vector<16xi1>, vector<16xi32>
      %swap3A_1408 = arith.constant 1 : i32
      %swap3A_1409 = arith.index_cast %swap3A_1408 : i32 to index
      %swap3A_1410 = arith.constant 80 : index
      %swap3A_1411 = tpu.vector_load %arg7[%swap3A_1409, %swap3A_1410] {strides = array<i32>} : memref<2x128xi32, #tpu.memory_space<vmem>>, vector<16xi32>,
      tpu.vector_store %arg7[%swap3A_1409, %swap3A_1410], %select_n3A_1407 {strides = array<i32>} : memref<2x128xi32, #tpu.memory_space<vmem>>, vector<16xi32>,
      %get3A_1412 = arith.constant 0 : i32
      %get3A_1413 = arith.index_cast %get3A_1412 : i32 to index
      %get3A_1414 = arith.constant 96 : index
      %get3A_1415 = tpu.vector_load %arg5[%get3A_1413, %get3A_1414] {strides = array<i32>} : memref<16x128xf32, #tpu.memory_space<vmem>>, vector<16xf32>,
      %get3A_1416 = arith.constant 0 : i32
      %get3A_1417 = arith.index_cast %get3A_1416 : i32 to index
      %get3A_1418 = arith.constant 96 : index
      %get3A_1419 = tpu.vector_load %arg6[%get3A_1417, %get3A_1418] {strides = array<i32>} : memref<16x128xi32, #tpu.memory_space<vmem>>, vector<16xi32>,
      %get3A_1420 = arith.constant 1 : i32
      %get3A_1421 = arith.index_cast %get3A_1420 : i32 to index
      %get3A_1422 = arith.constant 96 : index
      %get3A_1423 = tpu.vector_load %arg5[%get3A_1421, %get3A_1422] {strides = array<i32>} : memref<16x128xf32, #tpu.memory_space<vmem>>, vector<16xf32>,
      %lt3A_1424 = arith.cmpf olt, %get3A_1423, %get3A_1415 : vector<16xf32>
      %select_n3A_1425 = arith.select %lt3A_1424, %get3A_1423, %get3A_1415 : vector<16xi1>, vector<16xf32>
      %get3A_1426 = arith.constant 1 : i32
      %get3A_1427 = arith.index_cast %get3A_1426 : i32 to index
      %get3A_1428 = arith.constant 96 : index
      %get3A_1429 = tpu.vector_load %arg6[%get3A_1427, %get3A_1428] {strides = array<i32>} : memref<16x128xi32, #tpu.memory_space<vmem>>, vector<16xi32>,
      %select_n3A_1430 = arith.select %lt3A_1424, %get3A_1429, %get3A_1419 : vector<16xi1>, vector<16xi32>
      %get3A_1431 = arith.constant 2 : i32
      %get3A_1432 = arith.index_cast %get3A_1431 : i32 to index
      %get3A_1433 = arith.constant 96 : index
      %get3A_1434 = tpu.vector_load %arg5[%get3A_1432, %get3A_1433] {strides = array<i32>} : memref<16x128xf32, #tpu.memory_space<vmem>>, vector<16xf32>,
      %lt3A_1435 = arith.cmpf olt, %get3A_1434, %select_n3A_1425 : vector<16xf32>
      %select_n3A_1436 = arith.select %lt3A_1435, %get3A_1434, %select_n3A_1425 : vector<16xi1>, vector<16xf32>
      %get3A_1437 = arith.constant 2 : i32
      %get3A_1438 = arith.index_cast %get3A_1437 : i32 to index
      %get3A_1439 = arith.constant 96 : index
      %get3A_1440 = tpu.vector_load %arg6[%get3A_1438, %get3A_1439] {strides = array<i32>} : memref<16x128xi32, #tpu.memory_space<vmem>>, vector<16xi32>,
      %select_n3A_1441 = arith.select %lt3A_1435, %get3A_1440, %select_n3A_1430 : vector<16xi1>, vector<16xi32>
      %get3A_1442 = arith.constant 3 : i32
      %get3A_1443 = arith.index_cast %get3A_1442 : i32 to index
      %get3A_1444 = arith.constant 96 : index
      %get3A_1445 = tpu.vector_load %arg5[%get3A_1443, %get3A_1444] {strides = array<i32>} : memref<16x128xf32, #tpu.memory_space<vmem>>, vector<16xf32>,
      %lt3A_1446 = arith.cmpf olt, %get3A_1445, %select_n3A_1436 : vector<16xf32>
      %select_n3A_1447 = arith.select %lt3A_1446, %get3A_1445, %select_n3A_1436 : vector<16xi1>, vector<16xf32>
      %get3A_1448 = arith.constant 3 : i32
      %get3A_1449 = arith.index_cast %get3A_1448 : i32 to index
      %get3A_1450 = arith.constant 96 : index
      %get3A_1451 = tpu.vector_load %arg6[%get3A_1449, %get3A_1450] {strides = array<i32>} : memref<16x128xi32, #tpu.memory_space<vmem>>, vector<16xi32>,
      %select_n3A_1452 = arith.select %lt3A_1446, %get3A_1451, %select_n3A_1441 : vector<16xi1>, vector<16xi32>
      %get3A_1453 = arith.constant 4 : i32
      %get3A_1454 = arith.index_cast %get3A_1453 : i32 to index
      %get3A_1455 = arith.constant 96 : index
      %get3A_1456 = tpu.vector_load %arg5[%get3A_1454, %get3A_1455] {strides = array<i32>} : memref<16x128xf32, #tpu.memory_space<vmem>>, vector<16xf32>,
      %lt3A_1457 = arith.cmpf olt, %get3A_1456, %select_n3A_1447 : vector<16xf32>
      %select_n3A_1458 = arith.select %lt3A_1457, %get3A_1456, %select_n3A_1447 : vector<16xi1>, vector<16xf32>
      %get3A_1459 = arith.constant 4 : i32
      %get3A_1460 = arith.index_cast %get3A_1459 : i32 to index
      %get3A_1461 = arith.constant 96 : index
      %get3A_1462 = tpu.vector_load %arg6[%get3A_1460, %get3A_1461] {strides = array<i32>} : memref<16x128xi32, #tpu.memory_space<vmem>>, vector<16xi32>,
      %select_n3A_1463 = arith.select %lt3A_1457, %get3A_1462, %select_n3A_1452 : vector<16xi1>, vector<16xi32>
      %get3A_1464 = arith.constant 5 : i32
      %get3A_1465 = arith.index_cast %get3A_1464 : i32 to index
      %get3A_1466 = arith.constant 96 : index
      %get3A_1467 = tpu.vector_load %arg5[%get3A_1465, %get3A_1466] {strides = array<i32>} : memref<16x128xf32, #tpu.memory_space<vmem>>, vector<16xf32>,
      %lt3A_1468 = arith.cmpf olt, %get3A_1467, %select_n3A_1458 : vector<16xf32>
      %select_n3A_1469 = arith.select %lt3A_1468, %get3A_1467, %select_n3A_1458 : vector<16xi1>, vector<16xf32>
      %get3A_1470 = arith.constant 5 : i32
      %get3A_1471 = arith.index_cast %get3A_1470 : i32 to index
      %get3A_1472 = arith.constant 96 : index
      %get3A_1473 = tpu.vector_load %arg6[%get3A_1471, %get3A_1472] {strides = array<i32>} : memref<16x128xi32, #tpu.memory_space<vmem>>, vector<16xi32>,
      %select_n3A_1474 = arith.select %lt3A_1468, %get3A_1473, %select_n3A_1463 : vector<16xi1>, vector<16xi32>
      %get3A_1475 = arith.constant 6 : i32
      %get3A_1476 = arith.index_cast %get3A_1475 : i32 to index
      %get3A_1477 = arith.constant 96 : index
      %get3A_1478 = tpu.vector_load %arg5[%get3A_1476, %get3A_1477] {strides = array<i32>} : memref<16x128xf32, #tpu.memory_space<vmem>>, vector<16xf32>,
      %lt3A_1479 = arith.cmpf olt, %get3A_1478, %select_n3A_1469 : vector<16xf32>
      %select_n3A_1480 = arith.select %lt3A_1479, %get3A_1478, %select_n3A_1469 : vector<16xi1>, vector<16xf32>
      %get3A_1481 = arith.constant 6 : i32
      %get3A_1482 = arith.index_cast %get3A_1481 : i32 to index
      %get3A_1483 = arith.constant 96 : index
      %get3A_1484 = tpu.vector_load %arg6[%get3A_1482, %get3A_1483] {strides = array<i32>} : memref<16x128xi32, #tpu.memory_space<vmem>>, vector<16xi32>,
      %select_n3A_1485 = arith.select %lt3A_1479, %get3A_1484, %select_n3A_1474 : vector<16xi1>, vector<16xi32>
      %get3A_1486 = arith.constant 7 : i32
      %get3A_1487 = arith.index_cast %get3A_1486 : i32 to index
      %get3A_1488 = arith.constant 96 : index
      %get3A_1489 = tpu.vector_load %arg5[%get3A_1487, %get3A_1488] {strides = array<i32>} : memref<16x128xf32, #tpu.memory_space<vmem>>, vector<16xf32>,
      %lt3A_1490 = arith.cmpf olt, %get3A_1489, %select_n3A_1480 : vector<16xf32>
      %select_n3A_1491 = arith.select %lt3A_1490, %get3A_1489, %select_n3A_1480 : vector<16xi1>, vector<16xf32>
      %get3A_1492 = arith.constant 7 : i32
      %get3A_1493 = arith.index_cast %get3A_1492 : i32 to index
      %get3A_1494 = arith.constant 96 : index
      %get3A_1495 = tpu.vector_load %arg6[%get3A_1493, %get3A_1494] {strides = array<i32>} : memref<16x128xi32, #tpu.memory_space<vmem>>, vector<16xi32>,
      %select_n3A_1496 = arith.select %lt3A_1490, %get3A_1495, %select_n3A_1485 : vector<16xi1>, vector<16xi32>
      %get3A_1497 = arith.constant 8 : i32
      %get3A_1498 = arith.index_cast %get3A_1497 : i32 to index
      %get3A_1499 = arith.constant 96 : index
      %get3A_1500 = tpu.vector_load %arg5[%get3A_1498, %get3A_1499] {strides = array<i32>} : memref<16x128xf32, #tpu.memory_space<vmem>>, vector<16xf32>,
      %lt3A_1501 = arith.cmpf olt, %get3A_1500, %select_n3A_1491 : vector<16xf32>
      %select_n3A_1502 = arith.select %lt3A_1501, %get3A_1500, %select_n3A_1491 : vector<16xi1>, vector<16xf32>
      %get3A_1503 = arith.constant 8 : i32
      %get3A_1504 = arith.index_cast %get3A_1503 : i32 to index
      %get3A_1505 = arith.constant 96 : index
      %get3A_1506 = tpu.vector_load %arg6[%get3A_1504, %get3A_1505] {strides = array<i32>} : memref<16x128xi32, #tpu.memory_space<vmem>>, vector<16xi32>,
      %select_n3A_1507 = arith.select %lt3A_1501, %get3A_1506, %select_n3A_1496 : vector<16xi1>, vector<16xi32>
      %get3A_1508 = arith.constant 9 : i32
      %get3A_1509 = arith.index_cast %get3A_1508 : i32 to index
      %get3A_1510 = arith.constant 96 : index
      %get3A_1511 = tpu.vector_load %arg5[%get3A_1509, %get3A_1510] {strides = array<i32>} : memref<16x128xf32, #tpu.memory_space<vmem>>, vector<16xf32>,
      %lt3A_1512 = arith.cmpf olt, %get3A_1511, %select_n3A_1502 : vector<16xf32>
      %select_n3A_1513 = arith.select %lt3A_1512, %get3A_1511, %select_n3A_1502 : vector<16xi1>, vector<16xf32>
      %get3A_1514 = arith.constant 9 : i32
      %get3A_1515 = arith.index_cast %get3A_1514 : i32 to index
      %get3A_1516 = arith.constant 96 : index
      %get3A_1517 = tpu.vector_load %arg6[%get3A_1515, %get3A_1516] {strides = array<i32>} : memref<16x128xi32, #tpu.memory_space<vmem>>, vector<16xi32>,
      %select_n3A_1518 = arith.select %lt3A_1512, %get3A_1517, %select_n3A_1507 : vector<16xi1>, vector<16xi32>
      %get3A_1519 = arith.constant 10 : i32
      %get3A_1520 = arith.index_cast %get3A_1519 : i32 to index
      %get3A_1521 = arith.constant 96 : index
      %get3A_1522 = tpu.vector_load %arg5[%get3A_1520, %get3A_1521] {strides = array<i32>} : memref<16x128xf32, #tpu.memory_space<vmem>>, vector<16xf32>,
      %lt3A_1523 = arith.cmpf olt, %get3A_1522, %select_n3A_1513 : vector<16xf32>
      %select_n3A_1524 = arith.select %lt3A_1523, %get3A_1522, %select_n3A_1513 : vector<16xi1>, vector<16xf32>
      %get3A_1525 = arith.constant 10 : i32
      %get3A_1526 = arith.index_cast %get3A_1525 : i32 to index
      %get3A_1527 = arith.constant 96 : index
      %get3A_1528 = tpu.vector_load %arg6[%get3A_1526, %get3A_1527] {strides = array<i32>} : memref<16x128xi32, #tpu.memory_space<vmem>>, vector<16xi32>,
      %select_n3A_1529 = arith.select %lt3A_1523, %get3A_1528, %select_n3A_1518 : vector<16xi1>, vector<16xi32>
      %get3A_1530 = arith.constant 11 : i32
      %get3A_1531 = arith.index_cast %get3A_1530 : i32 to index
      %get3A_1532 = arith.constant 96 : index
      %get3A_1533 = tpu.vector_load %arg5[%get3A_1531, %get3A_1532] {strides = array<i32>} : memref<16x128xf32, #tpu.memory_space<vmem>>, vector<16xf32>,
      %lt3A_1534 = arith.cmpf olt, %get3A_1533, %select_n3A_1524 : vector<16xf32>
      %select_n3A_1535 = arith.select %lt3A_1534, %get3A_1533, %select_n3A_1524 : vector<16xi1>, vector<16xf32>
      %get3A_1536 = arith.constant 11 : i32
      %get3A_1537 = arith.index_cast %get3A_1536 : i32 to index
      %get3A_1538 = arith.constant 96 : index
      %get3A_1539 = tpu.vector_load %arg6[%get3A_1537, %get3A_1538] {strides = array<i32>} : memref<16x128xi32, #tpu.memory_space<vmem>>, vector<16xi32>,
      %select_n3A_1540 = arith.select %lt3A_1534, %get3A_1539, %select_n3A_1529 : vector<16xi1>, vector<16xi32>
      %get3A_1541 = arith.constant 12 : i32
      %get3A_1542 = arith.index_cast %get3A_1541 : i32 to index
      %get3A_1543 = arith.constant 96 : index
      %get3A_1544 = tpu.vector_load %arg5[%get3A_1542, %get3A_1543] {strides = array<i32>} : memref<16x128xf32, #tpu.memory_space<vmem>>, vector<16xf32>,
      %lt3A_1545 = arith.cmpf olt, %get3A_1544, %select_n3A_1535 : vector<16xf32>
      %select_n3A_1546 = arith.select %lt3A_1545, %get3A_1544, %select_n3A_1535 : vector<16xi1>, vector<16xf32>
      %get3A_1547 = arith.constant 12 : i32
      %get3A_1548 = arith.index_cast %get3A_1547 : i32 to index
      %get3A_1549 = arith.constant 96 : index
      %get3A_1550 = tpu.vector_load %arg6[%get3A_1548, %get3A_1549] {strides = array<i32>} : memref<16x128xi32, #tpu.memory_space<vmem>>, vector<16xi32>,
      %select_n3A_1551 = arith.select %lt3A_1545, %get3A_1550, %select_n3A_1540 : vector<16xi1>, vector<16xi32>
      %get3A_1552 = arith.constant 13 : i32
      %get3A_1553 = arith.index_cast %get3A_1552 : i32 to index
      %get3A_1554 = arith.constant 96 : index
      %get3A_1555 = tpu.vector_load %arg5[%get3A_1553, %get3A_1554] {strides = array<i32>} : memref<16x128xf32, #tpu.memory_space<vmem>>, vector<16xf32>,
      %lt3A_1556 = arith.cmpf olt, %get3A_1555, %select_n3A_1546 : vector<16xf32>
      %select_n3A_1557 = arith.select %lt3A_1556, %get3A_1555, %select_n3A_1546 : vector<16xi1>, vector<16xf32>
      %get3A_1558 = arith.constant 13 : i32
      %get3A_1559 = arith.index_cast %get3A_1558 : i32 to index
      %get3A_1560 = arith.constant 96 : index
      %get3A_1561 = tpu.vector_load %arg6[%get3A_1559, %get3A_1560] {strides = array<i32>} : memref<16x128xi32, #tpu.memory_space<vmem>>, vector<16xi32>,
      %select_n3A_1562 = arith.select %lt3A_1556, %get3A_1561, %select_n3A_1551 : vector<16xi1>, vector<16xi32>
      %get3A_1563 = arith.constant 14 : i32
      %get3A_1564 = arith.index_cast %get3A_1563 : i32 to index
      %get3A_1565 = arith.constant 96 : index
      %get3A_1566 = tpu.vector_load %arg5[%get3A_1564, %get3A_1565] {strides = array<i32>} : memref<16x128xf32, #tpu.memory_space<vmem>>, vector<16xf32>,
      %lt3A_1567 = arith.cmpf olt, %get3A_1566, %select_n3A_1557 : vector<16xf32>
      %select_n3A_1568 = arith.select %lt3A_1567, %get3A_1566, %select_n3A_1557 : vector<16xi1>, vector<16xf32>
      %get3A_1569 = arith.constant 14 : i32
      %get3A_1570 = arith.index_cast %get3A_1569 : i32 to index
      %get3A_1571 = arith.constant 96 : index
      %get3A_1572 = tpu.vector_load %arg6[%get3A_1570, %get3A_1571] {strides = array<i32>} : memref<16x128xi32, #tpu.memory_space<vmem>>, vector<16xi32>,
      %select_n3A_1573 = arith.select %lt3A_1567, %get3A_1572, %select_n3A_1562 : vector<16xi1>, vector<16xi32>
      %get3A_1574 = arith.constant 15 : i32
      %get3A_1575 = arith.index_cast %get3A_1574 : i32 to index
      %get3A_1576 = arith.constant 96 : index
      %get3A_1577 = tpu.vector_load %arg5[%get3A_1575, %get3A_1576] {strides = array<i32>} : memref<16x128xf32, #tpu.memory_space<vmem>>, vector<16xf32>,
      %lt3A_1578 = arith.cmpf olt, %get3A_1577, %select_n3A_1568 : vector<16xf32>
      %select_n3A_1579 = arith.select %lt3A_1578, %get3A_1577, %select_n3A_1568 : vector<16xi1>, vector<16xf32>
      %get3A_1580 = arith.constant 15 : i32
      %get3A_1581 = arith.index_cast %get3A_1580 : i32 to index
      %get3A_1582 = arith.constant 96 : index
      %get3A_1583 = tpu.vector_load %arg6[%get3A_1581, %get3A_1582] {strides = array<i32>} : memref<16x128xi32, #tpu.memory_space<vmem>>, vector<16xi32>,
      %select_n3A_1584 = arith.select %lt3A_1578, %get3A_1583, %select_n3A_1573 : vector<16xi1>, vector<16xi32>
      %jit3A_1585 = arith.constant 64 : i32
      %div3A_1586 = vector.broadcast %jit3A_1585 : i32 to vector<16xi32>
      %div3A_1587 = arith.divsi %select_n3A_1584, %div3A_1586 : vector<16xi32>
      %sign3A_1588 = arith.constant 0 : i32
      %sign3A_1589 = vector.broadcast %sign3A_1588 : i32 to vector<16xi32>
      %sign3A_1590 = arith.cmpi sgt, %select_n3A_1584, %sign3A_1589 : vector<16xi32>
      %sign3A_1591 = arith.extui %sign3A_1590 : vector<16xi1> to vector<16xi32>
      %sign3A_1592 = arith.constant 0 : i32
      %sign3A_1593 = vector.broadcast %sign3A_1592 : i32 to vector<16xi32>
      %sign3A_1594 = arith.cmpi slt, %select_n3A_1584, %sign3A_1593 : vector<16xi32>
      %sign3A_1595 = arith.extui %sign3A_1594 : vector<16xi1> to vector<16xi32>
      %sign3A_1596 = arith.subi %sign3A_1591, %sign3A_1595 : vector<16xi32>
      %sign3A_1597 = arith.constant 0 : i32
      %sign3A_1598 = arith.cmpi sgt, %jit3A_1585, %sign3A_1597 : i32
      %sign3A_1599 = arith.extui %sign3A_1598 : i1 to i32
      %sign3A_1600 = arith.constant 0 : i32
      %sign3A_1601 = arith.cmpi slt, %jit3A_1585, %sign3A_1600 : i32
      %sign3A_1602 = arith.extui %sign3A_1601 : i1 to i32
      %sign3A_1603 = arith.subi %sign3A_1599, %sign3A_1602 : i32
      %ne3A_1604 = vector.broadcast %sign3A_1603 : i32 to vector<16xi32>
      %ne3A_1605 = arith.cmpi ne, %sign3A_1596, %ne3A_1604 : vector<16xi32>
      %rem3A_1606 = vector.broadcast %jit3A_1585 : i32 to vector<16xi32>
      %rem3A_1607 = arith.remsi %select_n3A_1584, %rem3A_1606 : vector<16xi32>
      %ne3A_1608 = arith.constant 0 : i32
      %ne3A_1609 = vector.broadcast %ne3A_1608 : i32 to vector<16xi32>
      %ne3A_1610 = arith.cmpi ne, %rem3A_1607, %ne3A_1609 : vector<16xi32>
      %and3A_1611 = arith.andi %ne3A_1605, %ne3A_1610 : vector<16xi1>
      %sub3A_1612 = arith.constant 1 : i32
      %sub3A_1613 = vector.broadcast %sub3A_1612 : i32 to vector<16xi32>
      %sub3A_1614 = arith.subi %div3A_1587, %sub3A_1613 : vector<16xi32>
      %select_n3A_1615 = arith.select %and3A_1611, %sub3A_1614, %div3A_1587 : vector<16xi1>, vector<16xi32>
      %swap3A_1616 = arith.constant 0 : i32
      %swap3A_1617 = arith.index_cast %swap3A_1616 : i32 to index
      %swap3A_1618 = arith.constant 96 : index
      %swap3A_1619 = tpu.vector_load %arg7[%swap3A_1617, %swap3A_1618] {strides = array<i32>} : memref<2x128xi32, #tpu.memory_space<vmem>>, vector<16xi32>,
      tpu.vector_store %arg7[%swap3A_1617, %swap3A_1618], %select_n3A_1615 {strides = array<i32>} : memref<2x128xi32, #tpu.memory_space<vmem>>, vector<16xi32>,
      %jit3A_1620 = arith.constant 64 : i32
      %eq3A_1621 = arith.constant 0 : i32
      %eq3A_1622 = arith.cmpi eq, %jit3A_1620, %eq3A_1621 : i32
      %jit3A_1623 = arith.constant 1 : i32
      %select_n3A_1624 = arith.select %eq3A_1622, %jit3A_1623, %jit3A_1620 : i32
      %rem3A_1625 = vector.broadcast %select_n3A_1624 : i32 to vector<16xi32>
      %rem3A_1626 = arith.remsi %select_n3A_1584, %rem3A_1625 : vector<16xi32>
      %ne3A_1627 = arith.constant 0 : i32
      %ne3A_1628 = vector.broadcast %ne3A_1627 : i32 to vector<16xi32>
      %ne3A_1629 = arith.cmpi ne, %rem3A_1626, %ne3A_1628 : vector<16xi32>
      %lt3A_1630 = arith.constant 0 : i32
      %lt3A_1631 = vector.broadcast %lt3A_1630 : i32 to vector<16xi32>
      %lt3A_1632 = arith.cmpi slt, %rem3A_1626, %lt3A_1631 : vector<16xi32>
      %lt3A_1633 = arith.constant 0 : i32
      %lt3A_1634 = arith.cmpi slt, %select_n3A_1624, %lt3A_1633 : i32
      %ne3A_1635 = vector.broadcast %lt3A_1634 : i1 to vector<16xi1>
      %ne3A_1636 = vector.broadcast %ne3A_1635 : vector<16xi1> to vector<16xi1>
      %ne3A_1637 = arith.xori %lt3A_1632, %ne3A_1636 : vector<16xi1>
      %and3A_1638 = arith.andi %ne3A_1637, %ne3A_1629 : vector<16xi1>
      %add3A_1639 = vector.broadcast %select_n3A_1624 : i32 to vector<16xi32>
      %add3A_1640 = arith.addi %rem3A_1626, %add3A_1639 : vector<16xi32>
      %select_n3A_1641 = arith.select %and3A_1638, %add3A_1640, %rem3A_1626 : vector<16xi1>, vector<16xi32>
      %swap3A_1642 = arith.constant 1 : i32
      %swap3A_1643 = arith.index_cast %swap3A_1642 : i32 to index
      %swap3A_1644 = arith.constant 96 : index
      %swap3A_1645 = tpu.vector_load %arg7[%swap3A_1643, %swap3A_1644] {strides = array<i32>} : memref<2x128xi32, #tpu.memory_space<vmem>>, vector<16xi32>,
      tpu.vector_store %arg7[%swap3A_1643, %swap3A_1644], %select_n3A_1641 {strides = array<i32>} : memref<2x128xi32, #tpu.memory_space<vmem>>, vector<16xi32>,
      %get3A_1646 = arith.constant 0 : i32
      %get3A_1647 = arith.index_cast %get3A_1646 : i32 to index
      %get3A_1648 = arith.constant 112 : index
      %get3A_1649 = tpu.vector_load %arg5[%get3A_1647, %get3A_1648] {strides = array<i32>} : memref<16x128xf32, #tpu.memory_space<vmem>>, vector<16xf32>,
      %get3A_1650 = arith.constant 0 : i32
      %get3A_1651 = arith.index_cast %get3A_1650 : i32 to index
      %get3A_1652 = arith.constant 112 : index
      %get3A_1653 = tpu.vector_load %arg6[%get3A_1651, %get3A_1652] {strides = array<i32>} : memref<16x128xi32, #tpu.memory_space<vmem>>, vector<16xi32>,
      %get3A_1654 = arith.constant 1 : i32
      %get3A_1655 = arith.index_cast %get3A_1654 : i32 to index
      %get3A_1656 = arith.constant 112 : index
      %get3A_1657 = tpu.vector_load %arg5[%get3A_1655, %get3A_1656] {strides = array<i32>} : memref<16x128xf32, #tpu.memory_space<vmem>>, vector<16xf32>,
      %lt3A_1658 = arith.cmpf olt, %get3A_1657, %get3A_1649 : vector<16xf32>
      %select_n3A_1659 = arith.select %lt3A_1658, %get3A_1657, %get3A_1649 : vector<16xi1>, vector<16xf32>
      %get3A_1660 = arith.constant 1 : i32
      %get3A_1661 = arith.index_cast %get3A_1660 : i32 to index
      %get3A_1662 = arith.constant 112 : index
      %get3A_1663 = tpu.vector_load %arg6[%get3A_1661, %get3A_1662] {strides = array<i32>} : memref<16x128xi32, #tpu.memory_space<vmem>>, vector<16xi32>,
      %select_n3A_1664 = arith.select %lt3A_1658, %get3A_1663, %get3A_1653 : vector<16xi1>, vector<16xi32>
      %get3A_1665 = arith.constant 2 : i32
      %get3A_1666 = arith.index_cast %get3A_1665 : i32 to index
      %get3A_1667 = arith.constant 112 : index
      %get3A_1668 = tpu.vector_load %arg5[%get3A_1666, %get3A_1667] {strides = array<i32>} : memref<16x128xf32, #tpu.memory_space<vmem>>, vector<16xf32>,
      %lt3A_1669 = arith.cmpf olt, %get3A_1668, %select_n3A_1659 : vector<16xf32>
      %select_n3A_1670 = arith.select %lt3A_1669, %get3A_1668, %select_n3A_1659 : vector<16xi1>, vector<16xf32>
      %get3A_1671 = arith.constant 2 : i32
      %get3A_1672 = arith.index_cast %get3A_1671 : i32 to index
      %get3A_1673 = arith.constant 112 : index
      %get3A_1674 = tpu.vector_load %arg6[%get3A_1672, %get3A_1673] {strides = array<i32>} : memref<16x128xi32, #tpu.memory_space<vmem>>, vector<16xi32>,
      %select_n3A_1675 = arith.select %lt3A_1669, %get3A_1674, %select_n3A_1664 : vector<16xi1>, vector<16xi32>
      %get3A_1676 = arith.constant 3 : i32
      %get3A_1677 = arith.index_cast %get3A_1676 : i32 to index
      %get3A_1678 = arith.constant 112 : index
      %get3A_1679 = tpu.vector_load %arg5[%get3A_1677, %get3A_1678] {strides = array<i32>} : memref<16x128xf32, #tpu.memory_space<vmem>>, vector<16xf32>,
      %lt3A_1680 = arith.cmpf olt, %get3A_1679, %select_n3A_1670 : vector<16xf32>
      %select_n3A_1681 = arith.select %lt3A_1680, %get3A_1679, %select_n3A_1670 : vector<16xi1>, vector<16xf32>
      %get3A_1682 = arith.constant 3 : i32
      %get3A_1683 = arith.index_cast %get3A_1682 : i32 to index
      %get3A_1684 = arith.constant 112 : index
      %get3A_1685 = tpu.vector_load %arg6[%get3A_1683, %get3A_1684] {strides = array<i32>} : memref<16x128xi32, #tpu.memory_space<vmem>>, vector<16xi32>,
      %select_n3A_1686 = arith.select %lt3A_1680, %get3A_1685, %select_n3A_1675 : vector<16xi1>, vector<16xi32>
      %get3A_1687 = arith.constant 4 : i32
      %get3A_1688 = arith.index_cast %get3A_1687 : i32 to index
      %get3A_1689 = arith.constant 112 : index
      %get3A_1690 = tpu.vector_load %arg5[%get3A_1688, %get3A_1689] {strides = array<i32>} : memref<16x128xf32, #tpu.memory_space<vmem>>, vector<16xf32>,
      %lt3A_1691 = arith.cmpf olt, %get3A_1690, %select_n3A_1681 : vector<16xf32>
      %select_n3A_1692 = arith.select %lt3A_1691, %get3A_1690, %select_n3A_1681 : vector<16xi1>, vector<16xf32>
      %get3A_1693 = arith.constant 4 : i32
      %get3A_1694 = arith.index_cast %get3A_1693 : i32 to index
      %get3A_1695 = arith.constant 112 : index
      %get3A_1696 = tpu.vector_load %arg6[%get3A_1694, %get3A_1695] {strides = array<i32>} : memref<16x128xi32, #tpu.memory_space<vmem>>, vector<16xi32>,
      %select_n3A_1697 = arith.select %lt3A_1691, %get3A_1696, %select_n3A_1686 : vector<16xi1>, vector<16xi32>
      %get3A_1698 = arith.constant 5 : i32
      %get3A_1699 = arith.index_cast %get3A_1698 : i32 to index
      %get3A_1700 = arith.constant 112 : index
      %get3A_1701 = tpu.vector_load %arg5[%get3A_1699, %get3A_1700] {strides = array<i32>} : memref<16x128xf32, #tpu.memory_space<vmem>>, vector<16xf32>,
      %lt3A_1702 = arith.cmpf olt, %get3A_1701, %select_n3A_1692 : vector<16xf32>
      %select_n3A_1703 = arith.select %lt3A_1702, %get3A_1701, %select_n3A_1692 : vector<16xi1>, vector<16xf32>
      %get3A_1704 = arith.constant 5 : i32
      %get3A_1705 = arith.index_cast %get3A_1704 : i32 to index
      %get3A_1706 = arith.constant 112 : index
      %get3A_1707 = tpu.vector_load %arg6[%get3A_1705, %get3A_1706] {strides = array<i32>} : memref<16x128xi32, #tpu.memory_space<vmem>>, vector<16xi32>,
      %select_n3A_1708 = arith.select %lt3A_1702, %get3A_1707, %select_n3A_1697 : vector<16xi1>, vector<16xi32>
      %get3A_1709 = arith.constant 6 : i32
      %get3A_1710 = arith.index_cast %get3A_1709 : i32 to index
      %get3A_1711 = arith.constant 112 : index
      %get3A_1712 = tpu.vector_load %arg5[%get3A_1710, %get3A_1711] {strides = array<i32>} : memref<16x128xf32, #tpu.memory_space<vmem>>, vector<16xf32>,
      %lt3A_1713 = arith.cmpf olt, %get3A_1712, %select_n3A_1703 : vector<16xf32>
      %select_n3A_1714 = arith.select %lt3A_1713, %get3A_1712, %select_n3A_1703 : vector<16xi1>, vector<16xf32>
      %get3A_1715 = arith.constant 6 : i32
      %get3A_1716 = arith.index_cast %get3A_1715 : i32 to index
      %get3A_1717 = arith.constant 112 : index
      %get3A_1718 = tpu.vector_load %arg6[%get3A_1716, %get3A_1717] {strides = array<i32>} : memref<16x128xi32, #tpu.memory_space<vmem>>, vector<16xi32>,
      %select_n3A_1719 = arith.select %lt3A_1713, %get3A_1718, %select_n3A_1708 : vector<16xi1>, vector<16xi32>
      %get3A_1720 = arith.constant 7 : i32
      %get3A_1721 = arith.index_cast %get3A_1720 : i32 to index
      %get3A_1722 = arith.constant 112 : index
      %get3A_1723 = tpu.vector_load %arg5[%get3A_1721, %get3A_1722] {strides = array<i32>} : memref<16x128xf32, #tpu.memory_space<vmem>>, vector<16xf32>,
      %lt3A_1724 = arith.cmpf olt, %get3A_1723, %select_n3A_1714 : vector<16xf32>
      %select_n3A_1725 = arith.select %lt3A_1724, %get3A_1723, %select_n3A_1714 : vector<16xi1>, vector<16xf32>
      %get3A_1726 = arith.constant 7 : i32
      %get3A_1727 = arith.index_cast %get3A_1726 : i32 to index
      %get3A_1728 = arith.constant 112 : index
      %get3A_1729 = tpu.vector_load %arg6[%get3A_1727, %get3A_1728] {strides = array<i32>} : memref<16x128xi32, #tpu.memory_space<vmem>>, vector<16xi32>,
      %select_n3A_1730 = arith.select %lt3A_1724, %get3A_1729, %select_n3A_1719 : vector<16xi1>, vector<16xi32>
      %get3A_1731 = arith.constant 8 : i32
      %get3A_1732 = arith.index_cast %get3A_1731 : i32 to index
      %get3A_1733 = arith.constant 112 : index
      %get3A_1734 = tpu.vector_load %arg5[%get3A_1732, %get3A_1733] {strides = array<i32>} : memref<16x128xf32, #tpu.memory_space<vmem>>, vector<16xf32>,
      %lt3A_1735 = arith.cmpf olt, %get3A_1734, %select_n3A_1725 : vector<16xf32>
      %select_n3A_1736 = arith.select %lt3A_1735, %get3A_1734, %select_n3A_1725 : vector<16xi1>, vector<16xf32>
      %get3A_1737 = arith.constant 8 : i32
      %get3A_1738 = arith.index_cast %get3A_1737 : i32 to index
      %get3A_1739 = arith.constant 112 : index
      %get3A_1740 = tpu.vector_load %arg6[%get3A_1738, %get3A_1739] {strides = array<i32>} : memref<16x128xi32, #tpu.memory_space<vmem>>, vector<16xi32>,
      %select_n3A_1741 = arith.select %lt3A_1735, %get3A_1740, %select_n3A_1730 : vector<16xi1>, vector<16xi32>
      %get3A_1742 = arith.constant 9 : i32
      %get3A_1743 = arith.index_cast %get3A_1742 : i32 to index
      %get3A_1744 = arith.constant 112 : index
      %get3A_1745 = tpu.vector_load %arg5[%get3A_1743, %get3A_1744] {strides = array<i32>} : memref<16x128xf32, #tpu.memory_space<vmem>>, vector<16xf32>,
      %lt3A_1746 = arith.cmpf olt, %get3A_1745, %select_n3A_1736 : vector<16xf32>
      %select_n3A_1747 = arith.select %lt3A_1746, %get3A_1745, %select_n3A_1736 : vector<16xi1>, vector<16xf32>
      %get3A_1748 = arith.constant 9 : i32
      %get3A_1749 = arith.index_cast %get3A_1748 : i32 to index
      %get3A_1750 = arith.constant 112 : index
      %get3A_1751 = tpu.vector_load %arg6[%get3A_1749, %get3A_1750] {strides = array<i32>} : memref<16x128xi32, #tpu.memory_space<vmem>>, vector<16xi32>,
      %select_n3A_1752 = arith.select %lt3A_1746, %get3A_1751, %select_n3A_1741 : vector<16xi1>, vector<16xi32>
      %get3A_1753 = arith.constant 10 : i32
      %get3A_1754 = arith.index_cast %get3A_1753 : i32 to index
      %get3A_1755 = arith.constant 112 : index
      %get3A_1756 = tpu.vector_load %arg5[%get3A_1754, %get3A_1755] {strides = array<i32>} : memref<16x128xf32, #tpu.memory_space<vmem>>, vector<16xf32>,
      %lt3A_1757 = arith.cmpf olt, %get3A_1756, %select_n3A_1747 : vector<16xf32>
      %select_n3A_1758 = arith.select %lt3A_1757, %get3A_1756, %select_n3A_1747 : vector<16xi1>, vector<16xf32>
      %get3A_1759 = arith.constant 10 : i32
      %get3A_1760 = arith.index_cast %get3A_1759 : i32 to index
      %get3A_1761 = arith.constant 112 : index
      %get3A_1762 = tpu.vector_load %arg6[%get3A_1760, %get3A_1761] {strides = array<i32>} : memref<16x128xi32, #tpu.memory_space<vmem>>, vector<16xi32>,
      %select_n3A_1763 = arith.select %lt3A_1757, %get3A_1762, %select_n3A_1752 : vector<16xi1>, vector<16xi32>
      %get3A_1764 = arith.constant 11 : i32
      %get3A_1765 = arith.index_cast %get3A_1764 : i32 to index
      %get3A_1766 = arith.constant 112 : index
      %get3A_1767 = tpu.vector_load %arg5[%get3A_1765, %get3A_1766] {strides = array<i32>} : memref<16x128xf32, #tpu.memory_space<vmem>>, vector<16xf32>,
      %lt3A_1768 = arith.cmpf olt, %get3A_1767, %select_n3A_1758 : vector<16xf32>
      %select_n3A_1769 = arith.select %lt3A_1768, %get3A_1767, %select_n3A_1758 : vector<16xi1>, vector<16xf32>
      %get3A_1770 = arith.constant 11 : i32
      %get3A_1771 = arith.index_cast %get3A_1770 : i32 to index
      %get3A_1772 = arith.constant 112 : index
      %get3A_1773 = tpu.vector_load %arg6[%get3A_1771, %get3A_1772] {strides = array<i32>} : memref<16x128xi32, #tpu.memory_space<vmem>>, vector<16xi32>,
      %select_n3A_1774 = arith.select %lt3A_1768, %get3A_1773, %select_n3A_1763 : vector<16xi1>, vector<16xi32>
      %get3A_1775 = arith.constant 12 : i32
      %get3A_1776 = arith.index_cast %get3A_1775 : i32 to index
      %get3A_1777 = arith.constant 112 : index
      %get3A_1778 = tpu.vector_load %arg5[%get3A_1776, %get3A_1777] {strides = array<i32>} : memref<16x128xf32, #tpu.memory_space<vmem>>, vector<16xf32>,
      %lt3A_1779 = arith.cmpf olt, %get3A_1778, %select_n3A_1769 : vector<16xf32>
      %select_n3A_1780 = arith.select %lt3A_1779, %get3A_1778, %select_n3A_1769 : vector<16xi1>, vector<16xf32>
      %get3A_1781 = arith.constant 12 : i32
      %get3A_1782 = arith.index_cast %get3A_1781 : i32 to index
      %get3A_1783 = arith.constant 112 : index
      %get3A_1784 = tpu.vector_load %arg6[%get3A_1782, %get3A_1783] {strides = array<i32>} : memref<16x128xi32, #tpu.memory_space<vmem>>, vector<16xi32>,
      %select_n3A_1785 = arith.select %lt3A_1779, %get3A_1784, %select_n3A_1774 : vector<16xi1>, vector<16xi32>
      %get3A_1786 = arith.constant 13 : i32
      %get3A_1787 = arith.index_cast %get3A_1786 : i32 to index
      %get3A_1788 = arith.constant 112 : index
      %get3A_1789 = tpu.vector_load %arg5[%get3A_1787, %get3A_1788] {strides = array<i32>} : memref<16x128xf32, #tpu.memory_space<vmem>>, vector<16xf32>,
      %lt3A_1790 = arith.cmpf olt, %get3A_1789, %select_n3A_1780 : vector<16xf32>
      %select_n3A_1791 = arith.select %lt3A_1790, %get3A_1789, %select_n3A_1780 : vector<16xi1>, vector<16xf32>
      %get3A_1792 = arith.constant 13 : i32
      %get3A_1793 = arith.index_cast %get3A_1792 : i32 to index
      %get3A_1794 = arith.constant 112 : index
      %get3A_1795 = tpu.vector_load %arg6[%get3A_1793, %get3A_1794] {strides = array<i32>} : memref<16x128xi32, #tpu.memory_space<vmem>>, vector<16xi32>,
      %select_n3A_1796 = arith.select %lt3A_1790, %get3A_1795, %select_n3A_1785 : vector<16xi1>, vector<16xi32>
      %get3A_1797 = arith.constant 14 : i32
      %get3A_1798 = arith.index_cast %get3A_1797 : i32 to index
      %get3A_1799 = arith.constant 112 : index
      %get3A_1800 = tpu.vector_load %arg5[%get3A_1798, %get3A_1799] {strides = array<i32>} : memref<16x128xf32, #tpu.memory_space<vmem>>, vector<16xf32>,
      %lt3A_1801 = arith.cmpf olt, %get3A_1800, %select_n3A_1791 : vector<16xf32>
      %select_n3A_1802 = arith.select %lt3A_1801, %get3A_1800, %select_n3A_1791 : vector<16xi1>, vector<16xf32>
      %get3A_1803 = arith.constant 14 : i32
      %get3A_1804 = arith.index_cast %get3A_1803 : i32 to index
      %get3A_1805 = arith.constant 112 : index
      %get3A_1806 = tpu.vector_load %arg6[%get3A_1804, %get3A_1805] {strides = array<i32>} : memref<16x128xi32, #tpu.memory_space<vmem>>, vector<16xi32>,
      %select_n3A_1807 = arith.select %lt3A_1801, %get3A_1806, %select_n3A_1796 : vector<16xi1>, vector<16xi32>
      %get3A_1808 = arith.constant 15 : i32
      %get3A_1809 = arith.index_cast %get3A_1808 : i32 to index
      %get3A_1810 = arith.constant 112 : index
      %get3A_1811 = tpu.vector_load %arg5[%get3A_1809, %get3A_1810] {strides = array<i32>} : memref<16x128xf32, #tpu.memory_space<vmem>>, vector<16xf32>,
      %lt3A_1812 = arith.cmpf olt, %get3A_1811, %select_n3A_1802 : vector<16xf32>
      %select_n3A_1813 = arith.select %lt3A_1812, %get3A_1811, %select_n3A_1802 : vector<16xi1>, vector<16xf32>
      %get3A_1814 = arith.constant 15 : i32
      %get3A_1815 = arith.index_cast %get3A_1814 : i32 to index
      %get3A_1816 = arith.constant 112 : index
      %get3A_1817 = tpu.vector_load %arg6[%get3A_1815, %get3A_1816] {strides = array<i32>} : memref<16x128xi32, #tpu.memory_space<vmem>>, vector<16xi32>,
      %select_n3A_1818 = arith.select %lt3A_1812, %get3A_1817, %select_n3A_1807 : vector<16xi1>, vector<16xi32>
      %jit3A_1819 = arith.constant 64 : i32
      %div3A_1820 = vector.broadcast %jit3A_1819 : i32 to vector<16xi32>
      %div3A_1821 = arith.divsi %select_n3A_1818, %div3A_1820 : vector<16xi32>
      %sign3A_1822 = arith.constant 0 : i32
      %sign3A_1823 = vector.broadcast %sign3A_1822 : i32 to vector<16xi32>
      %sign3A_1824 = arith.cmpi sgt, %select_n3A_1818, %sign3A_1823 : vector<16xi32>
      %sign3A_1825 = arith.extui %sign3A_1824 : vector<16xi1> to vector<16xi32>
      %sign3A_1826 = arith.constant 0 : i32
      %sign3A_1827 = vector.broadcast %sign3A_1826 : i32 to vector<16xi32>
      %sign3A_1828 = arith.cmpi slt, %select_n3A_1818, %sign3A_1827 : vector<16xi32>
      %sign3A_1829 = arith.extui %sign3A_1828 : vector<16xi1> to vector<16xi32>
      %sign3A_1830 = arith.subi %sign3A_1825, %sign3A_1829 : vector<16xi32>
      %sign3A_1831 = arith.constant 0 : i32
      %sign3A_1832 = arith.cmpi sgt, %jit3A_1819, %sign3A_1831 : i32
      %sign3A_1833 = arith.extui %sign3A_1832 : i1 to i32
      %sign3A_1834 = arith.constant 0 : i32
      %sign3A_1835 = arith.cmpi slt, %jit3A_1819, %sign3A_1834 : i32
      %sign3A_1836 = arith.extui %sign3A_1835 : i1 to i32
      %sign3A_1837 = arith.subi %sign3A_1833, %sign3A_1836 : i32
      %ne3A_1838 = vector.broadcast %sign3A_1837 : i32 to vector<16xi32>
      %ne3A_1839 = arith.cmpi ne, %sign3A_1830, %ne3A_1838 : vector<16xi32>
      %rem3A_1840 = vector.broadcast %jit3A_1819 : i32 to vector<16xi32>
      %rem3A_1841 = arith.remsi %select_n3A_1818, %rem3A_1840 : vector<16xi32>
      %ne3A_1842 = arith.constant 0 : i32
      %ne3A_1843 = vector.broadcast %ne3A_1842 : i32 to vector<16xi32>
      %ne3A_1844 = arith.cmpi ne, %rem3A_1841, %ne3A_1843 : vector<16xi32>
      %and3A_1845 = arith.andi %ne3A_1839, %ne3A_1844 : vector<16xi1>
      %sub3A_1846 = arith.constant 1 : i32
      %sub3A_1847 = vector.broadcast %sub3A_1846 : i32 to vector<16xi32>
      %sub3A_1848 = arith.subi %div3A_1821, %sub3A_1847 : vector<16xi32>
      %select_n3A_1849 = arith.select %and3A_1845, %sub3A_1848, %div3A_1821 : vector<16xi1>, vector<16xi32>
      %swap3A_1850 = arith.constant 0 : i32
      %swap3A_1851 = arith.index_cast %swap3A_1850 : i32 to index
      %swap3A_1852 = arith.constant 112 : index
      %swap3A_1853 = tpu.vector_load %arg7[%swap3A_1851, %swap3A_1852] {strides = array<i32>} : memref<2x128xi32, #tpu.memory_space<vmem>>, vector<16xi32>,
      tpu.vector_store %arg7[%swap3A_1851, %swap3A_1852], %select_n3A_1849 {strides = array<i32>} : memref<2x128xi32, #tpu.memory_space<vmem>>, vector<16xi32>,
      %jit3A_1854 = arith.constant 64 : i32
      %eq3A_1855 = arith.constant 0 : i32
      %eq3A_1856 = arith.cmpi eq, %jit3A_1854, %eq3A_1855 : i32
      %jit3A_1857 = arith.constant 1 : i32
      %select_n3A_1858 = arith.select %eq3A_1856, %jit3A_1857, %jit3A_1854 : i32
      %rem3A_1859 = vector.broadcast %select_n3A_1858 : i32 to vector<16xi32>
      %rem3A_1860 = arith.remsi %select_n3A_1818, %rem3A_1859 : vector<16xi32>
      %ne3A_1861 = arith.constant 0 : i32
      %ne3A_1862 = vector.broadcast %ne3A_1861 : i32 to vector<16xi32>
      %ne3A_1863 = arith.cmpi ne, %rem3A_1860, %ne3A_1862 : vector<16xi32>
      %lt3A_1864 = arith.constant 0 : i32
      %lt3A_1865 = vector.broadcast %lt3A_1864 : i32 to vector<16xi32>
      %lt3A_1866 = arith.cmpi slt, %rem3A_1860, %lt3A_1865 : vector<16xi32>
      %lt3A_1867 = arith.constant 0 : i32
      %lt3A_1868 = arith.cmpi slt, %select_n3A_1858, %lt3A_1867 : i32
      %ne3A_1869 = vector.broadcast %lt3A_1868 : i1 to vector<16xi1>
      %ne3A_1870 = vector.broadcast %ne3A_1869 : vector<16xi1> to vector<16xi1>
      %ne3A_1871 = arith.xori %lt3A_1866, %ne3A_1870 : vector<16xi1>
      %and3A_1872 = arith.andi %ne3A_1871, %ne3A_1863 : vector<16xi1>
      %add3A_1873 = vector.broadcast %select_n3A_1858 : i32 to vector<16xi32>
      %add3A_1874 = arith.addi %rem3A_1860, %add3A_1873 : vector<16xi32>
      %select_n3A_1875 = arith.select %and3A_1872, %add3A_1874, %rem3A_1860 : vector<16xi1>, vector<16xi32>
      %swap3A_1876 = arith.constant 1 : i32
      %swap3A_1877 = arith.index_cast %swap3A_1876 : i32 to index
      %swap3A_1878 = arith.constant 112 : index
      %swap3A_1879 = tpu.vector_load %arg7[%swap3A_1877, %swap3A_1878] {strides = array<i32>} : memref<2x128xi32, #tpu.memory_space<vmem>>, vector<16xi32>,
      tpu.vector_store %arg7[%swap3A_1877, %swap3A_1878], %select_n3A_1875 {strides = array<i32>} : memref<2x128xi32, #tpu.memory_space<vmem>>, vector<16xi32>,
      "tpu.region"() ({
        %run_scoped3A = tpu.sem_alloc : memref<!tpu.dma_semaphore, #tpu.memory_space<semaphore_mem>>
        %dma_start3A_1880 = arith.constant 0 : i32
        %dma_start3A_1881 = tpu.memref_slice %arg4[%dma_start3A_1880, %mul3A_4] : memref<2x1024xi32, #tpu.memory_space<hbm>> -> memref<2x128xi32, #tpu.memory_space<hbm>>
        %dma_start3A_1882 = arith.constant 0 : i32
        %dma_start3A_1883 = tpu.memref_slice %arg4[%dma_start3A_1882, %mul3A_4] : memref<2x1024xi32, #tpu.memory_space<hbm>> -> memref<2x128xi32, #tpu.memory_space<hbm>>
        tpu.enqueue_dma source(%arg7 : memref<2x128xi32, #tpu.memory_space<vmem>>) target(%dma_start3A_1883 : memref<2x128xi32, #tpu.memory_space<hbm>>) target_semaphore(%run_scoped3A : memref<!tpu.dma_semaphore, #tpu.memory_space<semaphore_mem>>)
        %dma_wait3A_1884 = arith.constant 0 : i32
        %dma_wait3A_1885 = tpu.memref_slice %arg4[%dma_wait3A_1884, %mul3A_4] : memref<2x1024xi32, #tpu.memory_space<hbm>> -> memref<2x128xi32, #tpu.memory_space<hbm>>
        %dma_wait3A_1886 = arith.constant 0 : i32
        %dma_wait3A_1887 = tpu.memref_slice %arg4[%dma_wait3A_1886, %mul3A_4] : memref<2x1024xi32, #tpu.memory_space<hbm>> -> memref<2x128xi32, #tpu.memory_space<hbm>>
        tpu.wait_dma2 semaphore(%run_scoped3A : memref<!tpu.dma_semaphore, #tpu.memory_space<semaphore_mem>>) src(%arg7 : memref<2x128xi32, #tpu.memory_space<vmem>>) dst(%dma_wait3A_1887 : memref<2x128xi32, #tpu.memory_space<hbm>>)
        tpu.yield
      }) : () -> ()
    } else {
    }
    return
  }
}

module attributes {stable_mosaic.version = 14 : i64} {
  func.func @_dist_body(%arg0: i32, %arg1: memref<256x128xf32, #tpu.memory_space<vmem>>, %arg2: memref<4096x128xf32, #tpu.memory_space<vmem>>, %arg3: memref<16x256xf32, #tpu.memory_space<vmem>>, %arg4: memref<16x256xi32, #tpu.memory_space<vmem>>) attributes {dimension_semantics = [#tpu.dimension_semantics<arbitrary>], iteration_bounds = array<i64: 4>, scalar_prefetch = 0 : i64, scratch_operands = 0 : i64, tpu.core_type = #tpu.core_type<tc>, window_params = [{transform_indices = @transform_0, window_bounds = array<i64: 256, 128>}, {pipeline_mode = #tpu.pipeline_mode<synchronous>, transform_indices = @transform_1, window_bounds = array<i64: 4096, 128>}, {transform_indices = @transform_2, window_bounds = array<i64: 16, 256>}, {transform_indices = @transform_3, window_bounds = array<i64: 16, 256>}]} {
    %get3A = arith.constant 0 : index
    %get3A_0 = arith.constant 0 : index
    %get3A_1 = vector.load %arg1[%get3A, %get3A_0] : memref<256x128xf32, #tpu.memory_space<vmem>>, vector<256x128xf32>
    %get3A_2 = arith.constant 0 : index
    %get3A_3 = arith.constant 0 : index
    %get3A_4 = vector.load %arg2[%get3A_2, %get3A_3] : memref<4096x128xf32, #tpu.memory_space<vmem>>, vector<4096x128xf32>
    %mul3A = arith.mulf %get3A_4, %get3A_4 : vector<4096x128xf32>
    %reduce_sum3A = arith.constant dense<0.000000e+00> : vector<4096xf32>
    %reduce_sum3A_5 = vector.multi_reduction <add>, %mul3A, %reduce_sum3A [1] : vector<4096x128xf32> to vector<4096xf32>
    %transpose3A = tpu.transpose %get3A_1, [1, 0] : vector<256x128xf32> -> vector<128x256xf32>
    %dot_general3A = arith.constant dense<0.000000e+00> : vector<4096x256xf32>
    %dot_general3A_6 = tpu.matmul %get3A_4, %transpose3A, %dot_general3A {dimension_numbers = #tpu.dot_dimension_numbers<[1], [0], [0], [1], [0, 0, 1, 1], [], []>, precision = #tpu.contract_precision<fp32>, transpose_lhs_hint = false} : vector<4096x128xf32>, vector<128x256xf32>, vector<4096x256xf32> -> vector<4096x256xf32>
    %broadcast_in_dim3A = vector.shape_cast %reduce_sum3A_5 : vector<4096xf32> to vector<4096x1xf32>
    %mul3A_7 = arith.constant 2.000000e+00 : f32
    %mul3A_8 = vector.broadcast %mul3A_7 : f32 to vector<4096x256xf32>
    %mul3A_9 = arith.mulf %mul3A_8, %dot_general3A_6 : vector<4096x256xf32>
    %sub3A = vector.broadcast %broadcast_in_dim3A : vector<4096x1xf32> to vector<4096x256xf32>
    %sub3A_10 = arith.subf %sub3A, %mul3A_9 : vector<4096x256xf32>
    %slice3A = vector.extract_strided_slice %sub3A_10 {offsets = [0, 0], sizes = [256, 256], strides = [1, 1]} : vector<4096x256xf32> to vector<256x256xf32>
    %reduce_min3A = arith.constant dense<0x7F800000> : vector<256xf32>
    %reduce_min3A_11 = vector.multi_reduction <minimumf>, %slice3A, %reduce_min3A [0] : vector<256x256xf32> to vector<256xf32>
    %argmin3A = tpu.reduce_index %slice3A {axis = 0 : i32, kind = #tpu.reduction_kind<arg_min>} : vector<256x256xf32> -> vector<256xi32>
    %add3A = arith.constant 0 : i32
    %add3A_12 = vector.broadcast %add3A : i32 to vector<256xi32>
    %add3A_13 = arith.addi %argmin3A, %add3A_12 : vector<256xi32>
    %slice3A_14 = vector.extract_strided_slice %sub3A_10 {offsets = [256, 0], sizes = [256, 256], strides = [1, 1]} : vector<4096x256xf32> to vector<256x256xf32>
    %reduce_min3A_15 = arith.constant dense<0x7F800000> : vector<256xf32>
    %reduce_min3A_16 = vector.multi_reduction <minimumf>, %slice3A_14, %reduce_min3A_15 [0] : vector<256x256xf32> to vector<256xf32>
    %argmin3A_17 = tpu.reduce_index %slice3A_14 {axis = 0 : i32, kind = #tpu.reduction_kind<arg_min>} : vector<256x256xf32> -> vector<256xi32>
    %add3A_18 = arith.constant 256 : i32
    %add3A_19 = vector.broadcast %add3A_18 : i32 to vector<256xi32>
    %add3A_20 = arith.addi %argmin3A_17, %add3A_19 : vector<256xi32>
    %slice3A_21 = vector.extract_strided_slice %sub3A_10 {offsets = [512, 0], sizes = [256, 256], strides = [1, 1]} : vector<4096x256xf32> to vector<256x256xf32>
    %reduce_min3A_22 = arith.constant dense<0x7F800000> : vector<256xf32>
    %reduce_min3A_23 = vector.multi_reduction <minimumf>, %slice3A_21, %reduce_min3A_22 [0] : vector<256x256xf32> to vector<256xf32>
    %argmin3A_24 = tpu.reduce_index %slice3A_21 {axis = 0 : i32, kind = #tpu.reduction_kind<arg_min>} : vector<256x256xf32> -> vector<256xi32>
    %add3A_25 = arith.constant 512 : i32
    %add3A_26 = vector.broadcast %add3A_25 : i32 to vector<256xi32>
    %add3A_27 = arith.addi %argmin3A_24, %add3A_26 : vector<256xi32>
    %slice3A_28 = vector.extract_strided_slice %sub3A_10 {offsets = [768, 0], sizes = [256, 256], strides = [1, 1]} : vector<4096x256xf32> to vector<256x256xf32>
    %reduce_min3A_29 = arith.constant dense<0x7F800000> : vector<256xf32>
    %reduce_min3A_30 = vector.multi_reduction <minimumf>, %slice3A_28, %reduce_min3A_29 [0] : vector<256x256xf32> to vector<256xf32>
    %argmin3A_31 = tpu.reduce_index %slice3A_28 {axis = 0 : i32, kind = #tpu.reduction_kind<arg_min>} : vector<256x256xf32> -> vector<256xi32>
    %add3A_32 = arith.constant 768 : i32
    %add3A_33 = vector.broadcast %add3A_32 : i32 to vector<256xi32>
    %add3A_34 = arith.addi %argmin3A_31, %add3A_33 : vector<256xi32>
    %slice3A_35 = vector.extract_strided_slice %sub3A_10 {offsets = [1024, 0], sizes = [256, 256], strides = [1, 1]} : vector<4096x256xf32> to vector<256x256xf32>
    %reduce_min3A_36 = arith.constant dense<0x7F800000> : vector<256xf32>
    %reduce_min3A_37 = vector.multi_reduction <minimumf>, %slice3A_35, %reduce_min3A_36 [0] : vector<256x256xf32> to vector<256xf32>
    %argmin3A_38 = tpu.reduce_index %slice3A_35 {axis = 0 : i32, kind = #tpu.reduction_kind<arg_min>} : vector<256x256xf32> -> vector<256xi32>
    %add3A_39 = arith.constant 1024 : i32
    %add3A_40 = vector.broadcast %add3A_39 : i32 to vector<256xi32>
    %add3A_41 = arith.addi %argmin3A_38, %add3A_40 : vector<256xi32>
    %slice3A_42 = vector.extract_strided_slice %sub3A_10 {offsets = [1280, 0], sizes = [256, 256], strides = [1, 1]} : vector<4096x256xf32> to vector<256x256xf32>
    %reduce_min3A_43 = arith.constant dense<0x7F800000> : vector<256xf32>
    %reduce_min3A_44 = vector.multi_reduction <minimumf>, %slice3A_42, %reduce_min3A_43 [0] : vector<256x256xf32> to vector<256xf32>
    %argmin3A_45 = tpu.reduce_index %slice3A_42 {axis = 0 : i32, kind = #tpu.reduction_kind<arg_min>} : vector<256x256xf32> -> vector<256xi32>
    %add3A_46 = arith.constant 1280 : i32
    %add3A_47 = vector.broadcast %add3A_46 : i32 to vector<256xi32>
    %add3A_48 = arith.addi %argmin3A_45, %add3A_47 : vector<256xi32>
    %slice3A_49 = vector.extract_strided_slice %sub3A_10 {offsets = [1536, 0], sizes = [256, 256], strides = [1, 1]} : vector<4096x256xf32> to vector<256x256xf32>
    %reduce_min3A_50 = arith.constant dense<0x7F800000> : vector<256xf32>
    %reduce_min3A_51 = vector.multi_reduction <minimumf>, %slice3A_49, %reduce_min3A_50 [0] : vector<256x256xf32> to vector<256xf32>
    %argmin3A_52 = tpu.reduce_index %slice3A_49 {axis = 0 : i32, kind = #tpu.reduction_kind<arg_min>} : vector<256x256xf32> -> vector<256xi32>
    %add3A_53 = arith.constant 1536 : i32
    %add3A_54 = vector.broadcast %add3A_53 : i32 to vector<256xi32>
    %add3A_55 = arith.addi %argmin3A_52, %add3A_54 : vector<256xi32>
    %slice3A_56 = vector.extract_strided_slice %sub3A_10 {offsets = [1792, 0], sizes = [256, 256], strides = [1, 1]} : vector<4096x256xf32> to vector<256x256xf32>
    %reduce_min3A_57 = arith.constant dense<0x7F800000> : vector<256xf32>
    %reduce_min3A_58 = vector.multi_reduction <minimumf>, %slice3A_56, %reduce_min3A_57 [0] : vector<256x256xf32> to vector<256xf32>
    %argmin3A_59 = tpu.reduce_index %slice3A_56 {axis = 0 : i32, kind = #tpu.reduction_kind<arg_min>} : vector<256x256xf32> -> vector<256xi32>
    %add3A_60 = arith.constant 1792 : i32
    %add3A_61 = vector.broadcast %add3A_60 : i32 to vector<256xi32>
    %add3A_62 = arith.addi %argmin3A_59, %add3A_61 : vector<256xi32>
    %slice3A_63 = vector.extract_strided_slice %sub3A_10 {offsets = [2048, 0], sizes = [256, 256], strides = [1, 1]} : vector<4096x256xf32> to vector<256x256xf32>
    %reduce_min3A_64 = arith.constant dense<0x7F800000> : vector<256xf32>
    %reduce_min3A_65 = vector.multi_reduction <minimumf>, %slice3A_63, %reduce_min3A_64 [0] : vector<256x256xf32> to vector<256xf32>
    %argmin3A_66 = tpu.reduce_index %slice3A_63 {axis = 0 : i32, kind = #tpu.reduction_kind<arg_min>} : vector<256x256xf32> -> vector<256xi32>
    %add3A_67 = arith.constant 2048 : i32
    %add3A_68 = vector.broadcast %add3A_67 : i32 to vector<256xi32>
    %add3A_69 = arith.addi %argmin3A_66, %add3A_68 : vector<256xi32>
    %slice3A_70 = vector.extract_strided_slice %sub3A_10 {offsets = [2304, 0], sizes = [256, 256], strides = [1, 1]} : vector<4096x256xf32> to vector<256x256xf32>
    %reduce_min3A_71 = arith.constant dense<0x7F800000> : vector<256xf32>
    %reduce_min3A_72 = vector.multi_reduction <minimumf>, %slice3A_70, %reduce_min3A_71 [0] : vector<256x256xf32> to vector<256xf32>
    %argmin3A_73 = tpu.reduce_index %slice3A_70 {axis = 0 : i32, kind = #tpu.reduction_kind<arg_min>} : vector<256x256xf32> -> vector<256xi32>
    %add3A_74 = arith.constant 2304 : i32
    %add3A_75 = vector.broadcast %add3A_74 : i32 to vector<256xi32>
    %add3A_76 = arith.addi %argmin3A_73, %add3A_75 : vector<256xi32>
    %slice3A_77 = vector.extract_strided_slice %sub3A_10 {offsets = [2560, 0], sizes = [256, 256], strides = [1, 1]} : vector<4096x256xf32> to vector<256x256xf32>
    %reduce_min3A_78 = arith.constant dense<0x7F800000> : vector<256xf32>
    %reduce_min3A_79 = vector.multi_reduction <minimumf>, %slice3A_77, %reduce_min3A_78 [0] : vector<256x256xf32> to vector<256xf32>
    %argmin3A_80 = tpu.reduce_index %slice3A_77 {axis = 0 : i32, kind = #tpu.reduction_kind<arg_min>} : vector<256x256xf32> -> vector<256xi32>
    %add3A_81 = arith.constant 2560 : i32
    %add3A_82 = vector.broadcast %add3A_81 : i32 to vector<256xi32>
    %add3A_83 = arith.addi %argmin3A_80, %add3A_82 : vector<256xi32>
    %slice3A_84 = vector.extract_strided_slice %sub3A_10 {offsets = [2816, 0], sizes = [256, 256], strides = [1, 1]} : vector<4096x256xf32> to vector<256x256xf32>
    %reduce_min3A_85 = arith.constant dense<0x7F800000> : vector<256xf32>
    %reduce_min3A_86 = vector.multi_reduction <minimumf>, %slice3A_84, %reduce_min3A_85 [0] : vector<256x256xf32> to vector<256xf32>
    %argmin3A_87 = tpu.reduce_index %slice3A_84 {axis = 0 : i32, kind = #tpu.reduction_kind<arg_min>} : vector<256x256xf32> -> vector<256xi32>
    %add3A_88 = arith.constant 2816 : i32
    %add3A_89 = vector.broadcast %add3A_88 : i32 to vector<256xi32>
    %add3A_90 = arith.addi %argmin3A_87, %add3A_89 : vector<256xi32>
    %slice3A_91 = vector.extract_strided_slice %sub3A_10 {offsets = [3072, 0], sizes = [256, 256], strides = [1, 1]} : vector<4096x256xf32> to vector<256x256xf32>
    %reduce_min3A_92 = arith.constant dense<0x7F800000> : vector<256xf32>
    %reduce_min3A_93 = vector.multi_reduction <minimumf>, %slice3A_91, %reduce_min3A_92 [0] : vector<256x256xf32> to vector<256xf32>
    %argmin3A_94 = tpu.reduce_index %slice3A_91 {axis = 0 : i32, kind = #tpu.reduction_kind<arg_min>} : vector<256x256xf32> -> vector<256xi32>
    %add3A_95 = arith.constant 3072 : i32
    %add3A_96 = vector.broadcast %add3A_95 : i32 to vector<256xi32>
    %add3A_97 = arith.addi %argmin3A_94, %add3A_96 : vector<256xi32>
    %slice3A_98 = vector.extract_strided_slice %sub3A_10 {offsets = [3328, 0], sizes = [256, 256], strides = [1, 1]} : vector<4096x256xf32> to vector<256x256xf32>
    %reduce_min3A_99 = arith.constant dense<0x7F800000> : vector<256xf32>
    %reduce_min3A_100 = vector.multi_reduction <minimumf>, %slice3A_98, %reduce_min3A_99 [0] : vector<256x256xf32> to vector<256xf32>
    %argmin3A_101 = tpu.reduce_index %slice3A_98 {axis = 0 : i32, kind = #tpu.reduction_kind<arg_min>} : vector<256x256xf32> -> vector<256xi32>
    %add3A_102 = arith.constant 3328 : i32
    %add3A_103 = vector.broadcast %add3A_102 : i32 to vector<256xi32>
    %add3A_104 = arith.addi %argmin3A_101, %add3A_103 : vector<256xi32>
    %slice3A_105 = vector.extract_strided_slice %sub3A_10 {offsets = [3584, 0], sizes = [256, 256], strides = [1, 1]} : vector<4096x256xf32> to vector<256x256xf32>
    %reduce_min3A_106 = arith.constant dense<0x7F800000> : vector<256xf32>
    %reduce_min3A_107 = vector.multi_reduction <minimumf>, %slice3A_105, %reduce_min3A_106 [0] : vector<256x256xf32> to vector<256xf32>
    %argmin3A_108 = tpu.reduce_index %slice3A_105 {axis = 0 : i32, kind = #tpu.reduction_kind<arg_min>} : vector<256x256xf32> -> vector<256xi32>
    %add3A_109 = arith.constant 3584 : i32
    %add3A_110 = vector.broadcast %add3A_109 : i32 to vector<256xi32>
    %add3A_111 = arith.addi %argmin3A_108, %add3A_110 : vector<256xi32>
    %slice3A_112 = vector.extract_strided_slice %sub3A_10 {offsets = [3840, 0], sizes = [256, 256], strides = [1, 1]} : vector<4096x256xf32> to vector<256x256xf32>
    %reduce_min3A_113 = arith.constant dense<0x7F800000> : vector<256xf32>
    %reduce_min3A_114 = vector.multi_reduction <minimumf>, %slice3A_112, %reduce_min3A_113 [0] : vector<256x256xf32> to vector<256xf32>
    %argmin3A_115 = tpu.reduce_index %slice3A_112 {axis = 0 : i32, kind = #tpu.reduction_kind<arg_min>} : vector<256x256xf32> -> vector<256xi32>
    %add3A_116 = arith.constant 3840 : i32
    %add3A_117 = vector.broadcast %add3A_116 : i32 to vector<256xi32>
    %add3A_118 = arith.addi %argmin3A_115, %add3A_117 : vector<256xi32>
    %stack3A = vector.shape_cast %reduce_min3A_11 : vector<256xf32> to vector<1x256xf32>
    %stack3A_119 = vector.shape_cast %reduce_min3A_16 : vector<256xf32> to vector<1x256xf32>
    %stack3A_120 = vector.shape_cast %reduce_min3A_23 : vector<256xf32> to vector<1x256xf32>
    %stack3A_121 = vector.shape_cast %reduce_min3A_30 : vector<256xf32> to vector<1x256xf32>
    %stack3A_122 = vector.shape_cast %reduce_min3A_37 : vector<256xf32> to vector<1x256xf32>
    %stack3A_123 = vector.shape_cast %reduce_min3A_44 : vector<256xf32> to vector<1x256xf32>
    %stack3A_124 = vector.shape_cast %reduce_min3A_51 : vector<256xf32> to vector<1x256xf32>
    %stack3A_125 = vector.shape_cast %reduce_min3A_58 : vector<256xf32> to vector<1x256xf32>
    %stack3A_126 = vector.shape_cast %reduce_min3A_65 : vector<256xf32> to vector<1x256xf32>
    %stack3A_127 = vector.shape_cast %reduce_min3A_72 : vector<256xf32> to vector<1x256xf32>
    %stack3A_128 = vector.shape_cast %reduce_min3A_79 : vector<256xf32> to vector<1x256xf32>
    %stack3A_129 = vector.shape_cast %reduce_min3A_86 : vector<256xf32> to vector<1x256xf32>
    %stack3A_130 = vector.shape_cast %reduce_min3A_93 : vector<256xf32> to vector<1x256xf32>
    %stack3A_131 = vector.shape_cast %reduce_min3A_100 : vector<256xf32> to vector<1x256xf32>
    %stack3A_132 = vector.shape_cast %reduce_min3A_107 : vector<256xf32> to vector<1x256xf32>
    %stack3A_133 = vector.shape_cast %reduce_min3A_114 : vector<256xf32> to vector<1x256xf32>
    %stack3A_134 = tpu.concatenate %stack3A, %stack3A_119, %stack3A_120, %stack3A_121, %stack3A_122, %stack3A_123, %stack3A_124, %stack3A_125, %stack3A_126, %stack3A_127, %stack3A_128, %stack3A_129, %stack3A_130, %stack3A_131, %stack3A_132, %stack3A_133 in 0 : vector<1x256xf32>, vector<1x256xf32>, vector<1x256xf32>, vector<1x256xf32>, vector<1x256xf32>, vector<1x256xf32>, vector<1x256xf32>, vector<1x256xf32>, vector<1x256xf32>, vector<1x256xf32>, vector<1x256xf32>, vector<1x256xf32>, vector<1x256xf32>, vector<1x256xf32>, vector<1x256xf32>, vector<1x256xf32> -> vector<16x256xf32>
    %swap3A = arith.constant 0 : index
    %swap3A_135 = arith.constant 0 : index
    %swap3A_136 = vector.load %arg3[%swap3A, %swap3A_135] : memref<16x256xf32, #tpu.memory_space<vmem>>, vector<16x256xf32>
    tpu.vector_store %arg3[%swap3A, %swap3A_135], %stack3A_134 {strides = array<i32>} : memref<16x256xf32, #tpu.memory_space<vmem>>, vector<16x256xf32>,
    %stack3A_137 = vector.shape_cast %add3A_13 : vector<256xi32> to vector<1x256xi32>
    %stack3A_138 = vector.shape_cast %add3A_20 : vector<256xi32> to vector<1x256xi32>
    %stack3A_139 = vector.shape_cast %add3A_27 : vector<256xi32> to vector<1x256xi32>
    %stack3A_140 = vector.shape_cast %add3A_34 : vector<256xi32> to vector<1x256xi32>
    %stack3A_141 = vector.shape_cast %add3A_41 : vector<256xi32> to vector<1x256xi32>
    %stack3A_142 = vector.shape_cast %add3A_48 : vector<256xi32> to vector<1x256xi32>
    %stack3A_143 = vector.shape_cast %add3A_55 : vector<256xi32> to vector<1x256xi32>
    %stack3A_144 = vector.shape_cast %add3A_62 : vector<256xi32> to vector<1x256xi32>
    %stack3A_145 = vector.shape_cast %add3A_69 : vector<256xi32> to vector<1x256xi32>
    %stack3A_146 = vector.shape_cast %add3A_76 : vector<256xi32> to vector<1x256xi32>
    %stack3A_147 = vector.shape_cast %add3A_83 : vector<256xi32> to vector<1x256xi32>
    %stack3A_148 = vector.shape_cast %add3A_90 : vector<256xi32> to vector<1x256xi32>
    %stack3A_149 = vector.shape_cast %add3A_97 : vector<256xi32> to vector<1x256xi32>
    %stack3A_150 = vector.shape_cast %add3A_104 : vector<256xi32> to vector<1x256xi32>
    %stack3A_151 = vector.shape_cast %add3A_111 : vector<256xi32> to vector<1x256xi32>
    %stack3A_152 = vector.shape_cast %add3A_118 : vector<256xi32> to vector<1x256xi32>
    %stack3A_153 = tpu.concatenate %stack3A_137, %stack3A_138, %stack3A_139, %stack3A_140, %stack3A_141, %stack3A_142, %stack3A_143, %stack3A_144, %stack3A_145, %stack3A_146, %stack3A_147, %stack3A_148, %stack3A_149, %stack3A_150, %stack3A_151, %stack3A_152 in 0 : vector<1x256xi32>, vector<1x256xi32>, vector<1x256xi32>, vector<1x256xi32>, vector<1x256xi32>, vector<1x256xi32>, vector<1x256xi32>, vector<1x256xi32>, vector<1x256xi32>, vector<1x256xi32>, vector<1x256xi32>, vector<1x256xi32>, vector<1x256xi32>, vector<1x256xi32>, vector<1x256xi32>, vector<1x256xi32> -> vector<16x256xi32>
    %swap3A_154 = arith.constant 0 : index
    %swap3A_155 = arith.constant 0 : index
    %swap3A_156 = vector.load %arg4[%swap3A_154, %swap3A_155] : memref<16x256xi32, #tpu.memory_space<vmem>>, vector<16x256xi32>
    tpu.vector_store %arg4[%swap3A_154, %swap3A_155], %stack3A_153 {strides = array<i32>} : memref<16x256xi32, #tpu.memory_space<vmem>>, vector<16x256xi32>,
    return
  }
  func.func @transform_0(%arg0: i32) -> (i32, i32) {
    %c0_i32 = arith.constant 0 : i32
    %c0_i32_0 = arith.constant 0 : i32
    return %arg0, %c0_i32 : i32, i32
  }
  func.func @transform_1(%arg0: i32) -> (i32, i32) {
    %c0_i32 = arith.constant 0 : i32
    %c0_i32_0 = arith.constant 0 : i32
    %c0_i32_1 = arith.constant 0 : i32
    return %c0_i32, %c0_i32_0 : i32, i32
  }
  func.func @transform_2(%arg0: i32) -> (i32, i32) {
    %c0_i32 = arith.constant 0 : i32
    %c0_i32_0 = arith.constant 0 : i32
    return %c0_i32, %arg0 : i32, i32
  }
  func.func @transform_3(%arg0: i32) -> (i32, i32) {
    %c0_i32 = arith.constant 0 : i32
    %c0_i32_0 = arith.constant 0 : i32
    return %c0_i32, %arg0 : i32, i32
  }
}

</mosaic_0001>

<sc_bundles>
// kernel: kernel.4.cloned.1.call-start
scs
__scs_entry_jumppad:
0x0: {  	(pc) =	sbr.rel $0x88, $3  }
0x1: {  	(tag) =	ssettag $0x0;
	lr =	simm.s32 $0x1  }
0x2: {  	[smem:$0x3F9F] =	sst lr;
	_ =	strace $0xD0000000  }
0x3: {  	_ = 	snop  }
0x4: {  	_ = 	snop  }
0x5: {  	_ = 	snop  }
0x6: {  	_ = 	snop  }
0x7: {  	_ = 	snop  }
__scs_overlays_trampoline_lowered:
0x8: {  	[smem:$0x3FAE] =	sst s0  }
0x9: {  	[smem:$0x3FAF] =	sst s1  }
0xa: {  	[smem:$0x3FB0] =	sst s2  }
0xb: {  	[smem:$0x3FB1] =	sst s3  }
0xc: {  	[smem:$0x3FB2] =	sst s4  }
0xd: {  	[smem:$0x3FB3] =	sst s5  }
0xe: {  	[smem:$0x3FB4] =	sst s6  }
0xf: {  	[smem:$0x3FB5] =	sst s7  }
0x10: {  	[smem:$0x3FB6] =	sst s8  }
0x11: {  	[smem:$0x3FB7] =	sst s9;
	s0 =	simm.s32 @!p0 $0x0  }
0x12: {  	s1 =	sld [smem:$0x3F9D];
	s0 =	simm.s32 @p0 $0x1  }
0x13: {  	[smem:$0x3FB8] =	sst s0;
	s0 =	simm.s32 @!p1 $0x0  }
0x14: {  	s2 =	sld [smem:$0x3F9C];
	s0 =	simm.s32 @p1 $0x1  }
0x15: {  	[smem:$0x3FB9] =	sst s0;
	s0 =	simm.s32 @!p2 $0x0  }
0x16: {  	s3 =	sld [smem:$0x3FDB];
	s0 =	simm.s32 @p2 $0x1  }
0x17: {  	s4 =	simm.s32 $0x1BF5;
	[smem:$0x3FBB] =	sst s0  }
0x18: {  	s0 =	sld [smem:$0x3F9E];
	_ =	swait.ge [sflag:s4], $0x0  }
0x19: {  	s7 =	sld [smem:$0x3F9F]  }
0x1a: {  	s8 =	sadd.s32 $0xFFFFE003, lr  }
0x1b: {  	s9 =	sadd.s32 $0xFFFFFEF7, lr;
	s5 =	simm.s32 $0xFFFFFFFF;
	p2 =	slt.u32 s8, $0xFFFFF086  }
0x1c: {  	p1 =	slt.u32 s9, $0xF7A;
	s5 =	simm.s32 @!p2 $0x0  }
0x1d: {  	s5 =	simm.s32 @p1 $0x1;
	p0 =	seq.s32 s7, s2  }
0x1e: {  	s7 =	smul.u32 @!p0 $0xF7A, s2;
	p2 =	seq.s32 @!p0 s5, $0x0  }
0x1f: {  	s9 =	smul.u32 $0xF7A, s1;
	s8 =	simm.s32 @!p0 $0x1BF5;
	p2 =	por !p2, p0  }
0x20: {  	[sflag:s8] =	ssyncset.s32 @!p0 $0xFFFFF086;
	s6 =	sadd.s32 @!p0 s3, s7;
	s7 =	simm.s32 @!p0 $0x108  }
0x21: {  	s3 =	sadd.s32 s3, s9;
	s6 =	sadd.s32 @!p0 $0x88, s6;
	s7 =	simm.s32 @p2 $0x1082  }
0x22: {  	[simem:s7], [sflag:s8] =	dma.local @!p0 [hbm:s6], $0xF7A  }
0x23: {  	s9 =	sor.u32 $0xD0000000, s2;
	s6 =	simm.s32 $0x108;
	_ =	swait.ge @!p0 [sflag:s8], $0x0  }
0x24: {  	s3 =	sadd.s32 $0x88, s3;
	s6 =	simm.s32 @!p1 $0x1082;
	[sflag:s4] =	ssyncset.s32 $0xFFFFF086  }
0x25: {  	[simem:s6], [sflag:s4] =	dma.local [hbm:s3], $0xF7A  }
0x26: {  	[smem:$0x3F9F] =	sst s1;
	(tag) =	ssettag s2;
	_ =	strace s9  }
0x27: {  	s1 =	sld [smem:$0x3FAF]  }
0x28: {  	s2 =	sld [smem:$0x3FB0]  }
0x29: {  	s4 =	sld [smem:$0x3FB2]  }
0x2a: {  	p0 =	seq.s32 s5, $0x0;
	s5 =	sld [smem:$0x3FB3]  }
0x2b: {  	s6 =	sld [smem:$0x3FB4]  }
0x2c: {  	s7 =	sld [smem:$0x3FB5]  }
0x2d: {  	s3 =	simm.s32 $0x108;
	s8 =	sld [smem:$0x3FB6]  }
0x2e: {  	s3 =	simm.s32 @!p0 $0x1082;
	s9 =	sld [smem:$0x3FB7]  }
0x2f: {  	lr =	sadd.s32 s0, s3;
	s0 =	sld [smem:$0x3FAE]  }
0x30: {  	s3 =	sld [smem:$0x3FB1]  }
0x31: {  	[smem:$0x3FBA] =	sst s10  }
0x32: {  	s10 =	sld [smem:$0x3FB8];
	_ =	sdelay $0x3  }
0x33: {  	p0 =	seq.s32 s10, $0x1;
	s10 =	sld [smem:$0x3FBA];
	_ =	sdelay $0x3  }
0x34: {  	[smem:$0x3FBA] =	sst s10  }
0x35: {  	s10 =	sld [smem:$0x3FB9];
	_ =	sdelay $0x3  }
0x36: {  	p1 =	seq.s32 s10, $0x1;
	s10 =	sld [smem:$0x3FBA];
	_ =	sdelay $0x3  }
0x37: {  	[smem:$0x3FBA] =	sst s10  }
0x38: {  	s10 =	sld [smem:$0x3FBB]  }
0x39: {  	_ = 	snop;
	(pc) =	sbr.ind lr, $3  }
0x3a: {  	_ = 	snop  }
0x3b: {  	_ = 	snop  }
0x3c: {  	p2 =	seq.s32 s10, $0x1;
	s10 =	sld [smem:$0x3FBA]  }
0x3d: {  	_ =	shalt  }
0x3e: {  	_ =	shalt  }
0x3f: {  	_ =	shalt  }
0x40: {  	_ =	shalt  }
0x41: {  	_ =	shalt  }
0x42: {  	_ =	shalt  }
0x43: {  	_ =	shalt  }
0x44: {  	_ =	shalt  }
0x45: {  	_ =	shalt  }
0x46: {  	_ =	shalt  }
0x47: {  	_ =	shalt  }
0x48: {  	_ =	shalt  }
0x49: {  	_ =	shalt  }
0x4a: {  	_ =	shalt  }
0x4b: {  	_ =	shalt  }
0x4c: {  	_ =	shalt  }
0x4d: {  	_ =	shalt  }
0x4e: {  	_ =	shalt  }
0x4f: {  	_ =	shalt  }
0x50: {  	_ =	shalt  }
0x51: {  	_ =	shalt  }
0x52: {  	_ =	shalt  }
0x53: {  	_ =	shalt  }
0x54: {  	_ =	shalt  }
0x55: {  	_ =	shalt  }
0x56: {  	_ =	shalt  }
0x57: {  	_ =	shalt  }
0x58: {  	_ =	shalt  }
0x59: {  	_ =	shalt  }
0x5a: {  	_ =	shalt  }
0x5b: {  	_ =	shalt  }
0x5c: {  	_ =	shalt  }
0x5d: {  	_ =	shalt  }
0x5e: {  	_ =	shalt  }
0x5f: {  	_ =	shalt  }
0x60: {  	_ =	shalt  }
0x61: {  	_ =	shalt  }
0x62: {  	_ =	shalt  }
0x63: {  	_ =	shalt  }
0x64: {  	_ =	shalt  }
0x65: {  	_ =	shalt  }
0x66: {  	_ =	shalt  }
0x67: {  	_ =	shalt  }
0x68: {  	_ =	shalt  }
0x69: {  	_ =	shalt  }
0x6a: {  	_ =	shalt  }
0x6b: {  	_ =	shalt  }
0x6c: {  	_ =	shalt  }
0x6d: {  	_ =	shalt  }
0x6e: {  	_ =	shalt  }
0x6f: {  	_ =	shalt  }
0x70: {  	_ =	shalt  }
0x71: {  	_ =	shalt  }
0x72: {  	_ =	shalt  }
0x73: {  	_ =	shalt  }
0x74: {  	_ =	shalt  }
0x75: {  	_ =	shalt  }
0x76: {  	_ =	shalt  }
0x77: {  	_ =	shalt  }
0x78: {  	_ =	shalt  }
0x79: {  	_ =	shalt  }
0x7a: {  	_ =	shalt  }
0x7b: {  	_ =	shalt  }
0x7c: {  	_ =	shalt  }
0x7d: {  	_ =	shalt  }
0x7e: {  	_ =	shalt  }
0x7f: {  	_ =	shalt  }
0x80: {  	_ =	shalt  }
0x81: {  	_ =	shalt  }
0x82: {  	_ =	shalt  }
0x83: {  	_ =	shalt  }
0x84: {  	_ =	shalt  }
0x85: {  	_ =	shalt  }
0x86: {  	_ =	shalt  }
0x87: {  	_ =	shalt  }
.Lfunc_end0:
.L_simem_size_0:
called_computation_lowered:
.L_overlay_start_0:
0x88: {  	s2 =	sld [smem:$0x3FD9]  }
0x89: {  	s3 =	sld [smem:$0x3FFE];
	_ =	sdelay $0x1  }
0x8a: {  	s1 =	srdreg.scid  }
0x8b: {  	s0 =	sand.u32 $0x1, s1  }
0x8c: {  	s17 =	sshll.u32 s0, $0xA;
	s2 =	sadd.s32 s3, s2  }
0x8d: {  	s2 =	sadd.s32 s2, s17  }
0x8e: {  	[smem:$0x3FC6] =	sst s2  }
0x8f: {  	_ = 	snop  }
0x90: {  	s2 =	sld [smem:$0x3FD0];
	(tm) =	ssettm $0x1  }
0x91: {  	s18 =	sld [smem:$0x3FFB];
	_ =	sdelay $0x3  }
0x92: {  	_ =	strace s18  }
0x93: {  	s3 =	sld [smem:$0x3FFC];
	_ =	sdelay $0x3  }
0x94: {  	_ =	strace s3  }
0x95: {  	s3 =	sld [smem:$0x3FFD];
	_ =	sdelay $0x3  }
0x96: {  	_ =	strace s3  }
0x97: {  	_ =	strace $0x8FFFFFFF  }
0x98: {  	s19 =	sld [smem:$0x3FDB];
	_ =	sdelay $0x1  }
0x99: {  	s4 =	simm.s32 $_scs_section_size  }
0x9a: {  	s5 =	simm.s32 $_size__tile_overlayer_lowered;
	s6 =	simm.s32 $_tile_overlayer_lowered  }
0x9b: {  	s22 =	simm.s32 $0x1BFF;
	s21 =	sshll.u32 s6, $0x1;
	s3 =	sadd.s32 s4, s19  }
0x9c: {  	s7 =	simm.s32 $0x0;
	s20 =	sshll.u32 s5, $0x1;
	s5 =	sadd.s32 s21, s3  }
0x9d: {  	[timem:s7], [sflag:s22] =	dma.local [hbm:s5], s20  }
0x9e: {  	_ =	swait.ge [sflag:s22], s20  }
0x9f: {  	s4 =	ssub.s32 $0x0, s20;
	[sflag:s22] =	ssyncset.done $0x0  }
0xa0: {  	[sflag:s22] =	ssyncadd.s32 s4;
	_ =	sdelay $0x1  }
0xa1: {  	s23 =	simm.s32 $0x1B8B  }
0xa2: {  	_ =	swait.ge [sflag:s23], $0x1  }
0xa3: {  	[sflag:s23] =	ssyncset.done $0x0  }
0xa4: {  	s25 =	simm.s32 $0x1B8E;
	s24 =	sld [smem:$0x3FFE];
	[sflag:s23] =	ssyncadd.s32 $0xFFFFFFFF  }
0xa5: {  	s26 =	simm.s32 $execute0_lowered;
	[smem:$0x3FD2] =	sst s25  }
0xa6: {  	s5 =	sshll.u32 s26, $0x1;
	_ =	strace $0x80000046;
	[dreg:$0x1] =	wrdreg $0xFFFFFFFF  }
0xa7: {  	s28 =	simm.s32 $_size_execute0_lowered;
	s3 =	sadd.s32 s3, s5;
	[dreg:$0x0] =	wrdreg $0x0  }
0xa8: {  	s5 =	sshll.u32 s28, $0x1;
	[dreg:$0x2] =	wrdreg s3  }
0xa9: {  	[dreg:$0x3] =	wrdreg s5  }
0xaa: {  	[dreg:$0x4] =	wrdreg $0xC0  }
0xab: {  	_ =	task [dreg:s7], $0x5FFFF  }
0xac: {  	[dreg:$0x1] =	wrdreg $0xFFFFFFFF  }
0xad: {  	[dreg:$0x0] =	wrdreg $0x60  }
0xae: {  	[dreg:$0x2] =	wrdreg s24  }
0xaf: {  	[dreg:$0x3] =	wrdreg s2  }
0xb0: {  	[dreg:$0x4] =	wrdreg $0x9  }
0xb1: {  	_ =	task.clear_ibuf [dreg:s7], $0x5FFFF;
	_ =	strace $0x90000046  }
0xb2: {  	s29 =	simm.s32 $0x9;
	_ =	strace $0x80000048  }
0xb3: {  	_ =	swait.ge [sflag:s29], $0x1  }
0xb4: {  	[sflag:s29] =	ssyncadd.s32 $0xFFFFFFFF  }
0xb5: {  	_ =	strace $0x90000048  }
0xb6: {  	_ =	sfence  }
0xb7: {  	s30 =	sld [smem:$0x0];
	_ =	sdelay $0x2  }
0xb8: {  	s31 =	sshll.u32 s1, $0xD;
	s1 =	sshrl.u32 s1, $0x2  }
0xb9: {  	s3 =	sand.u32 $0x4000, s31;
	s1 =	sadd.s32 s1, s30  }
0xba: {  	s0 =	sor.u32 s3, s0;
	s1 =	sshll.u32 s1, $0x11  }
0xbb: {  	s0 =	sor.u32 s1, s0  }
0xbc: {  	s0 =	sadd.s32 $0x8F2B, s0  }
0xbd: {  	[sflag:s0] =	ssyncadd.remote.s32 $0x1  }
0xbe: {  	_ =	sfence.sel $0xFFFF  }
0xbf: {  	[dreg:$0x0] =	wrdreg $0xFFFFFFFF;
	(pc) =	sbr.abs _section_cstart, $3  }
0xc0: {  	[dreg:$0x1] =	wrdreg $0xFFFFFFFF  }
0xc1: {  	_ =	task.clear_ibuf [dreg:s7], $0x2FFFF;
	_ =	strace $0x9FFFFFFF  }
0xc2: {  	(tm) =	ssettm $0x7FFFFFFF  }
0xc3: {  	_ =	shalt  }
tec
execute0_lowered:
.L_overlay_start_1:
0x0: {  	(tag) =	ssettag $0x1  }
0x1: {  	s1 =	stileid.u32  }
0x2: {  	p0 =	sgt.u32 s1, $0x3  }
.Ltmp0:
0x3: {  	_ = 	snop;
	(pc) =	sbr.rel @p0 .LBB2_3-.Ltmp0, $4  }
0x4: {  	s4 =	rddreg [dreg:$0x0]  }
0x5: {  	s3 =	rddreg [dreg:$0x1];
	s2 =	simm.s32 $0x0  }
0x6: {  	[smem:$0x7FF] =	sst s2  }
0x7: {  	s0 =	rddreg [dreg:$0x2];
	_ =	strace $0x80000047  }
0x8: {  	s5 =	srdreg.scid  }
0x9: {  	s6 =	sadd.s32 $0xE00, s4;
	s7 =	sshll.u32 s1, $0x1;
	s30 =	sadd.s32 $0x1600, s4  }
0xa: {  	s10 =	simm.s32 $0x1;
	s11 =	simm.s32 $0x2;
	s5 =	sand.u32 $0x1, s5  }
0xb: {  	s12 =	simm.s32 $0x1000;
	s7 =	sor.u32 s5, s7;
	s5 =	ssub.s32 $0x2, s5  }
0xc: {  	s13 =	simm.s32 $0x3;
	s8 =	sshll.u32 s7, $0x5;
	s9 =	sshrl.u32 s5, $0x1  }
0xd: {  	s7 =	sshll.u32 s7, $0x7;
	s3 =	sadd.s32 s3, s8;
	s31 =	ssub.s32 s5, s9  }
0xe: {  	s4 =	sadd.s32 s30, s7;
	s5 =	sadd.s32 s6, s7;
	s7 =	simm.s32 $0x400  }
0xf: {  	s8 =	simm.s32 $0x2000;
	s9 =	simm.s32 $0x800;
	s6 =	smax.u32 s31, $0x1  }
.LBB2_2:
0x10: {  	[tilespmem:s2], [sflag:$0x1] =	stream.strided.gather [hbm4b:s5+s7], $0x800, s8, s7, $0x38;
	[tilespmem:$0x1100] =	vst v63  }
0x11: {  	_ = 	snop  }
0x12: {  	[tilespmem:s9], [sflag:$0x2] =	stream.strided.gather [hbm4b:s4+s7], $0x800, s8, s7, $0x38;
	[tilespmem:$0x1100] =	vst v63  }
0x13: {  	_ =	swait.ge [sflag:s10], $0x800  }
0x14: {  	[sflag:s10] =	ssyncset.done $0x0  }
0x15: {  	[sflag:s10] =	ssyncadd.s32 $0xFFFFF800  }
0x16: {  	_ =	swait.ge [sflag:s11], $0x800  }
0x17: {  	[sflag:s11] =	ssyncset.done $0x0  }
0x18: {  	[sflag:s11] =	ssyncadd.s32 $0xFFFFF800  }
0x19: {  	v37 =	vld [tilespmem:$0x0]  }
0x1a: {  	v54 =	vld [tilespmem:$0x800]  }
0x1b: {  	v46 =	vld [tilespmem:$0x80]  }
0x1c: {  	v49 =	vld [tilespmem:$0x880]  }
0x1d: {  	v47 =	vld [tilespmem:$0x100]  }
0x1e: {  	v52 =	vld [tilespmem:$0x900]  }
0x1f: {  	v4 =	vld [tilespmem:$0x180]  }
0x20: {  	v56 =	vld [tilespmem:$0x980]  }
0x21: {  	v5 =	vld [tilespmem:$0x200]  }
0x22: {  	v60 =	vld [tilespmem:$0xA00]  }
0x23: {  	v24 =	vld [tilespmem:$0x280]  }
0x24: {  	v0 =	vld [tilespmem:$0xA80]  }
0x25: {  	v28 =	vld [tilespmem:$0x300]  }
0x26: {  	v21 =	vld [tilespmem:$0xB00]  }
0x27: {  	v30 =	vld [tilespmem:$0x380]  }
0x28: {  	v22 =	vld [tilespmem:$0xB80]  }
0x29: {  	v36 =	vld [tilespmem:$0x400]  }
0x2a: {  	v23 =	vld [tilespmem:$0xC00]  }
0x2b: {  	v32 =	vld [tilespmem:$0x480]  }
0x2c: {  	v25 =	vld [tilespmem:$0xC80]  }
0x2d: {  	v33 =	vld [tilespmem:$0x500]  }
0x2e: {  	v26 =	vld [tilespmem:$0xD00]  }
0x2f: {  	v38 =	vld [tilespmem:$0x580]  }
0x30: {  	v27 =	vld [tilespmem:$0xD80]  }
0x31: {  	v31 =	vld [tilespmem:$0x600]  }
0x32: {  	v29 =	vld [tilespmem:$0xE00]  }
0x33: {  	v20 =	vld [tilespmem:$0x680]  }
0x34: {  	v34 =	vld [tilespmem:$0xE80]  }
0x35: {  	v35 =	vld [tilespmem:$0xF00]  }
0x36: {  	v59 =	vld [tilespmem:$0x780]  }
0x37: {  	v39 =	vld [tilespmem:$0xF80]  }
0x38: {  	v1 =	vld [tilespmem:$0x10]  }
0x39: {  	v40 =	vld [tilespmem:$0x810]  }
0x3a: {  	v2 =	vld [tilespmem:$0x890]  }
0x3b: {  	v3 =	vld [tilespmem:$0x910]  }
0x3c: {  	v6 =	vld [tilespmem:$0x990]  }
0x3d: {  	v7 =	vld [tilespmem:$0xA10]  }
0x3e: {  	v8 =	vld [tilespmem:$0xA90]  }
0x3f: {  	v9 =	vld [tilespmem:$0xB10]  }
0x40: {  	v10 =	vld [tilespmem:$0x390]  }
0x41: {  	v41 =	vld [tilespmem:$0xB90]  }
0x42: {  	v13 =	vld [tilespmem:$0x410]  }
0x43: {  	v42 =	vld [tilespmem:$0xC10]  }
0x44: {  	v14 =	vld [tilespmem:$0x490]  }
0x45: {  	v43 =	vld [tilespmem:$0xC90]  }
0x46: {  	v18 =	vld [tilespmem:$0x510]  }
0x47: {  	v44 =	vld [tilespmem:$0xD10]  }
0x48: {  	v45 =	vld [tilespmem:$0xD90]  }
0x49: {  	v48 =	vld [tilespmem:$0xE10]  }
0x4a: {  	v50 =	vld [tilespmem:$0xE90]  }
0x4b: {  	v51 =	vld [tilespmem:$0xF10]  }
0x4c: {  	v53 =	vld [tilespmem:$0x790]  }
0x4d: {  	v55 =	vld [tilespmem:$0xF90]  }
0x4e: {  	v11 =	vld [tilespmem:$0x20]  }
0x4f: {  	v57 =	vld [tilespmem:$0x820]  }
0x50: {  	v12 =	vld [tilespmem:$0x8A0]  }
0x51: {  	v15 =	vld [tilespmem:$0x920]  }
0x52: {  	v16 =	vld [tilespmem:$0x9A0]  }
0x53: {  	v17 =	vld [tilespmem:$0x220]  }
0x54: {  	v58 =	vld [tilespmem:$0xA20]  }
0x55: {  	v61 =	vld [tilespmem:$0xAA0]  }
0x56: {  	v62 =	vld [tilespmem:$0xB20]  }
0x57: {  	v63 =	vld [tilespmem:$0xBA0]  }
0x58: {  	v19 =	vld [tilespmem:$0x30]  }
0x59: {  	[tilespmem:$0x1FAF0] =	vst v25;
	v25 =	vld [tilespmem:$0x700]  }
0x5a: {  	[tilespmem:$0x1FAB0] =	vst v0;
	v0 =	vld [tilespmem:$0x90]  }
0x5b: {  	[tilespmem:$0x1FB70] =	vst v2;
	v2 =	vld [tilespmem:$0x110]  }
0x5c: {  	[tilespmem:$0x1FB80] =	vst v3;
	v3 =	vld [tilespmem:$0x190]  }
0x5d: {  	[tilespmem:$0x1FBA0] =	vst v6;
	v6 =	vld [tilespmem:$0x210]  }
0x5e: {  	[tilespmem:$0x1FBB0] =	vst v7;
	v7 =	vld [tilespmem:$0x290]  }
0x5f: {  	[tilespmem:$0x1FBC0] =	vst v8;
	v8 =	vld [tilespmem:$0x310]  }
0x60: {  	[tilespmem:$0x1FAD0] =	vst v22;
	v22 =	vld [tilespmem:$0x590]  }
0x61: {  	[tilespmem:$0x1FB30] =	vst v34;
	v34 =	vld [tilespmem:$0x610]  }
0x62: {  	[tilespmem:$0x1FB20] =	vst v29;
	v29 =	vld [tilespmem:$0x690]  }
0x63: {  	[tilespmem:$0x1FBF0] =	vst v41;
	v41 =	vld [tilespmem:$0x710]  }
0x64: {  	[tilespmem:$0x1FBE0] =	vst v9;
	v9 =	vld [tilespmem:$0xA0]  }
0x65: {  	[tilespmem:$0x1FC90] =	vst v12;
	v12 =	vld [tilespmem:$0x120]  }
0x66: {  	[tilespmem:$0x1FCB0] =	vst v15;
	v15 =	vld [tilespmem:$0x1A0]  }
0x67: {  	[tilespmem:$0x1FAE0] =	vst v23;
	v23 =	vld [tilespmem:$0x2A0]  }
0x68: {  	[tilespmem:$0x1FB10] =	vst v27;
	v27 =	vld [tilespmem:$0x320]  }
0x69: {  	[tilespmem:$0x1FB50] =	vst v39;
	v39 =	vld [tilespmem:$0x3A0]  }
0x6a: {  	[tilespmem:$0x1FC00] =	vst v42;
	v42 =	vld [tilespmem:$0x420]  }
0x6b: {  	[tilespmem:$0x1FAC0] =	vst v21;
	v21 =	vld [tilespmem:$0xC20]  }
0x6c: {  	[tilespmem:$0x1FC20] =	vst v44;
	v44 =	vld [tilespmem:$0x4A0]  }
0x6d: {  	[tilespmem:$0x1FB00] =	vst v26;
	v26 =	vld [tilespmem:$0xCA0]  }
0x6e: {  	[tilespmem:$0x1FC40] =	vst v48;
	v48 =	vld [tilespmem:$0x520]  }
0x6f: {  	[tilespmem:$0x1FB40] =	vst v35;
	v35 =	vld [tilespmem:$0xD20]  }
0x70: {  	[tilespmem:$0x1FC60] =	vst v51;
	v51 =	vld [tilespmem:$0x5A0]  }
0x71: {  	[tilespmem:$0x1FB60] =	vst v40;
	v40 =	vld [tilespmem:$0xDA0]  }
0x72: {  	[tilespmem:$0x1FCE0] =	vst v61;
	v61 =	vld [tilespmem:$0x620]  }
0x73: {  	[tilespmem:$0x1FC10] =	vst v43;
	v43 =	vld [tilespmem:$0xE20]  }
0x74: {  	[tilespmem:$0x1FC70] =	vst v55;
	v55 =	vld [tilespmem:$0x6A0]  }
0x75: {  	[tilespmem:$0x1FC30] =	vst v45;
	v45 =	vld [tilespmem:$0xEA0]  }
0x76: {  	[tilespmem:$0x1FD00] =	vst v63;
	v63 =	vld [tilespmem:$0x720]  }
0x77: {  	[tilespmem:$0x1FC50] =	vst v50;
	v50 =	vld [tilespmem:$0xF20]  }
0x78: {  	[tilespmem:$0x1FBD0] =	vst v53;
	v53 =	vld [tilespmem:$0x7A0]  }
0x79: {  	[tilespmem:$0x1FC80] =	vst v57;
	v57 =	vld [tilespmem:$0xFA0]  }
0x7a: {  	[tilespmem:$0x1FCD0] =	vst v58;
	v58 =	vld [tilespmem:$0x830]  }
0x7b: {  	[tilespmem:$0x1FCC0] =	vst v16;
	v16 =	vld [tilespmem:$0xB0]  }
0x7c: {  	[tilespmem:$0x1FCF0] =	vst v62;
	v62 =	vld [tilespmem:$0xDB0];
	vm0 =	vlt.f32 v46, v37  }
0x7d: {  	v37 =	vsel vm0, v46, v37;
	v46 =	vld [tilespmem:$0x6B0]  }
0x7e: {  	v49 =	vsel vm0, v49, v54;
	v54 =	vld [tilespmem:$0xB40];
	vm1 =	vlt.f32 v47, v37  }
0x7f: {  	v37 =	vsel vm1, v47, v37;
	v47 =	vld [tilespmem:$0x730]  }
0x80: {  	[tilespmem:$0x1FD20] =	vst v21;
	v21 =	vld [tilespmem:$0x8B0]  }
0x81: {  	[tilespmem:$0x1FD30] =	vst v26;
	v26 =	vld [tilespmem:$0x930]  }
0x82: {  	[tilespmem:$0x1FEB0] =	vst v62;
	v62 =	vld [tilespmem:$0x630]  }
0x83: {  	[tilespmem:$0x1FD40] =	vst v35;
	v35 =	vld [tilespmem:$0x9B0]  }
0x84: {  	[tilespmem:$0x1FD50] =	vst v40;
	v40 =	vld [tilespmem:$0xA30]  }
0x85: {  	[tilespmem:$0x1FD60] =	vst v43;
	v43 =	vld [tilespmem:$0xAB0]  }
0x86: {  	[tilespmem:$0x1FE50] =	vst v45;
	v45 =	vld [tilespmem:$0xB30]  }
0x87: {  	[tilespmem:$0x1FDC0] =	vst v62;
	v62 =	vld [tilespmem:$0xE30]  }
0x88: {  	[tilespmem:$0x1FE70] =	vst v50;
	v50 =	vld [tilespmem:$0xBB0]  }
0x89: {  	[tilespmem:$0x1FD10] =	vst v53;
	v53 =	vld [tilespmem:$0xC30]  }
0x8a: {  	[tilespmem:$0x1FE90] =	vst v57;
	v57 =	vld [tilespmem:$0xCB0]  }
0x8b: {  	[tilespmem:$0x1FD70] =	vst v58;
	v58 =	vld [tilespmem:$0xD30]  }
0x8c: {  	vm4 =	vlt.f32 v4, v37;
	[tilespmem:$0x1FEC0] =	vst v62;
	v62 =	vld [tilespmem:$0xEB0]  }
0x8d: {  	v4 =	vsel vm4, v4, v37;
	v37 =	vld [tilespmem:$0x40];
	vm9 =	vlt.f32 v0, v1  }
0x8e: {  	vm7 =	vlt.f32 v5, v4;
	v0 =	vsel vm9, v0, v1;
	[tilespmem:$0x1FF50] =	vst v54;
	v54 =	vld [tilespmem:$0x540]  }
0x8f: {  	v4 =	vsel vm7, v5, v4;
	vm2 =	vlt.f32 v2, v0;
	v5 =	vld [tilespmem:$0x9C0]  }
0x90: {  	v0 =	vsel vm2, v2, v0;
	v2 =	vsel vm1, v52, v49;
	v49 =	vld [tilespmem:$0x4C0]  }
0x91: {  	[tilespmem:$0x1FEF0] =	vst v62;
	v62 =	vld [tilespmem:$0xF30]  }
0x92: {  	vm10 =	vlt.f32 v24, v4;
	v52 =	vld [tilespmem:$0x1FB00]  }
0x93: {  	v4 =	vsel vm10, v24, v4;
	v24 =	vld [tilespmem:$0xC0]  }
0x94: {  	v2 =	vsel vm4, v56, v2;
	v56 =	vld [tilespmem:$0xBC0]  }
0x95: {  	[tilespmem:$0x1FD80] =	vst v21;
	v21 =	vld [tilespmem:$0x130]  }
0x96: {  	[tilespmem:$0x1FF10] =	vst v62;
	v62 =	vld [tilespmem:$0x7B0]  }
0x97: {  	[tilespmem:$0x1FDA0] =	vst v26;
	v26 =	vld [tilespmem:$0x1B0]  }
0x98: {  	[tilespmem:$0x1FDD0] =	vst v35;
	v35 =	vld [tilespmem:$0x230]  }
0x99: {  	[tilespmem:$0x1FDF0] =	vst v40;
	v40 =	vld [tilespmem:$0x2B0]  }
0x9a: {  	[tilespmem:$0x1FE00] =	vst v43;
	v43 =	vld [tilespmem:$0x330]  }
0x9b: {  	[tilespmem:$0x1FE40] =	vst v62;
	v62 =	vld [tilespmem:$0xFB0]  }
0x9c: {  	[tilespmem:$0x1FE10] =	vst v45;
	v45 =	vld [tilespmem:$0x3B0]  }
0x9d: {  	[tilespmem:$0x1FE20] =	vst v50;
	v50 =	vld [tilespmem:$0x430]  }
0x9e: {  	[tilespmem:$0x1FE30] =	vst v53;
	v53 =	vld [tilespmem:$0x4B0]  }
0x9f: {  	[tilespmem:$0x1FE60] =	vst v57;
	v57 =	vld [tilespmem:$0x530]  }
0xa0: {  	vm3 =	vlt.f32 v3, v0;
	[tilespmem:$0x1FFF0] =	vst v62;
	v62 =	vld [tilespmem:$0x840]  }
0xa1: {  	[tilespmem:$0x1FE80] =	vst v58;
	v58 =	vld [tilespmem:$0x5B0];
	v0 =	vsel vm3, v3, v0  }
0xa2: {  	vm11 =	vlt.f32 v28, v4;
	v2 =	vsel vm7, v60, v2;
	v60 =	vld [tilespmem:$0x1FAB0];
	vm5 =	vlt.f32 v6, v0  }
0xa3: {  	v4 =	vsel vm11, v28, v4;
	v28 =	vld [tilespmem:$0x140];
	v0 =	vsel vm5, v6, v0  }
0xa4: {  	[tilespmem:$0x1FF20] =	vst v5;
	v5 =	vld [tilespmem:$0xAC0];
	vm6 =	vlt.f32 v7, v0  }
0xa5: {  	v0 =	vsel vm6, v7, v0;
	[tilespmem:$0x1FED0] =	vst v62;
	v62 =	vld [tilespmem:$0x8C0]  }
0xa6: {  	v6 =	vld [tilespmem:$0x1FAC0];
	vm8 =	vlt.f32 v8, v0  }
0xa7: {  	vm12 =	vlt.f32 v30, v4;
	v0 =	vsel vm8, v8, v0;
	v8 =	vld [tilespmem:$0xCC0]  }
0xa8: {  	v4 =	vsel vm12, v30, v4;
	v30 =	vld [tilespmem:$0x1C0]  }
0xa9: {  	v7 =	vld [tilespmem:$0x1FAD0]  }
0xaa: {  	v2 =	vsel vm10, v60, v2;
	vm10 =	vlt.f32 v10, v0;
	[tilespmem:$0x1FEE0] =	vst v62;
	v62 =	vld [tilespmem:$0x940]  }
0xab: {  	v0 =	vsel vm10, v10, v0;
	v10 =	vld [tilespmem:$0x1FAE0]  }
0xac: {  	[tilespmem:$0x1FF80] =	vst v8;
	v8 =	vld [tilespmem:$0xE40]  }
0xad: {  	v2 =	vsel vm11, v6, v2;
	v6 =	vld [tilespmem:$0x1FB20]  }
0xae: {  	vm13 =	vlt.f32 v36, v4;
	[tilespmem:$0x1FF40] =	vst v5;
	v5 =	vld [tilespmem:$0xD0]  }
0xaf: {  	v2 =	vsel vm12, v7, v2;
	vm12 =	vlt.f32 v13, v0;
	v7 =	vld [tilespmem:$0x1FB30];
	[tilespmem:$0x1FF00] =	vst v62;
	v62 =	vimm.s32 $0x0  }
0xb0: {  	v0 =	vsel vm12, v13, v0;
	v13 =	vld [tilespmem:$0x1FB70];
	v1 =	vsel vm2, $0xFFFFFFFF, v62;
	v62 =	vsel vm13, v36, v4  }
0xb1: {  	v2 =	vsel vm13, v10, v2;
	v10 =	vld [tilespmem:$0x1FB50];
	[tilespmem:$0x1FFB0] =	vst v8;
	vm14 =	vlt.f32 v32, v62  }
0xb2: {  	v8 =	vld [tilespmem:$0x1FBF0];
	[tilespmem:$0x1FB90] =	vst v1;
	v1 =	vsel vm14, v32, v62  }
0xb3: {  	v62 =	vld [tilespmem:$0xC40];
	vm15 =	vlt.f32 v33, v1  }
0xb4: {  	v36 =	vld [tilespmem:$0x240];
	v1 =	vsel vm15, v33, v1  }
0xb5: {  	v4 =	vld [tilespmem:$0xA40];
	vm0 =	vlt.f32 v38, v1  }
0xb6: {  	v32 =	vld [tilespmem:$0x2C0];
	v1 =	vsel vm0, v38, v1  }
0xb7: {  	v33 =	vld [tilespmem:$0x340];
	vm1 =	vlt.f32 v31, v1  }
0xb8: {  	[tilespmem:$0x1FF70] =	vst v62;
	v62 =	vld [tilespmem:$0xDC0];
	v1 =	vsel vm1, v31, v1  }
0xb9: {  	v38 =	vld [tilespmem:$0x3C0];
	vm2 =	vlt.f32 v20, v1  }
0xba: {  	v1 =	vsel vm2, v20, v1;
	v20 =	vld [tilespmem:$0x1FAF0]  }
0xbb: {  	v31 =	vld [tilespmem:$0x440];
	vm7 =	vlt.f32 v25, v1  }
0xbc: {  	v1 =	vsel vm7, v25, v1;
	v25 =	vld [tilespmem:$0xD40]  }
0xbd: {  	[tilespmem:$0x1FFA0] =	vst v62;
	v62 =	vld [tilespmem:$0xFC0]  }
0xbe: {  	vm11 =	vlt.f32 v59, v1;
	v59 =	vld [tilespmem:$0x1FB10]  }
0xbf: {  	v1 =	vsel vm14, v20, v2;
	v20 =	vld [tilespmem:$0x1FBA0]  }
0xc0: {  	vm14 =	vlt.f32 v14, v0;
	v1 =	vsel vm15, v52, v1;
	v52 =	vld [tilespmem:$0x5C0]  }
0xc1: {  	v0 =	vsel vm14, v14, v0;
	vm15 =	vlt.f32 v9, v11;
	v14 =	vld [tilespmem:$0x1FB80]  }
0xc2: {  	v60 =	vsel vm15, v9, v11;
	v9 =	vld [tilespmem:$0x1FB40]  }
0xc3: {  	[tilespmem:$0x1FF60] =	vst v56;
	v11 =	vld [tilespmem:$0xEC0]  }
0xc4: {  	v56 =	vimm.s32 $0x0;
	[tilespmem:$0x1FF90] =	vst v25;
	v25 =	vld [tilespmem:$0x7C0]  }
0xc5: {  	v2 =	vsel vm15, $0xFFFFFFFF, v56;
	v56 =	vld [tilespmem:$0x1FBD0]  }
0xc6: {  	vm15 =	vlt.f32 v18, v0;
	v1 =	vsel vm0, v59, v1;
	v59 =	vld [tilespmem:$0x640]  }
0xc7: {  	v0 =	vsel vm15, v18, v0;
	vm4 =	vlt.f32 v12, v60;
	v18 =	vld [tilespmem:$0xF40]  }
0xc8: {  	[tilespmem:$0x1FCA0] =	vst v2;
	v1 =	vsel vm1, v6, v1;
	v2 =	vsel vm4, v12, v60;
	v12 =	vld [tilespmem:$0x1FB60]  }
0xc9: {  	v1 =	vsel vm2, v7, v1;
	vm2 =	vlt.f32 v22, v0;
	v7 =	vld [tilespmem:$0x1FBE0]  }
0xca: {  	v0 =	vsel vm2, v22, v0;
	v22 =	vld [tilespmem:$0x740]  }
0xcb: {  	v3 =	vsel vm7, v9, v1;
	vm7 =	vlt.f32 v15, v2;
	v1 =	vld [tilespmem:$0x6C0]  }
0xcc: {  	vm1 =	vlt.f32 v34, v0;
	v2 =	vsel vm7, v15, v2;
	v15 =	vld [tilespmem:$0x1FB90]  }
0xcd: {  	v0 =	vsel vm1, v34, v0;
	v34 =	vld [tilespmem:$0x1FBC0]  }
0xce: {  	v60 =	vsel vm11, v10, v3;
	v10 =	vld [tilespmem:$0x1FC00]  }
0xcf: {  	[tilespmem:$0x1FFE0] =	vst v18;
	v18 =	vld [tilespmem:$0x1FC50]  }
0xd0: {  	v3 =	vsel vm9, v13, v12;
	vm9 =	vlt.f32 v17, v2;
	vm0 =	vlt.f32 v29, v0;
	v12 =	vld [tilespmem:$0x1FC10]  }
0xd1: {  	v2 =	vsel vm9, v17, v2;
	v0 =	vsel vm0, v29, v0;
	v29 =	vld [tilespmem:$0x1FBB0]  }
0xd2: {  	v17 =	vld [tilespmem:$0x1FC40];
	vm11 =	vlt.f32 v23, v2  }
0xd3: {  	v2 =	vsel vm11, v23, v2;
	v23 =	vld [tilespmem:$0x850]  }
0xd4: {  	vm13 =	vnez.u8 v15;
	v15 =	vld [tilespmem:$0x1FC30]  }
0xd5: {  	v3 =	vsel vm13, v14, v3;
	vm13 =	vlt.f32 v27, v2;
	v14 =	vld [tilespmem:$0x1FC20]  }
0xd6: {  	v3 =	vsel vm3, v20, v3;
	v2 =	vsel vm13, v27, v2;
	v27 =	vld [tilespmem:$0x1FC80]  }
0xd7: {  	vm3 =	vlt.f32 v41, v0;
	v3 =	vsel vm5, v29, v3;
	v29 =	vld [tilespmem:$0x250]  }
0xd8: {  	v0 =	vsel vm3, v41, v0;
	v41 =	vld [tilespmem:$0x1FCB0]  }
0xd9: {  	[tilespmem:$0x1FF30] =	vst v4;
	v4 =	vsel vm6, v34, v3;
	v3 =	vld [tilespmem:$0x50]  }
0xda: {  	vm6 =	vlt.f32 v56, v0;
	v56 =	vld [tilespmem:$0x150]  }
0xdb: {  	v34 =	vld [tilespmem:$0x950];
	v0 =	vsel vm8, v7, v4;
	vm8 =	vlt.f32 v16, v19  }
0xdc: {  	[tilespmem:$0x1FFC0] =	vst v11;
	v9 =	vimm.s32 $0x0;
	v11 =	vsel vm8, v16, v19;
	v19 =	vld [tilespmem:$0x1FC60]  }
0xdd: {  	v0 =	vsel vm10, v8, v0;
	v4 =	vsel vm8, $0xFFFFFFFF, v9;
	v9 =	vld [tilespmem:$0xAD0]  }
0xde: {  	vm10 =	vlt.f32 v39, v2;
	[tilespmem:$0x1FD90] =	vst v4;
	v4 =	vsel vm12, v10, v0;
	v0 =	vld [tilespmem:$0x8D0]  }
0xdf: {  	v2 =	vsel vm10, v39, v2;
	vm5 =	vlt.f32 v21, v11;
	v39 =	vld [tilespmem:$0x1FCA0]  }
0xe0: {  	v6 =	vsel vm5, v21, v11;
	v21 =	vld [tilespmem:$0x1D0]  }
0xe1: {  	v4 =	vsel vm14, v12, v4;
	vm14 =	vlt.f32 v42, v2;
	v12 =	vld [tilespmem:$0xC50]  }
0xe2: {  	v2 =	vsel vm14, v42, v2;
	v42 =	vld [tilespmem:$0x1FCC0]  }
0xe3: {  	v13 =	vimm.s32 $0x0;
	v4 =	vsel vm15, v14, v4;
	vm8 =	vlt.f32 v26, v6;
	v14 =	vld [tilespmem:$0xCD0]  }
0xe4: {  	v16 =	vimm.s32 $0x0;
	v7 =	vsel vm5, $0xFFFFFFFF, v13;
	v6 =	vsel vm8, v26, v6;
	v26 =	vld [tilespmem:$0x1FC70]  }
0xe5: {  	[tilespmem:$0x1FDB0] =	vst v7;
	v7 =	vsel vm8, $0xFFFFFFFF, v16;
	v16 =	vld [tilespmem:$0x1FCF0]  }
0xe6: {  	v4 =	vsel vm2, v15, v4;
	[tilespmem:$0x1FDE0] =	vst v7;
	v7 =	vld [tilespmem:$0x9D0]  }
0xe7: {  	v4 =	vsel vm1, v17, v4;
	vm5 =	vlt.f32 v35, v6;
	v17 =	vld [tilespmem:$0x2D0]  }
0xe8: {  	[tilespmem:$0x1FFD0] =	vst v25;
	vm15 =	vlt.f32 v44, v2;
	v25 =	vsel vm5, v35, v6;
	v6 =	vld [tilespmem:$0xA50]  }
0xe9: {  	v2 =	vsel vm15, v44, v2;
	v35 =	vld [tilespmem:$0x1FC90]  }
0xea: {  	v4 =	vsel vm0, v18, v4;
	vm2 =	vlt.f32 v48, v2;
	v18 =	vld [tilespmem:$0x1FD00]  }
0xeb: {  	vm12 =	vnez.u8 v39;
	v39 =	vld [tilespmem:$0x1FD20];
	v20 =	vsel vm2, v48, v2  }
0xec: {  	v48 =	vld [tilespmem:$0x1FCD0];
	vm1 =	vlt.f32 v51, v20  }
0xed: {  	v4 =	vsel vm3, v19, v4;
	v8 =	vsel vm1, v51, v20;
	v20 =	vld [tilespmem:$0x350]  }
0xee: {  	v2 =	vsel vm6, v26, v4;
	vm6 =	vlt.f32 v40, v25;
	v51 =	vld [tilespmem:$0x1FCE0]  }
0xef: {  	v40 =	vsel vm6, v40, v25;
	vm0 =	vlt.f32 v61, v8;
	v25 =	vld [tilespmem:$0x1FD10]  }
0xf0: {  	v44 =	vsel vm0, v61, v8;
	v8 =	vld [tilespmem:$0xB50]  }
0xf1: {  	v4 =	vsel vm12, v35, v27;
	v27 =	vld [tilespmem:$0x3D0]  }
0xf2: {  	vm8 =	vlt.f32 v43, v40;
	v35 =	vld [tilespmem:$0x450]  }
0xf3: {  	v4 =	vsel vm4, v41, v4;
	v10 =	vsel vm8, v43, v40;
	v40 =	vld [tilespmem:$0x1FD30]  }
0xf4: {  	v4 =	vsel vm7, v42, v4;
	vm12 =	vlt.f32 v45, v10;
	v42 =	vld [tilespmem:$0x1FD40]  }
0xf5: {  	vm7 =	vlt.f32 v55, v44;
	v61 =	vsel vm12, v45, v10;
	v10 =	vld [tilespmem:$0xBD0]  }
0xf6: {  	v11 =	vsel vm7, v55, v44;
	v44 =	vld [tilespmem:$0x1FD50]  }
0xf7: {  	v4 =	vsel vm9, v48, v4;
	v48 =	vld [tilespmem:$0x1FD60]  }
0xf8: {  	vm9 =	vlt.f32 v24, v37;
	v55 =	vld [tilespmem:$0x1FDA0]  }
0xf9: {  	v43 =	vsel vm9, v24, v37;
	v24 =	vld [tilespmem:$0x550]  }
0xfa: {  	v4 =	vsel vm11, v51, v4;
	v51 =	vld [tilespmem:$0x1FD80]  }
0xfb: {  	vm11 =	vlt.f32 v50, v61;
	v37 =	vld [tilespmem:$0x1FE00]  }
0xfc: {  	v19 =	vsel vm11, v50, v61;
	v50 =	vld [tilespmem:$0x1FD70]  }
0xfd: {  	vm4 =	vlt.f32 v63, v11;
	v61 =	vld [tilespmem:$0x1FDD0]  }
0xfe: {  	v11 =	vsel vm4, v63, v11;
	v63 =	vld [tilespmem:$0x1FDE0]  }
0xff: {  	v4 =	vsel vm13, v16, v4;
	vm13 =	vlt.f32 v25, v11;
	v25 =	vld [tilespmem:$0x5D0]  }
0x100: {  	v4 =	vsel vm10, v18, v4;
	v18 =	vld [tilespmem:$0xE50]  }
0x101: {  	vm10 =	vlt.f32 v28, v43;
	v4 =	vsel vm14, v39, v4;
	v39 =	vld [tilespmem:$0x4D0]  }
0x102: {  	v26 =	vimm.s32 $0x0;
	v13 =	vsel vm10, v28, v43;
	v28 =	vld [tilespmem:$0x650]  }
0x103: {  	v11 =	vsel vm13, $0xFFFFFFFF, v26;
	v26 =	vld [tilespmem:$0x6D0]  }
0x104: {  	v43 =	vld [tilespmem:$0x1FE20]  }
0x105: {  	vm13 =	vlt.f32 v53, v19;
	[tilespmem:$0x1FEA0] =	vst v11;
	v11 =	vld [tilespmem:$0xD50]  }
0x106: {  	v41 =	vsel vm13, v53, v19;
	v53 =	vld [tilespmem:$0x1FD90]  }
0x107: {  	v4 =	vsel vm15, v40, v4;
	v40 =	vld [tilespmem:$0x1FE10];
	vm15 =	vlt.f32 v57, v41  }
0x108: {  	v45 =	vsel vm15, v57, v41;
	v41 =	vld [tilespmem:$0xDD0]  }
0x109: {  	v4 =	vsel vm2, v42, v4;
	v57 =	vld [tilespmem:$0x1FDB0]  }
0x10a: {  	v4 =	vsel vm1, v44, v4;
	v44 =	vld [tilespmem:$0x1FE30];
	vm2 =	vlt.f32 v58, v45  }
0x10b: {  	v15 =	vsel vm2, v58, v45;
	v58 =	vld [tilespmem:$0x1FDC0]  }
0x10c: {  	v45 =	vld [tilespmem:$0x1FE40]  }
0x10d: {  	vm14 =	vnez.u8 v53;
	v53 =	vld [tilespmem:$0x1FE90]  }
0x10e: {  	v16 =	vsel vm14, v51, v50;
	v50 =	vld [tilespmem:$0x1FE70]  }
0x10f: {  	vm14 =	vlt.f32 v30, v13;
	v51 =	vld [tilespmem:$0x1FE80]  }
0x110: {  	v13 =	vsel vm14, v30, v13;
	v30 =	vld [tilespmem:$0x1FDF0]  }
0x111: {  	v4 =	vsel vm0, v48, v4;
	vm0 =	vnez.u8 v57;
	v57 =	vld [tilespmem:$0x1FEB0]  }
0x112: {  	v16 =	vsel vm0, v55, v16;
	v55 =	vld [tilespmem:$0x1FEA0]  }
0x113: {  	vm0 =	vnez.u8 v63;
	v63 =	vld [tilespmem:$0x1FEE0]  }
0x114: {  	vm1 =	vlt.f32 v58, v15;
	v16 =	vsel vm0, v61, v16;
	v61 =	vld [tilespmem:$0x1FED0]  }
0x115: {  	vm3 =	vlt.f32 v36, v13;
	v15 =	vsel vm1, v58, v15;
	v58 =	vld [tilespmem:$0x1FEC0]  }
0x116: {  	v13 =	vsel vm3, v36, v13;
	vm0 =	vlt.f32 v46, v15;
	v16 =	vsel vm5, v30, v16;
	v30 =	vld [tilespmem:$0xED0]  }
0x117: {  	v15 =	vsel vm0, v46, v15;
	vm5 =	vlt.f32 v32, v13;
	v46 =	vld [tilespmem:$0x1FE50]  }
0x118: {  	v42 =	vsel vm5, v32, v13;
	v13 =	vld [tilespmem:$0x750]  }
0x119: {  	v16 =	vsel vm6, v37, v16;
	vm6 =	vlt.f32 v47, v15;
	v37 =	vld [tilespmem:$0x860]  }
0x11a: {  	v15 =	vsel vm6, v47, v15;
	v47 =	vld [tilespmem:$0x1FE60]  }
0x11b: {  	v16 =	vsel vm8, v40, v16;
	v40 =	vld [tilespmem:$0x8E0]  }
0x11c: {  	vm8 =	vlt.f32 v33, v42;
	v32 =	vsel vm12, v43, v16;
	v16 =	vld [tilespmem:$0xF50]  }
0x11d: {  	v19 =	vsel vm8, v33, v42;
	v42 =	vld [tilespmem:$0x160]  }
0x11e: {  	v43 =	vld [tilespmem:$0x960]  }
0x11f: {  	v36 =	vsel vm11, v44, v32;
	v32 =	vld [tilespmem:$0x7D0]  }
0x120: {  	vm11 =	vlt.f32 v45, v15;
	v15 =	vld [tilespmem:$0xFD0]  }
0x121: {  	v44 =	vld [tilespmem:$0x1FEF0]  }
0x122: {  	v45 =	vld [tilespmem:$0x1FF00]  }
0x123: {  	v4 =	vsel vm7, v46, v4;
	v46 =	vld [tilespmem:$0x1FF10]  }
0x124: {  	vm7 =	vlt.f32 v38, v19;
	v4 =	vsel vm4, v50, v4;
	v50 =	vld [tilespmem:$0x1FF50]  }
0x125: {  	v19 =	vsel vm7, v38, v19;
	v38 =	vsel vm9, v63, v61;
	v61 =	vld [tilespmem:$0x1FFF0];
	v48 =	vsel vm13, v47, v36  }
0x126: {  	v36 =	vld [tilespmem:$0x60];
	vm13 =	vnez.u8 v55;
	v33 =	vsel vm15, v51, v48;
	vm15 =	vlt.f32 v31, v19  }
0x127: {  	v47 =	vld [tilespmem:$0x1FF20];
	v4 =	vsel vm13, v53, v4;
	v19 =	vsel vm15, v31, v19  }
0x128: {  	v48 =	vld [tilespmem:$0x1FF30];
	v33 =	vsel vm2, v57, v33;
	v38 =	vsel vm10, v45, v38;
	vm10 =	vlt.f32 v49, v19  }
0x129: {  	v31 =	vld [tilespmem:$0xE0];
	v33 =	vsel vm1, v58, v33;
	vm1 =	vlt.f32 v5, v3;
	v19 =	vsel vm10, v49, v19  }
0x12a: {  	v33 =	vsel vm0, v44, v33;
	v49 =	vld [tilespmem:$0x1FF40];
	v3 =	vsel vm1, v5, v3;
	vm12 =	vlt.f32 v54, v19  }
0x12b: {  	v51 =	vld [tilespmem:$0x1FF60];
	v0 =	vsel vm1, v0, v23;
	v33 =	vsel vm6, v46, v33;
	v19 =	vsel vm12, v54, v19  }
0x12c: {  	v44 =	vld [tilespmem:$0x1E0];
	v38 =	vsel vm14, v47, v38;
	vm2 =	vlt.f32 v56, v3;
	vm13 =	vlt.f32 v52, v19  }
0x12d: {  	v38 =	vsel vm3, v48, v38;
	v3 =	vsel vm2, v56, v3;
	v19 =	vsel vm13, v52, v19;
	v52 =	vld [tilespmem:$0x1FF70]  }
0x12e: {  	v53 =	vld [tilespmem:$0x1FF80];
	v0 =	vsel vm2, v34, v0;
	vm0 =	vlt.f32 v31, v36;
	vm14 =	vlt.f32 v59, v19  }
0x12f: {  	v54 =	vld [tilespmem:$0x1FF90];
	v36 =	vsel vm0, v31, v36;
	v38 =	vsel vm5, v49, v38;
	v19 =	vsel vm14, v59, v19  }
0x130: {  	v55 =	vld [tilespmem:$0x1FFA0];
	vm1 =	vlt.f32 v42, v36;
	v5 =	vsel vm8, v50, v38;
	vm9 =	vlt.f32 v1, v19  }
0x131: {  	v58 =	vld [tilespmem:$0x1FFD0];
	v5 =	vsel vm7, v51, v5;
	v51 =	vsel vm1, v42, v36;
	v1 =	vsel vm9, v1, v19  }
0x132: {  	v56 =	vld [tilespmem:$0x1FFB0];
	vm2 =	vlt.f32 v44, v51;
	v5 =	vsel vm15, v52, v5;
	vm15 =	vlt.f32 v21, v3  }
0x133: {  	v57 =	vld [tilespmem:$0x1FFC0];
	v5 =	vsel vm10, v53, v5;
	v3 =	vsel vm15, v21, v3;
	vm10 =	vlt.f32 v22, v1  }
0x134: {  	v59 =	vld [tilespmem:$0x1FFE0];
	v0 =	vsel vm15, v7, v0;
	v5 =	vsel vm12, v54, v5;
	vm4 =	vlt.f32 v29, v3  }
0x135: {  	v45 =	vld [tilespmem:$0x260];
	v1 =	vsel vm10, v22, v1;
	v5 =	vsel vm13, v55, v5;
	v3 =	vsel vm4, v29, v3  }
0x136: {  	v46 =	vld [tilespmem:$0xA60];
	vm12 =	vlt.f32 v58, v1;
	v0 =	vsel vm4, v6, v0;
	vm6 =	vlt.f32 v17, v3  }
0x137: {  	v47 =	vld [tilespmem:$0xAE0];
	v6 =	vsel vm2, v44, v51;
	v5 =	vsel vm14, v56, v5;
	v17 =	vsel vm6, v17, v3  }
0x138: {  	v21 =	vld [tilespmem:$0x2E0];
	v5 =	vsel vm9, v57, v5;
	v0 =	vsel vm6, v9, v0;
	vm13 =	vlt.f32 v20, v17  }
0x139: {  	v48 =	vld [tilespmem:$0xBE0];
	v1 =	vsel vm10, v59, v5;
	v5 =	vsel vm11, v61, v33;
	v63 =	vsel vm13, v20, v17  }
0x13a: {  	v19 =	vld [tilespmem:$0x360];
	v3 =	vsel vm12, v62, v1;
	v0 =	vsel vm13, v8, v0;
	vm14 =	vlt.f32 v27, v63  }
0x13b: {  	v34 =	vld [tilespmem:$0x870];
	vm13 =	vlt.f32 v45, v6;
	v62 =	vsel vm0, v40, v37;
	v1 =	vsel vm14, v27, v63  }
0x13c: {  	v38 =	vld [tilespmem:$0x9E0];
	v6 =	vsel vm13, v45, v6;
	v0 =	vsel vm14, v10, v0;
	vm15 =	vlt.f32 v35, v1  }
0x13d: {  	v22 =	vld [tilespmem:$0x3E0];
	v1 =	vsel vm15, v35, v1;
	v0 =	vsel vm15, v12, v0;
	vm15 =	vlt.f32 v21, v6  }
0x13e: {  	v31 =	vld [tilespmem:$0x70];
	vm4 =	vlt.s32 v5, $0x1;
	vm11 =	vlt.f32 v39, v1;
	v6 =	vsel vm15, v21, v6  }
0x13f: {  	v49 =	vld [tilespmem:$0x4E0];
	v1 =	vsel vm11, v39, v1;
	v0 =	vsel vm11, v14, v0;
	vm9 =	vlt.f32 v19, v6  }
0x140: {  	v33 =	vld [tilespmem:$0x460];
	v39 =	vshra.s32 v60, $0x1F;
	vm12 =	vlt.f32 v24, v1;
	v6 =	vsel vm9, v19, v6  }
0x141: {  	v50 =	vld [tilespmem:$0xCE0];
	v19 =	vsel vm1, v43, v62;
	v1 =	vsel vm12, v24, v1;
	v0 =	vsel vm12, v11, v0  }
0x142: {  	v36 =	vld [tilespmem:$0xF0];
	vm11 =	vlt.f32 v22, v6;
	v19 =	vsel vm2, v38, v19;
	v24 =	vshra.s32 v4, $0x1F  }
0x143: {  	v29 =	vld [tilespmem:$0xB60];
	vm14 =	vlt.f32 v25, v1;
	v6 =	vsel vm11, v22, v6;
	v19 =	vsel vm13, v46, v19  }
0x144: {  	v42 =	vld [tilespmem:$0x1F0];
	v14 =	vshrl.u32 v24, $0x1A;
	v1 =	vsel vm14, v25, v1;
	v0 =	vsel vm14, v41, v0  }
0x145: {  	v52 =	vld [tilespmem:$0x560];
	vm12 =	vlt.f32 v33, v6;
	v41 =	vshrl.u32 v39, $0x1A;
	v14 =	vadd.s32 v14, v4  }
0x146: {  	v53 =	vld [tilespmem:$0xD60];
	vm8 =	vlt.f32 v28, v1;
	v6 =	vsel vm12, v33, v6;
	v33 =	vsel vm15, v47, v19  }
0x147: {  	v54 =	vld [tilespmem:$0x5E0];
	v9 =	vadd.s32 v41, v60;
	v41 =	vshra.s32 v3, $0x1F;
	v1 =	vsel vm8, v28, v1  }
0x148: {  	v55 =	vld [tilespmem:$0xDE0];
	v0 =	vsel vm8, v18, v0;
	vm14 =	vlt.f32 v49, v6;
	v35 =	vsel vm9, v29, v33  }
0x149: {  	v58 =	vld [tilespmem:$0x6E0];
	v9 =	vshra.s32 v9, $0x6;
	v29 =	vshra.s32 v5, $0x1F;
	vm10 =	vlt.f32 v26, v1  }
0x14a: {  	v37 =	vld [tilespmem:$0x8F0];
	v6 =	vsel vm14, v49, v6;
	v47 =	vshll.u32 v9, $0x6;
	v49 =	vshra.s32 v2, $0x1F  }
0x14b: {  	v38 =	vld [tilespmem:$0x170];
	v12 =	vshrl.u32 v29, $0x1A;
	v1 =	vsel vm10, v26, v1;
	v0 =	vsel vm10, v30, v0  }
0x14c: {  	v56 =	vld [tilespmem:$0x660];
	vm8 =	vlt.f32 v52, v6;
	vm10 =	vlt.f32 v36, v31;
	vm13 =	vlt.f32 v13, v1  }
0x14d: {  	v20 =	vld [tilespmem:$0xC60];
	v12 =	vadd.s32 v12, v5;
	v6 =	vsel vm8, v52, v6;
	v1 =	vsel vm13, v13, v1  }
0x14e: {  	v44 =	vld [tilespmem:$0x270];
	v0 =	vsel vm13, v16, v0;
	vm9 =	vlt.f32 v54, v6;
	v13 =	vsel vm10, v36, v31  }
0x14f: {  	v40 =	vld [tilespmem:$0x970];
	v16 =	vsel vm10, v37, v34;
	vm15 =	vlt.f32 v32, v1;
	v1 =	vsel vm11, v48, v35  }
0x150: {  	v51 =	vld [tilespmem:$0xB70];
	v6 =	vsel vm9, v54, v6;
	vm13 =	vlt.f32 v38, v13;
	v32 =	vand.u32 $0xFFFFFFC0, v14  }
0x151: {  	v57 =	vld [tilespmem:$0xE60];
	v35 =	vand.u32 $0xFFFFFFC0, v12;
	v14 =	vshra.s32 v14, $0x6;
	v12 =	vshra.s32 v12, $0x6  }
0x152: {  	v43 =	vld [tilespmem:$0x9F0];
	v0 =	vsel vm15, v15, v0;
	v1 =	vsel vm12, v20, v1;
	vm11 =	vlt.f32 v56, v6  }
0x153: {  	v59 =	vld [tilespmem:$0xEE0];
	vm12 =	vlt.s32 v60, $0x1;
	v13 =	vsel vm13, v38, v13;
	v20 =	vshrl.u32 v49, $0x1A  }
0x154: {  	v61 =	vld [tilespmem:$0x760];
	v7 =	vsel vm13, v40, v16;
	v1 =	vsel vm14, v50, v1;
	v6 =	vsel vm11, v56, v6  }
0x155: {  	v45 =	vld [tilespmem:$0xA70];
	vm15 =	vlt.f32 v42, v13;
	v52 =	vadd.s32 v20, v2;
	v1 =	vsel vm8, v53, v1  }
0x156: {  	v46 =	vld [tilespmem:$0x2F0];
	vm14 =	vlt.f32 v58, v6;
	v8 =	vsel vm15, v42, v13;
	v20 =	vand.u32 $0xFFFFFFC0, v52  }
0x157: {  	v63 =	vld [tilespmem:$0xF60];
	v7 =	vsel vm15, v43, v7;
	v38 =	vshra.s32 v52, $0x6;
	v1 =	vsel vm9, v55, v1  }
0x158: {  	v50 =	vld [tilespmem:$0x370];
	v6 =	vsel vm14, v58, v6;
	vm8 =	vlt.f32 v44, v8;
	vm9 =	vne.s32 v60, v47  }
0x159: {  	v48 =	vld [tilespmem:$0xAF0];
	v1 =	vsel vm11, v57, v1;
	v8 =	vsel vm8, v44, v8;
	vm11 =	vne.s32 v2, v20  }
0x15a: {  	v53 =	vld [tilespmem:$0x3F0];
	vm1 =	vmand vm12, vm9;
	vm12 =	vlt.s32 v2, $0x1;
	v7 =	vsel vm8, v45, v7  }
0x15b: {  	v25 =	vld [tilespmem:$0xFE0];
	v44 =	vshra.s32 v0, $0x1F;
	v45 =	vand.u32 $0x3F, v60;
	vm10 =	vlt.f32 v46, v8  }
0x15c: {  	v55 =	vld [tilespmem:$0x470];
	v2 =	vand.u32 $0x3F, v2;
	v1 =	vsel vm14, v59, v1;
	v8 =	vsel vm10, v46, v8  }
0x15d: {  	v28 =	vld [tilespmem:$0x7E0];
	vm2 =	vmand vm12, vm11;
	vm14 =	vlt.f32 v61, v6;
	vm13 =	vlt.f32 v50, v8  }
0x15e: {  	v57 =	vld [tilespmem:$0x4F0];
	v6 =	vsel vm14, v61, v6;
	v1 =	vsel vm14, v63, v1;
	v8 =	vsel vm13, v50, v8  }
0x15f: {  	v54 =	vld [tilespmem:$0xBF0];
	v7 =	vsel vm10, v48, v7;
	v61 =	vimm.s32 $0x0;
	vm15 =	vlt.f32 v53, v8  }
0x160: {  	v59 =	vld [tilespmem:$0x570];
	vm10 =	vlt.s32 v4, $0x1;
	vm14 =	vne.s32 v5, v35;
	v8 =	vsel vm15, v53, v8  }
0x161: {  	v5 =	vand.u32 $0x3F, v5;
	v62 =	vsel vm1, $0xFFFFFFFF, v61;
	vm6 =	vlt.f32 v55, v8  }
0x162: {  	v23 =	vld [tilespmem:$0x5F0];
	vm7 =	vlt.f32 v28, v6;
	v27 =	vsel vm2, $0xFFFFFFFF, v61;
	v22 =	vsel vm6, v55, v8  }
0x163: {  	v33 =	vld [tilespmem:$0x770];
	vm5 =	vmand vm4, vm14;
	v7 =	vsel vm13, v51, v7;
	vm8 =	vlt.f32 v57, v22  }
0x164: {  	v28 =	vld [tilespmem:$0x670];
	v1 =	vsel vm7, v25, v1;
	v21 =	vsel vm15, v54, v7;
	v7 =	vsel vm8, v57, v22  }
0x165: {  	v30 =	vld [tilespmem:$0x6F0];
	vm13 =	vne.s32 v4, v32;
	v40 =	vsel vm5, $0xFFFFFFFF, v61;
	vm9 =	vlt.f32 v59, v7  }
0x166: {  	v56 =	vld [tilespmem:$0xC70];
	v9 =	vadd.s32 v62, v9;
	v10 =	vadd.s32 v27, v38;
	v7 =	vsel vm9, v59, v7  }
0x167: {  	v58 =	vld [tilespmem:$0xCF0];
	v4 =	vand.u32 $0x3F, v4;
	vm1 =	vmand vm10, vm13;
	vm11 =	vlt.f32 v23, v7  }
0x168: {  	v26 =	vld [tilespmem:$0xDF0];
	v12 =	vadd.s32 v40, v12;
	v49 =	vshra.s32 v1, $0x1F;
	v7 =	vsel vm11, v23, v7  }
0x169: {  	v63 =	vld [tilespmem:$0xD70];
	vm13 =	vlt.s32 v1, $0x1;
	v37 =	vsel vm1, $0xFFFFFFFF, v61;
	vm12 =	vlt.f32 v28, v7  }
0x16a: {  	v36 =	vld [tilespmem:$0x7F0];
	v11 =	vadd.s32 v37, v14;
	v8 =	vshrl.u32 v44, $0x1A;
	v7 =	vsel vm12, v28, v7  }
0x16b: {  	v31 =	vld [tilespmem:$0xE70];
	v6 =	vsel vm6, v56, v21;
	v8 =	vadd.s32 v8, v0;
	vm15 =	vlt.f32 v30, v7  }
0x16c: {  	v34 =	vld [tilespmem:$0xEF0];
	v6 =	vsel vm8, v58, v6;
	v46 =	vand.u32 $0xFFFFFFC0, v8;
	v7 =	vsel vm15, v30, v7  }
0x16d: {  	v39 =	vld [tilespmem:$0xF70];
	v50 =	vshra.s32 v8, $0x6;
	vm10 =	vne.s32 v0, v46;
	vm6 =	vlt.f32 v33, v7  }
0x16e: {  	v42 =	vld [tilespmem:$0xFF0];
	[tilespmem:$0x1080] =	vst v45;
	v6 =	vsel vm9, v63, v6;
	vm9 =	vlt.s32 v3, $0x1;
	v7 =	vsel vm6, v33, v7  }
0x16f: {  	[tilespmem:$0x1090] =	vst v2;
	v6 =	vsel vm11, v26, v6;
	vm7 =	vlt.f32 v36, v7;
	v7 =	vshrl.u32 v41, $0x1A  }
0x170: {  	[tilespmem:$0x10B0] =	vst v5;
	v59 =	vand.u32 $0x3F, v1;
	v6 =	vsel vm12, v31, v6;
	v7 =	vadd.s32 v7, v3  }
0x171: {  	[tilespmem:$0x1000] =	vst v9;
	vm11 =	vlt.s32 v0, $0x1;
	v6 =	vsel vm15, v34, v6;
	v43 =	vand.u32 $0xFFFFFFC0, v7  }
0x172: {  	[tilespmem:$0x1010] =	vst v10;
	v0 =	vand.u32 $0x3F, v0;
	v6 =	vsel vm6, v39, v6;
	vm8 =	vne.s32 v3, v43  }
0x173: {  	[tilespmem:$0x10A0] =	vst v4;
	v6 =	vsel vm7, v42, v6;
	v7 =	vshra.s32 v7, $0x6;
	vm0 =	vmand vm9, vm8  }
0x174: {  	[tilespmem:$0x1030] =	vst v12;
	v53 =	vshra.s32 v6, $0x1F;
	vm15 =	vlt.s32 v6, $0x1;
	v47 =	vsel vm0, $0xFFFFFFFF, v61  }
0x175: {  	[tilespmem:$0x1020] =	vst v11;
	v63 =	vand.u32 $0x3F, v6;
	v48 =	vadd.s32 v47, v7;
	v7 =	vshrl.u32 v49, $0x1A  }
0x176: {  	[tilespmem:$0x10E0] =	vst v59;
	v3 =	vand.u32 $0x3F, v3;
	v54 =	vshrl.u32 v53, $0x1A;
	v7 =	vadd.s32 v7, v1  }
0x177: {  	[tilespmem:$0x10D0] =	vst v0;
	v55 =	vadd.s32 v54, v6;
	vm0 =	vmand vm11, vm10;
	v52 =	vand.u32 $0xFFFFFFC0, v7  }
0x178: {  	[tilespmem:$0x10F0] =	vst v63;
	v5 =	vand.u32 $0xFFFFFFC0, v55;
	v51 =	vsel vm0, $0xFFFFFFFF, v61;
	vm12 =	vne.s32 v1, v52  }
0x179: {  	[tilespmem:$0x10C0] =	vst v3;
	vm14 =	vne.s32 v6, v5;
	v4 =	vadd.s32 v51, v50;
	vm0 =	vmand vm13, vm12  }
0x17a: {  	[tilespmem:$0x1040] =	vst v48;
	v56 =	vshra.s32 v7, $0x6;
	v57 =	vsel vm0, $0xFFFFFFFF, v61;
	vm0 =	vmand vm15, vm14  }
0x17b: {  	v60 =	vshra.s32 v55, $0x6;
	[tilespmem:$0x1050] =	vst v4;
	v58 =	vadd.s32 v57, v56;
	v61 =	vsel vm0, $0xFFFFFFFF, v61  }
0x17c: {  	p0 =	sne.s32 s6, $0x1;
	[tilespmem:$0x1060] =	vst v58;
	v62 =	vadd.s32 v61, v60  }
.Ltmp1:
0x17d: {  	[tilespmem:$0x1070] =	vst v62;
	(pc) =	sbr.rel @p0 .LBB2_2-.Ltmp1, $4  }
0x17e: {  	[hbm4b:s3+s2] =	stream.linear.scatter [tilespmem:s12], [sflag:$0x3], $0x100, $0x38;
	[tilespmem:$0x1100] =	vst v63  }
0x17f: {  	_ =	swait.ge [sflag:s13], $0x100  }
0x180: {  	[sflag:s13] =	ssyncset.done $0x0  }
0x181: {  	s6 =	sadd.s32 $0xFFFFFFFF, s6;
	[sflag:s13] =	ssyncadd.s32 $0xFFFFFF00  }
.LBB2_3:
0x182: {  	_ =	sfence.sel $0x180000  }
0x183: {  	[bflag:$0x0] =	sbarrier.arrive $0xFFFF  }
0x184: {  	p0 =	sne.s32 s1, $0x0;
	_ =	strace $0x90000047  }
0x185: {  	s0 =	sadd.s32 @!p0 $0x100000, s0;
	[bflag:$0x2] =	sbarrier.arrive $0xFFFF  }
0x186: {  	[sflag:s0] =	ssyncadd.tile.s32 @!p0 $0x1;
	_ =	shalt  }
.Lfunc_end2:
_tile_overlayer_lowered:
.L_overlay_start_2:
0x187: {  	(tag) =	ssettag $0x2  }
0x188: {  	s0 =	rddreg [dreg:$0x0];
	s2 =	stileid.u32  }
0x189: {  	s1 =	rddreg [dreg:$0x1];
	p0 =	sne.s32 s2, $0x0  }
0x18a: {  	s3 =	rddreg [dreg:$0x2];
	[bflag:$0x3] =	sbarrier.arrive $0xFFFF;
	s2 =	simm.s32 @!p0 $0x1C03  }
0x18b: {  	[timem:s3], [sflag:s2] =	dma.local @!p0 [hbm:s0], s1  }
0x18c: {  	s0 =	simm.s32 @!p0 $0x3  }
0x18d: {  	_ =	swait.ge @!p0 [sflag:s0], s1  }
0x18e: {  	s1 =	ssub.s32 @!p0 $0x0, s1;
	[sflag:s0] =	ssyncset.done @!p0 $0x0  }
0x18f: {  	[sflag:s0] =	ssyncadd.s32 @!p0 s1  }
0x190: {  	[bflag:$0x3] =	sbarrier.arrive $0xFFFF  }
0x191: {  	_ =	shalt  }

</sc_bundles>
